<compile_context>
chip_gen: v7x
topology: tpu7x:2x2x1
jax: 0.10.2.dev20260603
libtpu: 0.0.44.dev20260713+nightly
codegen_flags: <defaults>
</compile_context>

<pallas_src>
import functools

import jax
import jax.numpy as jnp
from jax import lax
from jax.experimental import pallas as pl
from jax.experimental.pallas import tpu as pltpu
from jax.experimental.pallas import tpu_sc as plsc

KNB = 20
NEG = -3.4e38
T1 = 256
T3 = 512


def _k1_body(x_ref, w_ref, idx_ref, a_ref, bv_ref):
    b = pl.program_id(0)
    t = pl.program_id(1)
    C = x_ref.shape[1]
    N = x_ref.shape[2]
    xb = x_ref[0]
    xt = x_ref[0, :, pl.ds(t * T1, T1)]

    mm = lax.dot_general(xt, xb, (((0,), (0,)), ((), ())),
                         preferred_element_type=jnp.float32)
    xx_row = jnp.sum(xb * xb, axis=0, keepdims=True)
    ones_c = jnp.ones((C, 1), jnp.float32)
    xx_col = lax.dot_general(xt * xt, ones_c, (((0,), (0,)), ((), ())),
                             preferred_element_type=jnp.float32)
    v = (2.0 * mm - xx_col) - xx_row

    iota_j = lax.broadcasted_iota(jnp.int32, (T1, N), 1)
    iota_k = lax.broadcasted_iota(jnp.int32, (T1, KNB), 1)
    idx_acc = jnp.zeros((T1, KNB), jnp.int32)
    for s in range(KNB):
        am = jnp.argmax(v, axis=1, keepdims=True).astype(jnp.int32)
        idx_acc = jnp.where(iota_k == s, am + b * N, idx_acc)
        v = jnp.where(iota_j == am, NEG, v)
    idx_ref[0] = idx_acc

    w1 = w_ref[:, :C]
    w2 = w_ref[:, C:]
    a_ref[0] = lax.dot_general(w1 - w2, xt, (((1,), (0,)), ((), ())),
                               preferred_element_type=jnp.float32)
    w2p = jnp.concatenate([w2, jnp.zeros((C, C), jnp.float32)], axis=0)
    bv_ref[0] = lax.dot_general(xt, w2p, (((0,), (1,)), ((), ())),
                                preferred_element_type=jnp.float32)


def _k1(x, W):
    B, C, N = x.shape
    return pl.pallas_call(
        _k1_body,
        grid=(B, N // T1),
        in_specs=[
            pl.BlockSpec((1, C, N), lambda b, t: (b, 0, 0)),
            pl.BlockSpec((C, 2 * C), lambda b, t: (0, 0)),
        ],
        out_specs=[
            pl.BlockSpec((1, T1, KNB), lambda b, t: (b, t, 0)),
            pl.BlockSpec((1, C, T1), lambda b, t: (b, 0, t)),
            pl.BlockSpec((1, T1, 2 * C), lambda b, t: (b, t, 0)),
        ],
        out_shape=[
            jax.ShapeDtypeStruct((B, N, KNB), jnp.int32),
            jax.ShapeDtypeStruct((B, C, N), jnp.float32),
            jax.ShapeDtypeStruct((B, N, 2 * C), jnp.float32),
        ],
    )(x, W)


def _k2(bvr, idx2):
    R, DP = bvr.shape
    C = DP // 2
    info = plsc.get_sparse_core_info()
    nc, ns = info.num_cores, info.num_subcores
    NW = nc * ns
    RPW = R // NW
    M2 = 32
    NCH = RPW // M2
    GR = M2 * KNB // 128
    NQ = C // 16
    IW = RPW * KNB // 128
    mesh = plsc.VectorSubcoreMesh(core_axis_name="c", subcore_axis_name="s")

    @functools.partial(
        pl.kernel,
        out_type=(
            jax.ShapeDtypeStruct((R, C), jnp.float32),
            jax.ShapeDtypeStruct((R, C), jnp.float32),
            jax.ShapeDtypeStruct((NW * 8, C), jnp.float32),
        ),
        mesh=mesh,
        scratch_types=[
            pltpu.VMEM((IW, 128), jnp.int32),
            pltpu.VMEM((M2 * KNB, DP), jnp.float32),
            pltpu.VMEM((M2, C), jnp.float32),
            pltpu.VMEM((M2, C), jnp.float32),
            pltpu.VMEM((8, C), jnp.float32),
            pltpu.SemaphoreType.DMA,
        ],
    )
    def k2(bvr_hbm, idx_hbm, mb_hbm, s1_hbm, sq_hbm,
           idx_v, rows_v, mbuf, sbuf, sqbuf, sem):
        wid = lax.axis_index("s") * nc + lax.axis_index("c")
        iota16 = lax.iota(jnp.int32, 16)
        pltpu.sync_copy(idx_hbm.at[pl.ds(wid * IW, IW)], idx_v)

        def chunk(ch, sq_carry):
            rbase = wid * RPW + ch * M2
            cps = [pltpu.async_copy(bvr_hbm.at[idx_v.at[ch * GR + g]],
                                    rows_v.at[pl.ds(g * 128, 128)], sem)
                   for g in range(GR)]
            for cp in cps:
                cp.wait()

            def nbody(nn, sqc):
                mx = [jnp.full((16,), NEG, jnp.float32) for _ in range(NQ)]
                s1 = [jnp.zeros((16,), jnp.float32) for _ in range(NQ)]
                sqc = list(sqc)
                for j in range(KNB):
                    for q in range(NQ):
                        vv = rows_v[nn * KNB + j, pl.ds(16 * q, 16)]
                        mx[q] = jnp.maximum(mx[q], vv)
                        s1[q] = s1[q] + vv
                        sqc[q] = sqc[q] + vv * vv
                for q in range(NQ):
                    mbuf[nn, pl.ds(16 * q, 16)] = mx[q]
                    sbuf[nn, pl.ds(16 * q, 16)] = s1[q]
                return tuple(sqc)

            sq_carry = lax.fori_loop(0, M2, nbody, sq_carry)
            pltpu.sync_copy(mbuf, mb_hbm.at[pl.ds(rbase, M2)])
            pltpu.sync_copy(sbuf, s1_hbm.at[pl.ds(rbase, M2)])
            return sq_carry

        sq = lax.fori_loop(0, NCH, chunk,
                           tuple(jnp.zeros((16,), jnp.float32)
                                 for _ in range(NQ)))
        zeros16 = jnp.zeros((16,), jnp.float32)
        for r in range(8):
            for q in range(NQ):
                sqbuf[r, pl.ds(16 * q, 16)] = sq[q] if r == 0 else zeros16
        pltpu.sync_copy(sqbuf, sq_hbm.at[pl.ds(wid * 8, 8)])

    return k2(bvr, idx2)


def _k3a_body(a_ref, s1_ref, sq_ref, acc_ref, scr_ref):
    b = pl.program_id(0)
    t = pl.program_id(1)
    C = a_ref.shape[1]
    NW = sq_ref.shape[0]
    iota_col = lax.broadcasted_iota(jnp.int32, (C, 128), 1)
    at_ = a_ref[0]

    @pl.when(jnp.logical_and(b == 0, t == 0))
    def _():
        ones_w = jnp.ones((NW, 1), jnp.float32)
        sq_tot = lax.dot_general(sq_ref[...], ones_w, (((0,), (0,)), ((), ())),
                                 preferred_element_type=jnp.float32)
        scr_ref[...] = jnp.where(iota_col == 4, sq_tot, 0.0)

    s1t = s1_ref[0]
    ones_t = jnp.ones((T3, 1), jnp.float32)
    sa = lax.dot_general(at_, ones_t, (((1,), (0,)), ((), ())),
                         preferred_element_type=jnp.float32)
    saa = lax.dot_general(at_ * at_, ones_t, (((1,), (0,)), ((), ())),
                          preferred_element_type=jnp.float32)
    ss1 = lax.dot_general(s1t, ones_t, (((0,), (0,)), ((), ())),
                          preferred_element_type=jnp.float32)
    prod = lax.dot_general(at_, s1t, (((1,), (0,)), ((), ())),
                           preferred_element_type=jnp.float32)
    eye = (lax.broadcasted_iota(jnp.int32, (C, C), 0) ==
           lax.broadcasted_iota(jnp.int32, (C, C), 1)).astype(jnp.float32)
    sas1 = jnp.sum(prod * eye, axis=1, keepdims=True)
    scr_ref[...] = (scr_ref[...]
                    + jnp.where(iota_col == 0, sa, 0.0)
                    + jnp.where(iota_col == 1, saa, 0.0)
                    + jnp.where(iota_col == 2, ss1, 0.0)
                    + jnp.where(iota_col == 3, sas1, 0.0))
    acc_ref[...] = scr_ref[...]


def _k3a(a, s1, sq):
    B, C, N = a.shape
    NW = sq.shape[0]
    return pl.pallas_call(
        _k3a_body,
        grid=(B, N // T3),
        in_specs=[
            pl.BlockSpec((1, C, T3), lambda b, t: (b, 0, t)),
            pl.BlockSpec((1, T3, C), lambda b, t: (b, t, 0)),
            pl.BlockSpec((NW, C), lambda b, t: (0, 0)),
        ],
        out_specs=pl.BlockSpec((C, 128), lambda b, t: (0, 0)),
        out_shape=jax.ShapeDtypeStruct((C, 128), jnp.float32),
        scratch_shapes=[pltpu.VMEM((C, 128), jnp.float32)],
    )(a, s1, sq)


def _k3b_body(a_ref, mb_ref, acc_ref, g_ref, bt_ref, out_ref):
    C = a_ref.shape[1]
    B = pl.num_programs(0)
    NT = pl.num_programs(1)
    cnt = float(B * NT * T3 * KNB)
    iota_col = lax.broadcasted_iota(jnp.int32, (C, 128), 1)
    at_ = a_ref[0]
    acc = acc_ref[...]
    col = lambda i: jnp.sum(jnp.where(iota_col == i, acc, 0.0),
                            axis=1, keepdims=True)
    sa, saa, ss1, sas1, sq_tot = (col(0), col(1), col(2), col(3), col(4))
    stot = KNB * sa + ss1
    sstot = KNB * saa + 2.0 * sas1 + sq_tot
    mean = stot / cnt
    var = sstot / cnt - mean * mean
    denom = jnp.sqrt(var + 1e-5)
    eye = (lax.broadcasted_iota(jnp.int32, (C, C), 0) ==
           lax.broadcasted_iota(jnp.int32, (C, C), 1)).astype(jnp.float32)
    mbT = lax.dot_general(eye, mb_ref[0], (((1,), (1,)), ((), ())),
                          preferred_element_type=jnp.float32)
    y = (at_ + mbT - mean) / denom * g_ref[...] + bt_ref[...]
    out_ref[0] = jnp.where(y > 0, y, 0.2 * y)


def _k3b(a, mb, acc, gcol, bcol):
    B, C, N = a.shape
    return pl.pallas_call(
        _k3b_body,
        grid=(B, N // T3),
        in_specs=[
            pl.BlockSpec((1, C, T3), lambda b, t: (b, 0, t)),
            pl.BlockSpec((1, T3, C), lambda b, t: (b, t, 0)),
            pl.BlockSpec((C, 128), lambda b, t: (0, 0)),
            pl.BlockSpec((C, 1), lambda b, t: (0, 0)),
            pl.BlockSpec((C, 1), lambda b, t: (0, 0)),
        ],
        out_specs=pl.BlockSpec((1, C, T3), lambda b, t: (b, 0, t)),
        out_shape=jax.ShapeDtypeStruct((B, C, N), jnp.float32),
    )(a, mb, acc, gcol, bcol)


def kernel(x, W, gamma, beta):
    B, C, N = x.shape
    idxf, a, bvt = _k1(x, W)
    bvr = bvt.reshape(B * N, 2 * C)
    idx2 = idxf.reshape(B * N * KNB // 128, 128)
    mb, s1, sq = _k2(bvr, idx2)
    acc = _k3a(a, s1.reshape(B, N, C), sq)
    out = _k3b(a, mb.reshape(B, N, C), acc,
               gamma.reshape(C, 1), beta.reshape(C, 1))
    return out

# --- scband reference (transcript-rebuilt; emitter-appended) ---
"""Pipeline reference for scband-edge-conv-block-73383811219650 (READ-ONLY COPY).

The authoritative reference and input builder live on the scoring server;
editing this copy changes nothing except your own understanding.
"""

import jax, jax.numpy as jnp
import numpy as np

K_NEIGHBORS = 20

def setup_inputs(seed: int = 0) -> dict:
    key = jax.random.key(seed)
    k1, k2 = jax.random.split(key, 2)
    x = jax.random.normal(k1, (4, 64, 4096), dtype=jnp.float32)
    # Conv2d(in_channels*2 -> out_channels, kernel 1, bias=False) is a pointwise matmul: W[C_out, 2C]
    W = jax.random.normal(k2, (64, 128), dtype=jnp.float32) * 0.05
    # BatchNorm2d affine params (module is in default training mode -> batch statistics)
    gamma = jnp.ones((64,), dtype=jnp.float32)
    beta = jnp.zeros((64,), dtype=jnp.float32)
    return {"x": x, "W": W, "gamma": gamma, "beta": beta}

def reference(x, W, gamma, beta):
    B, C, N = x.shape
    k = K_NEIGHBORS
    x_t = jnp.transpose(x, (0, 2, 1))                          # (B, N, C)
    inner = -2.0 * jnp.matmul(x_t, jnp.transpose(x_t, (0, 2, 1)))
    xx = jnp.sum(x_t ** 2, axis=2, keepdims=True)              # (B, N, 1)
    pairwise_dist = -xx - inner - jnp.transpose(xx, (0, 2, 1))  # (B, N, N)
    _, idx = jax.lax.top_k(pairwise_dist, k)                   # (B, N, k)
    # gather neighbors: neighbors[b, c, n, j] = x[b, c, idx[b, n, j]]
    neighbors = jax.vmap(lambda xb, ib: xb[:, ib])(x, idx)     # (B, C, N, k)
    x_exp = jnp.broadcast_to(x[:, :, :, None], (B, C, N, k))
    edge_features = jnp.concatenate([x_exp, neighbors - x_exp], axis=1)  # (B, 2C, N, k)
    out = jnp.einsum('oc,bcnk->bonk', W, edge_features)        # 1x1 conv, no bias
    # BatchNorm2d in training mode: normalize over (B, N, k) per channel
    mean = jnp.mean(out, axis=(0, 2, 3), keepdims=True)
    var = jnp.var(out, axis=(0, 2, 3), keepdims=True)
    out = (out - mean) / jnp.sqrt(var + 1e-5)
    out = out * gamma[None, :, None, None] + beta[None, :, None, None]
    out = jnp.where(out > 0, out, 0.2 * out)                   # LeakyReLU(0.2)
    return jnp.max(out, axis=-1)                               # (B, C_out, N)

if __name__ == "__main__":
    import jax
    _d = setup_inputs()
    print(jax.jit(kernel)(*tuple(_d.values())))

</pallas_src>

<mosaic_0001>
#map = affine_map<(d0, d1) -> (0, 0)>
module attributes {stable_mosaic.version = 14 : i64} {
  func.func @k2(%arg0: i32, %arg1: i32, %arg2: memref<16384x128xf32, #tpu.memory_space<hbm>>, %arg3: memref<2560x128xi32, #tpu.memory_space<hbm>>, %arg4: memref<16384x64xf32, #tpu.memory_space<hbm>>, %arg5: memref<16384x64xf32, #tpu.memory_space<hbm>>, %arg6: memref<256x64xf32, #tpu.memory_space<hbm>>, %arg7: memref<80x128xi32, #tpu.memory_space<vmem>>, %arg8: memref<640x128xf32, #tpu.memory_space<vmem>>, %arg9: memref<32x64xf32, #tpu.memory_space<vmem>>, %arg10: memref<32x64xf32, #tpu.memory_space<vmem>>, %arg11: memref<8x64xf32, #tpu.memory_space<vmem>>, %arg12: memref<!tpu.dma_semaphore, #tpu.memory_space<semaphore_mem>>) attributes {dimension_semantics = [#tpu.dimension_semantics<core_parallel>, #tpu.dimension_semantics<subcore_parallel>], iteration_bounds = array<i64: 2, 16>, scalar_prefetch = 0 : i64, scratch_operands = 6 : i64, tpu.core_type = #tpu.core_type<sc_vector_subcore>, window_params = [{transform_indices = #map}, {transform_indices = #map}, {transform_indices = #map}, {transform_indices = #map}, {transform_indices = #map}]} {
    %mul3A = arith.constant 2 : i32
    %mul3A_0 = arith.muli %arg1, %mul3A : i32
    %add3A = arith.addi %mul3A_0, %arg0 : i32
    %iota3A = tpu.iota {dimensions = array<i32: 0>} : vector<16xi32>
    %mul3A_1 = arith.constant 80 : i32
    %mul3A_2 = arith.muli %add3A, %mul3A_1 : i32
    "tpu.region"() ({
      %run_scoped3A = tpu.sem_alloc : memref<!tpu.dma_semaphore, #tpu.memory_space<semaphore_mem>>
      %dma_start3A = arith.constant 0 : i32
      %dma_start3A_210 = tpu.memref_slice %arg3[%mul3A_2, %dma_start3A] : memref<2560x128xi32, #tpu.memory_space<hbm>> -> memref<80x128xi32, #tpu.memory_space<hbm>>
      %dma_start3A_211 = arith.constant 0 : i32
      %dma_start3A_212 = tpu.memref_slice %arg3[%mul3A_2, %dma_start3A_211] : memref<2560x128xi32, #tpu.memory_space<hbm>> -> memref<80x128xi32, #tpu.memory_space<hbm>>
      tpu.enqueue_dma source(%dma_start3A_212 : memref<80x128xi32, #tpu.memory_space<hbm>>) target(%arg7 : memref<80x128xi32, #tpu.memory_space<vmem>>) target_semaphore(%run_scoped3A : memref<!tpu.dma_semaphore, #tpu.memory_space<semaphore_mem>>)
      %dma_wait3A = arith.constant 0 : i32
      %dma_wait3A_213 = tpu.memref_slice %arg3[%mul3A_2, %dma_wait3A] : memref<2560x128xi32, #tpu.memory_space<hbm>> -> memref<80x128xi32, #tpu.memory_space<hbm>>
      %dma_wait3A_214 = arith.constant 0 : i32
      %dma_wait3A_215 = tpu.memref_slice %arg3[%mul3A_2, %dma_wait3A_214] : memref<2560x128xi32, #tpu.memory_space<hbm>> -> memref<80x128xi32, #tpu.memory_space<hbm>>
      tpu.wait_dma2 semaphore(%run_scoped3A : memref<!tpu.dma_semaphore, #tpu.memory_space<semaphore_mem>>) src(%dma_wait3A_215 : memref<80x128xi32, #tpu.memory_space<hbm>>) dst(%arg7 : memref<80x128xi32, #tpu.memory_space<vmem>>)
      tpu.yield
    }) : () -> ()
    %broadcast_in_dim3A = arith.constant 0.000000e+00 : f32
    %broadcast_in_dim3A_3 = vector.broadcast %broadcast_in_dim3A : f32 to vector<16xf32>
    %broadcast_in_dim3A_4 = arith.constant 0.000000e+00 : f32
    %broadcast_in_dim3A_5 = vector.broadcast %broadcast_in_dim3A_4 : f32 to vector<16xf32>
    %broadcast_in_dim3A_6 = arith.constant 0.000000e+00 : f32
    %broadcast_in_dim3A_7 = vector.broadcast %broadcast_in_dim3A_6 : f32 to vector<16xf32>
    %broadcast_in_dim3A_8 = arith.constant 0.000000e+00 : f32
    %broadcast_in_dim3A_9 = vector.broadcast %broadcast_in_dim3A_8 : f32 to vector<16xf32>
    %scan3A = arith.constant 0 : i32
    %scan3A_10 = arith.constant 16 : i32
    %scan3A_11 = arith.addi %scan3A, %scan3A_10 : i32
    %scan3A_12 = arith.constant 1 : i32
    %scan3A_13:4 = scf.for %scan3A_210 = %scan3A to %scan3A_11 step %scan3A_12 iter_args(%scan3A_211 = %broadcast_in_dim3A_3, %scan3A_212 = %broadcast_in_dim3A_5, %scan3A_213 = %broadcast_in_dim3A_7, %scan3A_214 = %broadcast_in_dim3A_9) -> (vector<16xf32>, vector<16xf32>, vector<16xf32>, vector<16xf32>)  : i32 {
      %mul3A_215 = arith.constant 512 : i32
      %mul3A_216 = arith.muli %add3A, %mul3A_215 : i32
      %mul3A_217 = arith.constant 32 : i32
      %mul3A_218 = arith.muli %scan3A_210, %mul3A_217 : i32
      %add3A_219 = arith.addi %mul3A_216, %mul3A_218 : i32
      %mul3A_220 = arith.constant 5 : i32
      %mul3A_221 = arith.muli %scan3A_210, %mul3A_220 : i32
      %add3A_222 = arith.constant 0 : i32
      %add3A_223 = arith.addi %mul3A_221, %add3A_222 : i32
      %dma_start3A = arith.constant 0 : i32
      %dma_start3A_224 = arith.constant 0 : i32
      %dma_start3A_225 = tpu.memref_slice %arg8[%dma_start3A, %dma_start3A_224] : memref<640x128xf32, #tpu.memory_space<vmem>> -> memref<128x128xf32, #tpu.memory_space<vmem>>
      %dma_start3A_226 = arith.constant 0 : i32
      %dma_start3A_227 = tpu.memref_slice %arg7[%add3A_223, %dma_start3A_226] : memref<80x128xi32, #tpu.memory_space<vmem>> -> memref<1x128xi32, #tpu.memory_space<vmem>>
      %dma_start3A_228 = tpu.memref_squeeze %dma_start3A_227 : memref<1x128xi32, #tpu.memory_space<vmem>> -> memref<128xi32, #tpu.memory_space<vmem>>
      %dma_start3A_229 = arith.constant 0 : i32
      %dma_start3A_230 = arith.constant 0 : i32
      %dma_start3A_231 = tpu.memref_slice %arg2[%dma_start3A_229, %dma_start3A_230] : memref<16384x128xf32, #tpu.memory_space<hbm>> -> memref<16384x128xf32, #tpu.memory_space<hbm>>
      tpu.enqueue_indirect_dma source(%dma_start3A_231 : memref<16384x128xf32, #tpu.memory_space<hbm>>) target(%dma_start3A_225 : memref<128x128xf32, #tpu.memory_space<vmem>>) offsets(%dma_start3A_228 : memref<128xi32, #tpu.memory_space<vmem>>) semaphore(%arg12 : memref<!tpu.dma_semaphore, #tpu.memory_space<semaphore_mem>>)
      %mul3A_232 = arith.constant 5 : i32
      %mul3A_233 = arith.muli %scan3A_210, %mul3A_232 : i32
      %add3A_234 = arith.constant 1 : i32
      %add3A_235 = arith.addi %mul3A_233, %add3A_234 : i32
      %dma_start3A_236 = arith.constant 128 : i32
      %dma_start3A_237 = arith.constant 0 : i32
      %dma_start3A_238 = tpu.memref_slice %arg8[%dma_start3A_236, %dma_start3A_237] : memref<640x128xf32, #tpu.memory_space<vmem>> -> memref<128x128xf32, #tpu.memory_space<vmem>>
      %dma_start3A_239 = arith.constant 0 : i32
      %dma_start3A_240 = tpu.memref_slice %arg7[%add3A_235, %dma_start3A_239] : memref<80x128xi32, #tpu.memory_space<vmem>> -> memref<1x128xi32, #tpu.memory_space<vmem>>
      %dma_start3A_241 = tpu.memref_squeeze %dma_start3A_240 : memref<1x128xi32, #tpu.memory_space<vmem>> -> memref<128xi32, #tpu.memory_space<vmem>>
      %dma_start3A_242 = arith.constant 0 : i32
      %dma_start3A_243 = arith.constant 0 : i32
      %dma_start3A_244 = tpu.memref_slice %arg2[%dma_start3A_242, %dma_start3A_243] : memref<16384x128xf32, #tpu.memory_space<hbm>> -> memref<16384x128xf32, #tpu.memory_space<hbm>>
      tpu.enqueue_indirect_dma source(%dma_start3A_244 : memref<16384x128xf32, #tpu.memory_space<hbm>>) target(%dma_start3A_238 : memref<128x128xf32, #tpu.memory_space<vmem>>) offsets(%dma_start3A_241 : memref<128xi32, #tpu.memory_space<vmem>>) semaphore(%arg12 : memref<!tpu.dma_semaphore, #tpu.memory_space<semaphore_mem>>)
      %mul3A_245 = arith.constant 5 : i32
      %mul3A_246 = arith.muli %scan3A_210, %mul3A_245 : i32
      %add3A_247 = arith.constant 2 : i32
      %add3A_248 = arith.addi %mul3A_246, %add3A_247 : i32
      %dma_start3A_249 = arith.constant 256 : i32
      %dma_start3A_250 = arith.constant 0 : i32
      %dma_start3A_251 = tpu.memref_slice %arg8[%dma_start3A_249, %dma_start3A_250] : memref<640x128xf32, #tpu.memory_space<vmem>> -> memref<128x128xf32, #tpu.memory_space<vmem>>
      %dma_start3A_252 = arith.constant 0 : i32
      %dma_start3A_253 = tpu.memref_slice %arg7[%add3A_248, %dma_start3A_252] : memref<80x128xi32, #tpu.memory_space<vmem>> -> memref<1x128xi32, #tpu.memory_space<vmem>>
      %dma_start3A_254 = tpu.memref_squeeze %dma_start3A_253 : memref<1x128xi32, #tpu.memory_space<vmem>> -> memref<128xi32, #tpu.memory_space<vmem>>
      %dma_start3A_255 = arith.constant 0 : i32
      %dma_start3A_256 = arith.constant 0 : i32
      %dma_start3A_257 = tpu.memref_slice %arg2[%dma_start3A_255, %dma_start3A_256] : memref<16384x128xf32, #tpu.memory_space<hbm>> -> memref<16384x128xf32, #tpu.memory_space<hbm>>
      tpu.enqueue_indirect_dma source(%dma_start3A_257 : memref<16384x128xf32, #tpu.memory_space<hbm>>) target(%dma_start3A_251 : memref<128x128xf32, #tpu.memory_space<vmem>>) offsets(%dma_start3A_254 : memref<128xi32, #tpu.memory_space<vmem>>) semaphore(%arg12 : memref<!tpu.dma_semaphore, #tpu.memory_space<semaphore_mem>>)
      %mul3A_258 = arith.constant 5 : i32
      %mul3A_259 = arith.muli %scan3A_210, %mul3A_258 : i32
      %add3A_260 = arith.constant 3 : i32
      %add3A_261 = arith.addi %mul3A_259, %add3A_260 : i32
      %dma_start3A_262 = arith.constant 384 : i32
      %dma_start3A_263 = arith.constant 0 : i32
      %dma_start3A_264 = tpu.memref_slice %arg8[%dma_start3A_262, %dma_start3A_263] : memref<640x128xf32, #tpu.memory_space<vmem>> -> memref<128x128xf32, #tpu.memory_space<vmem>>
      %dma_start3A_265 = arith.constant 0 : i32
      %dma_start3A_266 = tpu.memref_slice %arg7[%add3A_261, %dma_start3A_265] : memref<80x128xi32, #tpu.memory_space<vmem>> -> memref<1x128xi32, #tpu.memory_space<vmem>>
      %dma_start3A_267 = tpu.memref_squeeze %dma_start3A_266 : memref<1x128xi32, #tpu.memory_space<vmem>> -> memref<128xi32, #tpu.memory_space<vmem>>
      %dma_start3A_268 = arith.constant 0 : i32
      %dma_start3A_269 = arith.constant 0 : i32
      %dma_start3A_270 = tpu.memref_slice %arg2[%dma_start3A_268, %dma_start3A_269] : memref<16384x128xf32, #tpu.memory_space<hbm>> -> memref<16384x128xf32, #tpu.memory_space<hbm>>
      tpu.enqueue_indirect_dma source(%dma_start3A_270 : memref<16384x128xf32, #tpu.memory_space<hbm>>) target(%dma_start3A_264 : memref<128x128xf32, #tpu.memory_space<vmem>>) offsets(%dma_start3A_267 : memref<128xi32, #tpu.memory_space<vmem>>) semaphore(%arg12 : memref<!tpu.dma_semaphore, #tpu.memory_space<semaphore_mem>>)
      %mul3A_271 = arith.constant 5 : i32
      %mul3A_272 = arith.muli %scan3A_210, %mul3A_271 : i32
      %add3A_273 = arith.constant 4 : i32
      %add3A_274 = arith.addi %mul3A_272, %add3A_273 : i32
      %dma_start3A_275 = arith.constant 512 : i32
      %dma_start3A_276 = arith.constant 0 : i32
      %dma_start3A_277 = tpu.memref_slice %arg8[%dma_start3A_275, %dma_start3A_276] : memref<640x128xf32, #tpu.memory_space<vmem>> -> memref<128x128xf32, #tpu.memory_space<vmem>>
      %dma_start3A_278 = arith.constant 0 : i32
      %dma_start3A_279 = tpu.memref_slice %arg7[%add3A_274, %dma_start3A_278] : memref<80x128xi32, #tpu.memory_space<vmem>> -> memref<1x128xi32, #tpu.memory_space<vmem>>
      %dma_start3A_280 = tpu.memref_squeeze %dma_start3A_279 : memref<1x128xi32, #tpu.memory_space<vmem>> -> memref<128xi32, #tpu.memory_space<vmem>>
      %dma_start3A_281 = arith.constant 0 : i32
      %dma_start3A_282 = arith.constant 0 : i32
      %dma_start3A_283 = tpu.memref_slice %arg2[%dma_start3A_281, %dma_start3A_282] : memref<16384x128xf32, #tpu.memory_space<hbm>> -> memref<16384x128xf32, #tpu.memory_space<hbm>>
      tpu.enqueue_indirect_dma source(%dma_start3A_283 : memref<16384x128xf32, #tpu.memory_space<hbm>>) target(%dma_start3A_277 : memref<128x128xf32, #tpu.memory_space<vmem>>) offsets(%dma_start3A_280 : memref<128xi32, #tpu.memory_space<vmem>>) semaphore(%arg12 : memref<!tpu.dma_semaphore, #tpu.memory_space<semaphore_mem>>)
      %dma_wait3A = arith.constant 0 : i32
      %dma_wait3A_284 = arith.constant 0 : i32
      %dma_wait3A_285 = tpu.memref_slice %arg8[%dma_wait3A, %dma_wait3A_284] : memref<640x128xf32, #tpu.memory_space<vmem>> -> memref<128x128xf32, #tpu.memory_space<vmem>>
      %dma_wait3A_286 = arith.constant 0 : i32
      %dma_wait3A_287 = tpu.memref_slice %arg7[%add3A_223, %dma_wait3A_286] : memref<80x128xi32, #tpu.memory_space<vmem>> -> memref<1x128xi32, #tpu.memory_space<vmem>>
      %dma_wait3A_288 = tpu.memref_squeeze %dma_wait3A_287 : memref<1x128xi32, #tpu.memory_space<vmem>> -> memref<128xi32, #tpu.memory_space<vmem>>
      %dma_wait3A_289 = arith.constant 0 : i32
      %dma_wait3A_290 = arith.constant 0 : i32
      %dma_wait3A_291 = tpu.memref_slice %arg2[%dma_wait3A_289, %dma_wait3A_290] : memref<16384x128xf32, #tpu.memory_space<hbm>> -> memref<16384x128xf32, #tpu.memory_space<hbm>>
      tpu.wait_indirect_dma semaphore(%arg12 : memref<!tpu.dma_semaphore, #tpu.memory_space<semaphore_mem>>) src(%dma_wait3A_291 : memref<16384x128xf32, #tpu.memory_space<hbm>>) dst(%dma_wait3A_285 : memref<128x128xf32, #tpu.memory_space<vmem>>)
      %dma_wait3A_292 = arith.constant 128 : i32
      %dma_wait3A_293 = arith.constant 0 : i32
      %dma_wait3A_294 = tpu.memref_slice %arg8[%dma_wait3A_292, %dma_wait3A_293] : memref<640x128xf32, #tpu.memory_space<vmem>> -> memref<128x128xf32, #tpu.memory_space<vmem>>
      %dma_wait3A_295 = arith.constant 0 : i32
      %dma_wait3A_296 = tpu.memref_slice %arg7[%add3A_235, %dma_wait3A_295] : memref<80x128xi32, #tpu.memory_space<vmem>> -> memref<1x128xi32, #tpu.memory_space<vmem>>
      %dma_wait3A_297 = tpu.memref_squeeze %dma_wait3A_296 : memref<1x128xi32, #tpu.memory_space<vmem>> -> memref<128xi32, #tpu.memory_space<vmem>>
      %dma_wait3A_298 = arith.constant 0 : i32
      %dma_wait3A_299 = arith.constant 0 : i32
      %dma_wait3A_300 = tpu.memref_slice %arg2[%dma_wait3A_298, %dma_wait3A_299] : memref<16384x128xf32, #tpu.memory_space<hbm>> -> memref<16384x128xf32, #tpu.memory_space<hbm>>
      tpu.wait_indirect_dma semaphore(%arg12 : memref<!tpu.dma_semaphore, #tpu.memory_space<semaphore_mem>>) src(%dma_wait3A_300 : memref<16384x128xf32, #tpu.memory_space<hbm>>) dst(%dma_wait3A_294 : memref<128x128xf32, #tpu.memory_space<vmem>>)
      %dma_wait3A_301 = arith.constant 256 : i32
      %dma_wait3A_302 = arith.constant 0 : i32
      %dma_wait3A_303 = tpu.memref_slice %arg8[%dma_wait3A_301, %dma_wait3A_302] : memref<640x128xf32, #tpu.memory_space<vmem>> -> memref<128x128xf32, #tpu.memory_space<vmem>>
      %dma_wait3A_304 = arith.constant 0 : i32
      %dma_wait3A_305 = tpu.memref_slice %arg7[%add3A_248, %dma_wait3A_304] : memref<80x128xi32, #tpu.memory_space<vmem>> -> memref<1x128xi32, #tpu.memory_space<vmem>>
      %dma_wait3A_306 = tpu.memref_squeeze %dma_wait3A_305 : memref<1x128xi32, #tpu.memory_space<vmem>> -> memref<128xi32, #tpu.memory_space<vmem>>
      %dma_wait3A_307 = arith.constant 0 : i32
      %dma_wait3A_308 = arith.constant 0 : i32
      %dma_wait3A_309 = tpu.memref_slice %arg2[%dma_wait3A_307, %dma_wait3A_308] : memref<16384x128xf32, #tpu.memory_space<hbm>> -> memref<16384x128xf32, #tpu.memory_space<hbm>>
      tpu.wait_indirect_dma semaphore(%arg12 : memref<!tpu.dma_semaphore, #tpu.memory_space<semaphore_mem>>) src(%dma_wait3A_309 : memref<16384x128xf32, #tpu.memory_space<hbm>>) dst(%dma_wait3A_303 : memref<128x128xf32, #tpu.memory_space<vmem>>)
      %dma_wait3A_310 = arith.constant 384 : i32
      %dma_wait3A_311 = arith.constant 0 : i32
      %dma_wait3A_312 = tpu.memref_slice %arg8[%dma_wait3A_310, %dma_wait3A_311] : memref<640x128xf32, #tpu.memory_space<vmem>> -> memref<128x128xf32, #tpu.memory_space<vmem>>
      %dma_wait3A_313 = arith.constant 0 : i32
      %dma_wait3A_314 = tpu.memref_slice %arg7[%add3A_261, %dma_wait3A_313] : memref<80x128xi32, #tpu.memory_space<vmem>> -> memref<1x128xi32, #tpu.memory_space<vmem>>
      %dma_wait3A_315 = tpu.memref_squeeze %dma_wait3A_314 : memref<1x128xi32, #tpu.memory_space<vmem>> -> memref<128xi32, #tpu.memory_space<vmem>>
      %dma_wait3A_316 = arith.constant 0 : i32
      %dma_wait3A_317 = arith.constant 0 : i32
      %dma_wait3A_318 = tpu.memref_slice %arg2[%dma_wait3A_316, %dma_wait3A_317] : memref<16384x128xf32, #tpu.memory_space<hbm>> -> memref<16384x128xf32, #tpu.memory_space<hbm>>
      tpu.wait_indirect_dma semaphore(%arg12 : memref<!tpu.dma_semaphore, #tpu.memory_space<semaphore_mem>>) src(%dma_wait3A_318 : memref<16384x128xf32, #tpu.memory_space<hbm>>) dst(%dma_wait3A_312 : memref<128x128xf32, #tpu.memory_space<vmem>>)
      %dma_wait3A_319 = arith.constant 512 : i32
      %dma_wait3A_320 = arith.constant 0 : i32
      %dma_wait3A_321 = tpu.memref_slice %arg8[%dma_wait3A_319, %dma_wait3A_320] : memref<640x128xf32, #tpu.memory_space<vmem>> -> memref<128x128xf32, #tpu.memory_space<vmem>>
      %dma_wait3A_322 = arith.constant 0 : i32
      %dma_wait3A_323 = tpu.memref_slice %arg7[%add3A_274, %dma_wait3A_322] : memref<80x128xi32, #tpu.memory_space<vmem>> -> memref<1x128xi32, #tpu.memory_space<vmem>>
      %dma_wait3A_324 = tpu.memref_squeeze %dma_wait3A_323 : memref<1x128xi32, #tpu.memory_space<vmem>> -> memref<128xi32, #tpu.memory_space<vmem>>
      %dma_wait3A_325 = arith.constant 0 : i32
      %dma_wait3A_326 = arith.constant 0 : i32
      %dma_wait3A_327 = tpu.memref_slice %arg2[%dma_wait3A_325, %dma_wait3A_326] : memref<16384x128xf32, #tpu.memory_space<hbm>> -> memref<16384x128xf32, #tpu.memory_space<hbm>>
      tpu.wait_indirect_dma semaphore(%arg12 : memref<!tpu.dma_semaphore, #tpu.memory_space<semaphore_mem>>) src(%dma_wait3A_327 : memref<16384x128xf32, #tpu.memory_space<hbm>>) dst(%dma_wait3A_321 : memref<128x128xf32, #tpu.memory_space<vmem>>)
      %scan3A_328 = arith.constant 0 : i32
      %scan3A_329 = arith.constant 32 : i32
      %scan3A_330 = arith.addi %scan3A_328, %scan3A_329 : i32
      %scan3A_331 = arith.constant 1 : i32
      %scan3A_332:4 = scf.for %scan3A_334 = %scan3A_328 to %scan3A_330 step %scan3A_331 iter_args(%scan3A_335 = %scan3A_211, %scan3A_336 = %scan3A_212, %scan3A_337 = %scan3A_213, %scan3A_338 = %scan3A_214) -> (vector<16xf32>, vector<16xf32>, vector<16xf32>, vector<16xf32>)  : i32 {
        %broadcast_in_dim3A_339 = arith.constant -3.400000e+38 : f32
        %broadcast_in_dim3A_340 = vector.broadcast %broadcast_in_dim3A_339 : f32 to vector<16xf32>
        %broadcast_in_dim3A_341 = arith.constant -3.400000e+38 : f32
        %broadcast_in_dim3A_342 = vector.broadcast %broadcast_in_dim3A_341 : f32 to vector<16xf32>
        %broadcast_in_dim3A_343 = arith.constant -3.400000e+38 : f32
        %broadcast_in_dim3A_344 = vector.broadcast %broadcast_in_dim3A_343 : f32 to vector<16xf32>
        %broadcast_in_dim3A_345 = arith.constant -3.400000e+38 : f32
        %broadcast_in_dim3A_346 = vector.broadcast %broadcast_in_dim3A_345 : f32 to vector<16xf32>
        %broadcast_in_dim3A_347 = arith.constant 0.000000e+00 : f32
        %broadcast_in_dim3A_348 = vector.broadcast %broadcast_in_dim3A_347 : f32 to vector<16xf32>
        %broadcast_in_dim3A_349 = arith.constant 0.000000e+00 : f32
        %broadcast_in_dim3A_350 = vector.broadcast %broadcast_in_dim3A_349 : f32 to vector<16xf32>
        %broadcast_in_dim3A_351 = arith.constant 0.000000e+00 : f32
        %broadcast_in_dim3A_352 = vector.broadcast %broadcast_in_dim3A_351 : f32 to vector<16xf32>
        %broadcast_in_dim3A_353 = arith.constant 0.000000e+00 : f32
        %broadcast_in_dim3A_354 = vector.broadcast %broadcast_in_dim3A_353 : f32 to vector<16xf32>
        %mul3A_355 = arith.constant 20 : i32
        %mul3A_356 = arith.muli %scan3A_334, %mul3A_355 : i32
        %add3A_357 = arith.constant 0 : i32
        %add3A_358 = arith.addi %mul3A_356, %add3A_357 : i32
        %get3A = arith.index_cast %add3A_358 : i32 to index
        %get3A_359 = arith.constant 0 : index
        %get3A_360 = tpu.vector_load %arg8[%get3A, %get3A_359] {strides = array<i32>} : memref<640x128xf32, #tpu.memory_space<vmem>>, vector<1x16xf32>,
        %get3A_361 = vector.shape_cast %get3A_360 : vector<1x16xf32> to vector<16xf32>
        %max3A = arith.maximumf %broadcast_in_dim3A_340, %get3A_361 : vector<16xf32>
        %add3A_362 = arith.addf %broadcast_in_dim3A_348, %get3A_361 : vector<16xf32>
        %mul3A_363 = arith.mulf %get3A_361, %get3A_361 : vector<16xf32>
        %add3A_364 = arith.addf %scan3A_335, %mul3A_363 : vector<16xf32>
        %mul3A_365 = arith.constant 20 : i32
        %mul3A_366 = arith.muli %scan3A_334, %mul3A_365 : i32
        %add3A_367 = arith.constant 0 : i32
        %add3A_368 = arith.addi %mul3A_366, %add3A_367 : i32
        %get3A_369 = arith.index_cast %add3A_368 : i32 to index
        %get3A_370 = arith.constant 16 : index
        %get3A_371 = tpu.vector_load %arg8[%get3A_369, %get3A_370] {strides = array<i32>} : memref<640x128xf32, #tpu.memory_space<vmem>>, vector<1x16xf32>,
        %get3A_372 = vector.shape_cast %get3A_371 : vector<1x16xf32> to vector<16xf32>
        %max3A_373 = arith.maximumf %broadcast_in_dim3A_342, %get3A_372 : vector<16xf32>
        %add3A_374 = arith.addf %broadcast_in_dim3A_350, %get3A_372 : vector<16xf32>
        %mul3A_375 = arith.mulf %get3A_372, %get3A_372 : vector<16xf32>
        %add3A_376 = arith.addf %scan3A_336, %mul3A_375 : vector<16xf32>
        %mul3A_377 = arith.constant 20 : i32
        %mul3A_378 = arith.muli %scan3A_334, %mul3A_377 : i32
        %add3A_379 = arith.constant 0 : i32
        %add3A_380 = arith.addi %mul3A_378, %add3A_379 : i32
        %get3A_381 = arith.index_cast %add3A_380 : i32 to index
        %get3A_382 = arith.constant 32 : index
        %get3A_383 = tpu.vector_load %arg8[%get3A_381, %get3A_382] {strides = array<i32>} : memref<640x128xf32, #tpu.memory_space<vmem>>, vector<1x16xf32>,
        %get3A_384 = vector.shape_cast %get3A_383 : vector<1x16xf32> to vector<16xf32>
        %max3A_385 = arith.maximumf %broadcast_in_dim3A_344, %get3A_384 : vector<16xf32>
        %add3A_386 = arith.addf %broadcast_in_dim3A_352, %get3A_384 : vector<16xf32>
        %mul3A_387 = arith.mulf %get3A_384, %get3A_384 : vector<16xf32>
        %add3A_388 = arith.addf %scan3A_337, %mul3A_387 : vector<16xf32>
        %mul3A_389 = arith.constant 20 : i32
        %mul3A_390 = arith.muli %scan3A_334, %mul3A_389 : i32
        %add3A_391 = arith.constant 0 : i32
        %add3A_392 = arith.addi %mul3A_390, %add3A_391 : i32
        %get3A_393 = arith.index_cast %add3A_392 : i32 to index
        %get3A_394 = arith.constant 48 : index
        %get3A_395 = tpu.vector_load %arg8[%get3A_393, %get3A_394] {strides = array<i32>} : memref<640x128xf32, #tpu.memory_space<vmem>>, vector<1x16xf32>,
        %get3A_396 = vector.shape_cast %get3A_395 : vector<1x16xf32> to vector<16xf32>
        %max3A_397 = arith.maximumf %broadcast_in_dim3A_346, %get3A_396 : vector<16xf32>
        %add3A_398 = arith.addf %broadcast_in_dim3A_354, %get3A_396 : vector<16xf32>
        %mul3A_399 = arith.mulf %get3A_396, %get3A_396 : vector<16xf32>
        %add3A_400 = arith.addf %scan3A_338, %mul3A_399 : vector<16xf32>
        %mul3A_401 = arith.constant 20 : i32
        %mul3A_402 = arith.muli %scan3A_334, %mul3A_401 : i32
        %add3A_403 = arith.constant 1 : i32
        %add3A_404 = arith.addi %mul3A_402, %add3A_403 : i32
        %get3A_405 = arith.index_cast %add3A_404 : i32 to index
        %get3A_406 = arith.constant 0 : index
        %get3A_407 = tpu.vector_load %arg8[%get3A_405, %get3A_406] {strides = array<i32>} : memref<640x128xf32, #tpu.memory_space<vmem>>, vector<1x16xf32>,
        %get3A_408 = vector.shape_cast %get3A_407 : vector<1x16xf32> to vector<16xf32>
        %max3A_409 = arith.maximumf %max3A, %get3A_408 : vector<16xf32>
        %add3A_410 = arith.addf %add3A_362, %get3A_408 : vector<16xf32>
        %mul3A_411 = arith.mulf %get3A_408, %get3A_408 : vector<16xf32>
        %add3A_412 = arith.addf %add3A_364, %mul3A_411 : vector<16xf32>
        %mul3A_413 = arith.constant 20 : i32
        %mul3A_414 = arith.muli %scan3A_334, %mul3A_413 : i32
        %add3A_415 = arith.constant 1 : i32
        %add3A_416 = arith.addi %mul3A_414, %add3A_415 : i32
        %get3A_417 = arith.index_cast %add3A_416 : i32 to index
        %get3A_418 = arith.constant 16 : index
        %get3A_419 = tpu.vector_load %arg8[%get3A_417, %get3A_418] {strides = array<i32>} : memref<640x128xf32, #tpu.memory_space<vmem>>, vector<1x16xf32>,
        %get3A_420 = vector.shape_cast %get3A_419 : vector<1x16xf32> to vector<16xf32>
        %max3A_421 = arith.maximumf %max3A_373, %get3A_420 : vector<16xf32>
        %add3A_422 = arith.addf %add3A_374, %get3A_420 : vector<16xf32>
        %mul3A_423 = arith.mulf %get3A_420, %get3A_420 : vector<16xf32>
        %add3A_424 = arith.addf %add3A_376, %mul3A_423 : vector<16xf32>
        %mul3A_425 = arith.constant 20 : i32
        %mul3A_426 = arith.muli %scan3A_334, %mul3A_425 : i32
        %add3A_427 = arith.constant 1 : i32
        %add3A_428 = arith.addi %mul3A_426, %add3A_427 : i32
        %get3A_429 = arith.index_cast %add3A_428 : i32 to index
        %get3A_430 = arith.constant 32 : index
        %get3A_431 = tpu.vector_load %arg8[%get3A_429, %get3A_430] {strides = array<i32>} : memref<640x128xf32, #tpu.memory_space<vmem>>, vector<1x16xf32>,
        %get3A_432 = vector.shape_cast %get3A_431 : vector<1x16xf32> to vector<16xf32>
        %max3A_433 = arith.maximumf %max3A_385, %get3A_432 : vector<16xf32>
        %add3A_434 = arith.addf %add3A_386, %get3A_432 : vector<16xf32>
        %mul3A_435 = arith.mulf %get3A_432, %get3A_432 : vector<16xf32>
        %add3A_436 = arith.addf %add3A_388, %mul3A_435 : vector<16xf32>
        %mul3A_437 = arith.constant 20 : i32
        %mul3A_438 = arith.muli %scan3A_334, %mul3A_437 : i32
        %add3A_439 = arith.constant 1 : i32
        %add3A_440 = arith.addi %mul3A_438, %add3A_439 : i32
        %get3A_441 = arith.index_cast %add3A_440 : i32 to index
        %get3A_442 = arith.constant 48 : index
        %get3A_443 = tpu.vector_load %arg8[%get3A_441, %get3A_442] {strides = array<i32>} : memref<640x128xf32, #tpu.memory_space<vmem>>, vector<1x16xf32>,
        %get3A_444 = vector.shape_cast %get3A_443 : vector<1x16xf32> to vector<16xf32>
        %max3A_445 = arith.maximumf %max3A_397, %get3A_444 : vector<16xf32>
        %add3A_446 = arith.addf %add3A_398, %get3A_444 : vector<16xf32>
        %mul3A_447 = arith.mulf %get3A_444, %get3A_444 : vector<16xf32>
        %add3A_448 = arith.addf %add3A_400, %mul3A_447 : vector<16xf32>
        %mul3A_449 = arith.constant 20 : i32
        %mul3A_450 = arith.muli %scan3A_334, %mul3A_449 : i32
        %add3A_451 = arith.constant 2 : i32
        %add3A_452 = arith.addi %mul3A_450, %add3A_451 : i32
        %get3A_453 = arith.index_cast %add3A_452 : i32 to index
        %get3A_454 = arith.constant 0 : index
        %get3A_455 = tpu.vector_load %arg8[%get3A_453, %get3A_454] {strides = array<i32>} : memref<640x128xf32, #tpu.memory_space<vmem>>, vector<1x16xf32>,
        %get3A_456 = vector.shape_cast %get3A_455 : vector<1x16xf32> to vector<16xf32>
        %max3A_457 = arith.maximumf %max3A_409, %get3A_456 : vector<16xf32>
        %add3A_458 = arith.addf %add3A_410, %get3A_456 : vector<16xf32>
        %mul3A_459 = arith.mulf %get3A_456, %get3A_456 : vector<16xf32>
        %add3A_460 = arith.addf %add3A_412, %mul3A_459 : vector<16xf32>
        %mul3A_461 = arith.constant 20 : i32
        %mul3A_462 = arith.muli %scan3A_334, %mul3A_461 : i32
        %add3A_463 = arith.constant 2 : i32
        %add3A_464 = arith.addi %mul3A_462, %add3A_463 : i32
        %get3A_465 = arith.index_cast %add3A_464 : i32 to index
        %get3A_466 = arith.constant 16 : index
        %get3A_467 = tpu.vector_load %arg8[%get3A_465, %get3A_466] {strides = array<i32>} : memref<640x128xf32, #tpu.memory_space<vmem>>, vector<1x16xf32>,
        %get3A_468 = vector.shape_cast %get3A_467 : vector<1x16xf32> to vector<16xf32>
        %max3A_469 = arith.maximumf %max3A_421, %get3A_468 : vector<16xf32>
        %add3A_470 = arith.addf %add3A_422, %get3A_468 : vector<16xf32>
        %mul3A_471 = arith.mulf %get3A_468, %get3A_468 : vector<16xf32>
        %add3A_472 = arith.addf %add3A_424, %mul3A_471 : vector<16xf32>
        %mul3A_473 = arith.constant 20 : i32
        %mul3A_474 = arith.muli %scan3A_334, %mul3A_473 : i32
        %add3A_475 = arith.constant 2 : i32
        %add3A_476 = arith.addi %mul3A_474, %add3A_475 : i32
        %get3A_477 = arith.index_cast %add3A_476 : i32 to index
        %get3A_478 = arith.constant 32 : index
        %get3A_479 = tpu.vector_load %arg8[%get3A_477, %get3A_478] {strides = array<i32>} : memref<640x128xf32, #tpu.memory_space<vmem>>, vector<1x16xf32>,
        %get3A_480 = vector.shape_cast %get3A_479 : vector<1x16xf32> to vector<16xf32>
        %max3A_481 = arith.maximumf %max3A_433, %get3A_480 : vector<16xf32>
        %add3A_482 = arith.addf %add3A_434, %get3A_480 : vector<16xf32>
        %mul3A_483 = arith.mulf %get3A_480, %get3A_480 : vector<16xf32>
        %add3A_484 = arith.addf %add3A_436, %mul3A_483 : vector<16xf32>
        %mul3A_485 = arith.constant 20 : i32
        %mul3A_486 = arith.muli %scan3A_334, %mul3A_485 : i32
        %add3A_487 = arith.constant 2 : i32
        %add3A_488 = arith.addi %mul3A_486, %add3A_487 : i32
        %get3A_489 = arith.index_cast %add3A_488 : i32 to index
        %get3A_490 = arith.constant 48 : index
        %get3A_491 = tpu.vector_load %arg8[%get3A_489, %get3A_490] {strides = array<i32>} : memref<640x128xf32, #tpu.memory_space<vmem>>, vector<1x16xf32>,
        %get3A_492 = vector.shape_cast %get3A_491 : vector<1x16xf32> to vector<16xf32>
        %max3A_493 = arith.maximumf %max3A_445, %get3A_492 : vector<16xf32>
        %add3A_494 = arith.addf %add3A_446, %get3A_492 : vector<16xf32>
        %mul3A_495 = arith.mulf %get3A_492, %get3A_492 : vector<16xf32>
        %add3A_496 = arith.addf %add3A_448, %mul3A_495 : vector<16xf32>
        %mul3A_497 = arith.constant 20 : i32
        %mul3A_498 = arith.muli %scan3A_334, %mul3A_497 : i32
        %add3A_499 = arith.constant 3 : i32
        %add3A_500 = arith.addi %mul3A_498, %add3A_499 : i32
        %get3A_501 = arith.index_cast %add3A_500 : i32 to index
        %get3A_502 = arith.constant 0 : index
        %get3A_503 = tpu.vector_load %arg8[%get3A_501, %get3A_502] {strides = array<i32>} : memref<640x128xf32, #tpu.memory_space<vmem>>, vector<1x16xf32>,
        %get3A_504 = vector.shape_cast %get3A_503 : vector<1x16xf32> to vector<16xf32>
        %max3A_505 = arith.maximumf %max3A_457, %get3A_504 : vector<16xf32>
        %add3A_506 = arith.addf %add3A_458, %get3A_504 : vector<16xf32>
        %mul3A_507 = arith.mulf %get3A_504, %get3A_504 : vector<16xf32>
        %add3A_508 = arith.addf %add3A_460, %mul3A_507 : vector<16xf32>
        %mul3A_509 = arith.constant 20 : i32
        %mul3A_510 = arith.muli %scan3A_334, %mul3A_509 : i32
        %add3A_511 = arith.constant 3 : i32
        %add3A_512 = arith.addi %mul3A_510, %add3A_511 : i32
        %get3A_513 = arith.index_cast %add3A_512 : i32 to index
        %get3A_514 = arith.constant 16 : index
        %get3A_515 = tpu.vector_load %arg8[%get3A_513, %get3A_514] {strides = array<i32>} : memref<640x128xf32, #tpu.memory_space<vmem>>, vector<1x16xf32>,
        %get3A_516 = vector.shape_cast %get3A_515 : vector<1x16xf32> to vector<16xf32>
        %max3A_517 = arith.maximumf %max3A_469, %get3A_516 : vector<16xf32>
        %add3A_518 = arith.addf %add3A_470, %get3A_516 : vector<16xf32>
        %mul3A_519 = arith.mulf %get3A_516, %get3A_516 : vector<16xf32>
        %add3A_520 = arith.addf %add3A_472, %mul3A_519 : vector<16xf32>
        %mul3A_521 = arith.constant 20 : i32
        %mul3A_522 = arith.muli %scan3A_334, %mul3A_521 : i32
        %add3A_523 = arith.constant 3 : i32
        %add3A_524 = arith.addi %mul3A_522, %add3A_523 : i32
        %get3A_525 = arith.index_cast %add3A_524 : i32 to index
        %get3A_526 = arith.constant 32 : index
        %get3A_527 = tpu.vector_load %arg8[%get3A_525, %get3A_526] {strides = array<i32>} : memref<640x128xf32, #tpu.memory_space<vmem>>, vector<1x16xf32>,
        %get3A_528 = vector.shape_cast %get3A_527 : vector<1x16xf32> to vector<16xf32>
        %max3A_529 = arith.maximumf %max3A_481, %get3A_528 : vector<16xf32>
        %add3A_530 = arith.addf %add3A_482, %get3A_528 : vector<16xf32>
        %mul3A_531 = arith.mulf %get3A_528, %get3A_528 : vector<16xf32>
        %add3A_532 = arith.addf %add3A_484, %mul3A_531 : vector<16xf32>
        %mul3A_533 = arith.constant 20 : i32
        %mul3A_534 = arith.muli %scan3A_334, %mul3A_533 : i32
        %add3A_535 = arith.constant 3 : i32
        %add3A_536 = arith.addi %mul3A_534, %add3A_535 : i32
        %get3A_537 = arith.index_cast %add3A_536 : i32 to index
        %get3A_538 = arith.constant 48 : index
        %get3A_539 = tpu.vector_load %arg8[%get3A_537, %get3A_538] {strides = array<i32>} : memref<640x128xf32, #tpu.memory_space<vmem>>, vector<1x16xf32>,
        %get3A_540 = vector.shape_cast %get3A_539 : vector<1x16xf32> to vector<16xf32>
        %max3A_541 = arith.maximumf %max3A_493, %get3A_540 : vector<16xf32>
        %add3A_542 = arith.addf %add3A_494, %get3A_540 : vector<16xf32>
        %mul3A_543 = arith.mulf %get3A_540, %get3A_540 : vector<16xf32>
        %add3A_544 = arith.addf %add3A_496, %mul3A_543 : vector<16xf32>
        %mul3A_545 = arith.constant 20 : i32
        %mul3A_546 = arith.muli %scan3A_334, %mul3A_545 : i32
        %add3A_547 = arith.constant 4 : i32
        %add3A_548 = arith.addi %mul3A_546, %add3A_547 : i32
        %get3A_549 = arith.index_cast %add3A_548 : i32 to index
        %get3A_550 = arith.constant 0 : index
        %get3A_551 = tpu.vector_load %arg8[%get3A_549, %get3A_550] {strides = array<i32>} : memref<640x128xf32, #tpu.memory_space<vmem>>, vector<1x16xf32>,
        %get3A_552 = vector.shape_cast %get3A_551 : vector<1x16xf32> to vector<16xf32>
        %max3A_553 = arith.maximumf %max3A_505, %get3A_552 : vector<16xf32>
        %add3A_554 = arith.addf %add3A_506, %get3A_552 : vector<16xf32>
        %mul3A_555 = arith.mulf %get3A_552, %get3A_552 : vector<16xf32>
        %add3A_556 = arith.addf %add3A_508, %mul3A_555 : vector<16xf32>
        %mul3A_557 = arith.constant 20 : i32
        %mul3A_558 = arith.muli %scan3A_334, %mul3A_557 : i32
        %add3A_559 = arith.constant 4 : i32
        %add3A_560 = arith.addi %mul3A_558, %add3A_559 : i32
        %get3A_561 = arith.index_cast %add3A_560 : i32 to index
        %get3A_562 = arith.constant 16 : index
        %get3A_563 = tpu.vector_load %arg8[%get3A_561, %get3A_562] {strides = array<i32>} : memref<640x128xf32, #tpu.memory_space<vmem>>, vector<1x16xf32>,
        %get3A_564 = vector.shape_cast %get3A_563 : vector<1x16xf32> to vector<16xf32>
        %max3A_565 = arith.maximumf %max3A_517, %get3A_564 : vector<16xf32>
        %add3A_566 = arith.addf %add3A_518, %get3A_564 : vector<16xf32>
        %mul3A_567 = arith.mulf %get3A_564, %get3A_564 : vector<16xf32>
        %add3A_568 = arith.addf %add3A_520, %mul3A_567 : vector<16xf32>
        %mul3A_569 = arith.constant 20 : i32
        %mul3A_570 = arith.muli %scan3A_334, %mul3A_569 : i32
        %add3A_571 = arith.constant 4 : i32
        %add3A_572 = arith.addi %mul3A_570, %add3A_571 : i32
        %get3A_573 = arith.index_cast %add3A_572 : i32 to index
        %get3A_574 = arith.constant 32 : index
        %get3A_575 = tpu.vector_load %arg8[%get3A_573, %get3A_574] {strides = array<i32>} : memref<640x128xf32, #tpu.memory_space<vmem>>, vector<1x16xf32>,
        %get3A_576 = vector.shape_cast %get3A_575 : vector<1x16xf32> to vector<16xf32>
        %max3A_577 = arith.maximumf %max3A_529, %get3A_576 : vector<16xf32>
        %add3A_578 = arith.addf %add3A_530, %get3A_576 : vector<16xf32>
        %mul3A_579 = arith.mulf %get3A_576, %get3A_576 : vector<16xf32>
        %add3A_580 = arith.addf %add3A_532, %mul3A_579 : vector<16xf32>
        %mul3A_581 = arith.constant 20 : i32
        %mul3A_582 = arith.muli %scan3A_334, %mul3A_581 : i32
        %add3A_583 = arith.constant 4 : i32
        %add3A_584 = arith.addi %mul3A_582, %add3A_583 : i32
        %get3A_585 = arith.index_cast %add3A_584 : i32 to index
        %get3A_586 = arith.constant 48 : index
        %get3A_587 = tpu.vector_load %arg8[%get3A_585, %get3A_586] {strides = array<i32>} : memref<640x128xf32, #tpu.memory_space<vmem>>, vector<1x16xf32>,
        %get3A_588 = vector.shape_cast %get3A_587 : vector<1x16xf32> to vector<16xf32>
        %max3A_589 = arith.maximumf %max3A_541, %get3A_588 : vector<16xf32>
        %add3A_590 = arith.addf %add3A_542, %get3A_588 : vector<16xf32>
        %mul3A_591 = arith.mulf %get3A_588, %get3A_588 : vector<16xf32>
        %add3A_592 = arith.addf %add3A_544, %mul3A_591 : vector<16xf32>
        %mul3A_593 = arith.constant 20 : i32
        %mul3A_594 = arith.muli %scan3A_334, %mul3A_593 : i32
        %add3A_595 = arith.constant 5 : i32
        %add3A_596 = arith.addi %mul3A_594, %add3A_595 : i32
        %get3A_597 = arith.index_cast %add3A_596 : i32 to index
        %get3A_598 = arith.constant 0 : index
        %get3A_599 = tpu.vector_load %arg8[%get3A_597, %get3A_598] {strides = array<i32>} : memref<640x128xf32, #tpu.memory_space<vmem>>, vector<1x16xf32>,
        %get3A_600 = vector.shape_cast %get3A_599 : vector<1x16xf32> to vector<16xf32>
        %max3A_601 = arith.maximumf %max3A_553, %get3A_600 : vector<16xf32>
        %add3A_602 = arith.addf %add3A_554, %get3A_600 : vector<16xf32>
        %mul3A_603 = arith.mulf %get3A_600, %get3A_600 : vector<16xf32>
        %add3A_604 = arith.addf %add3A_556, %mul3A_603 : vector<16xf32>
        %mul3A_605 = arith.constant 20 : i32
        %mul3A_606 = arith.muli %scan3A_334, %mul3A_605 : i32
        %add3A_607 = arith.constant 5 : i32
        %add3A_608 = arith.addi %mul3A_606, %add3A_607 : i32
        %get3A_609 = arith.index_cast %add3A_608 : i32 to index
        %get3A_610 = arith.constant 16 : index
        %get3A_611 = tpu.vector_load %arg8[%get3A_609, %get3A_610] {strides = array<i32>} : memref<640x128xf32, #tpu.memory_space<vmem>>, vector<1x16xf32>,
        %get3A_612 = vector.shape_cast %get3A_611 : vector<1x16xf32> to vector<16xf32>
        %max3A_613 = arith.maximumf %max3A_565, %get3A_612 : vector<16xf32>
        %add3A_614 = arith.addf %add3A_566, %get3A_612 : vector<16xf32>
        %mul3A_615 = arith.mulf %get3A_612, %get3A_612 : vector<16xf32>
        %add3A_616 = arith.addf %add3A_568, %mul3A_615 : vector<16xf32>
        %mul3A_617 = arith.constant 20 : i32
        %mul3A_618 = arith.muli %scan3A_334, %mul3A_617 : i32
        %add3A_619 = arith.constant 5 : i32
        %add3A_620 = arith.addi %mul3A_618, %add3A_619 : i32
        %get3A_621 = arith.index_cast %add3A_620 : i32 to index
        %get3A_622 = arith.constant 32 : index
        %get3A_623 = tpu.vector_load %arg8[%get3A_621, %get3A_622] {strides = array<i32>} : memref<640x128xf32, #tpu.memory_space<vmem>>, vector<1x16xf32>,
        %get3A_624 = vector.shape_cast %get3A_623 : vector<1x16xf32> to vector<16xf32>
        %max3A_625 = arith.maximumf %max3A_577, %get3A_624 : vector<16xf32>
        %add3A_626 = arith.addf %add3A_578, %get3A_624 : vector<16xf32>
        %mul3A_627 = arith.mulf %get3A_624, %get3A_624 : vector<16xf32>
        %add3A_628 = arith.addf %add3A_580, %mul3A_627 : vector<16xf32>
        %mul3A_629 = arith.constant 20 : i32
        %mul3A_630 = arith.muli %scan3A_334, %mul3A_629 : i32
        %add3A_631 = arith.constant 5 : i32
        %add3A_632 = arith.addi %mul3A_630, %add3A_631 : i32
        %get3A_633 = arith.index_cast %add3A_632 : i32 to index
        %get3A_634 = arith.constant 48 : index
        %get3A_635 = tpu.vector_load %arg8[%get3A_633, %get3A_634] {strides = array<i32>} : memref<640x128xf32, #tpu.memory_space<vmem>>, vector<1x16xf32>,
        %get3A_636 = vector.shape_cast %get3A_635 : vector<1x16xf32> to vector<16xf32>
        %max3A_637 = arith.maximumf %max3A_589, %get3A_636 : vector<16xf32>
        %add3A_638 = arith.addf %add3A_590, %get3A_636 : vector<16xf32>
        %mul3A_639 = arith.mulf %get3A_636, %get3A_636 : vector<16xf32>
        %add3A_640 = arith.addf %add3A_592, %mul3A_639 : vector<16xf32>
        %mul3A_641 = arith.constant 20 : i32
        %mul3A_642 = arith.muli %scan3A_334, %mul3A_641 : i32
        %add3A_643 = arith.constant 6 : i32
        %add3A_644 = arith.addi %mul3A_642, %add3A_643 : i32
        %get3A_645 = arith.index_cast %add3A_644 : i32 to index
        %get3A_646 = arith.constant 0 : index
        %get3A_647 = tpu.vector_load %arg8[%get3A_645, %get3A_646] {strides = array<i32>} : memref<640x128xf32, #tpu.memory_space<vmem>>, vector<1x16xf32>,
        %get3A_648 = vector.shape_cast %get3A_647 : vector<1x16xf32> to vector<16xf32>
        %max3A_649 = arith.maximumf %max3A_601, %get3A_648 : vector<16xf32>
        %add3A_650 = arith.addf %add3A_602, %get3A_648 : vector<16xf32>
        %mul3A_651 = arith.mulf %get3A_648, %get3A_648 : vector<16xf32>
        %add3A_652 = arith.addf %add3A_604, %mul3A_651 : vector<16xf32>
        %mul3A_653 = arith.constant 20 : i32
        %mul3A_654 = arith.muli %scan3A_334, %mul3A_653 : i32
        %add3A_655 = arith.constant 6 : i32
        %add3A_656 = arith.addi %mul3A_654, %add3A_655 : i32
        %get3A_657 = arith.index_cast %add3A_656 : i32 to index
        %get3A_658 = arith.constant 16 : index
        %get3A_659 = tpu.vector_load %arg8[%get3A_657, %get3A_658] {strides = array<i32>} : memref<640x128xf32, #tpu.memory_space<vmem>>, vector<1x16xf32>,
        %get3A_660 = vector.shape_cast %get3A_659 : vector<1x16xf32> to vector<16xf32>
        %max3A_661 = arith.maximumf %max3A_613, %get3A_660 : vector<16xf32>
        %add3A_662 = arith.addf %add3A_614, %get3A_660 : vector<16xf32>
        %mul3A_663 = arith.mulf %get3A_660, %get3A_660 : vector<16xf32>
        %add3A_664 = arith.addf %add3A_616, %mul3A_663 : vector<16xf32>
        %mul3A_665 = arith.constant 20 : i32
        %mul3A_666 = arith.muli %scan3A_334, %mul3A_665 : i32
        %add3A_667 = arith.constant 6 : i32
        %add3A_668 = arith.addi %mul3A_666, %add3A_667 : i32
        %get3A_669 = arith.index_cast %add3A_668 : i32 to index
        %get3A_670 = arith.constant 32 : index
        %get3A_671 = tpu.vector_load %arg8[%get3A_669, %get3A_670] {strides = array<i32>} : memref<640x128xf32, #tpu.memory_space<vmem>>, vector<1x16xf32>,
        %get3A_672 = vector.shape_cast %get3A_671 : vector<1x16xf32> to vector<16xf32>
        %max3A_673 = arith.maximumf %max3A_625, %get3A_672 : vector<16xf32>
        %add3A_674 = arith.addf %add3A_626, %get3A_672 : vector<16xf32>
        %mul3A_675 = arith.mulf %get3A_672, %get3A_672 : vector<16xf32>
        %add3A_676 = arith.addf %add3A_628, %mul3A_675 : vector<16xf32>
        %mul3A_677 = arith.constant 20 : i32
        %mul3A_678 = arith.muli %scan3A_334, %mul3A_677 : i32
        %add3A_679 = arith.constant 6 : i32
        %add3A_680 = arith.addi %mul3A_678, %add3A_679 : i32
        %get3A_681 = arith.index_cast %add3A_680 : i32 to index
        %get3A_682 = arith.constant 48 : index
        %get3A_683 = tpu.vector_load %arg8[%get3A_681, %get3A_682] {strides = array<i32>} : memref<640x128xf32, #tpu.memory_space<vmem>>, vector<1x16xf32>,
        %get3A_684 = vector.shape_cast %get3A_683 : vector<1x16xf32> to vector<16xf32>
        %max3A_685 = arith.maximumf %max3A_637, %get3A_684 : vector<16xf32>
        %add3A_686 = arith.addf %add3A_638, %get3A_684 : vector<16xf32>
        %mul3A_687 = arith.mulf %get3A_684, %get3A_684 : vector<16xf32>
        %add3A_688 = arith.addf %add3A_640, %mul3A_687 : vector<16xf32>
        %mul3A_689 = arith.constant 20 : i32
        %mul3A_690 = arith.muli %scan3A_334, %mul3A_689 : i32
        %add3A_691 = arith.constant 7 : i32
        %add3A_692 = arith.addi %mul3A_690, %add3A_691 : i32
        %get3A_693 = arith.index_cast %add3A_692 : i32 to index
        %get3A_694 = arith.constant 0 : index
        %get3A_695 = tpu.vector_load %arg8[%get3A_693, %get3A_694] {strides = array<i32>} : memref<640x128xf32, #tpu.memory_space<vmem>>, vector<1x16xf32>,
        %get3A_696 = vector.shape_cast %get3A_695 : vector<1x16xf32> to vector<16xf32>
        %max3A_697 = arith.maximumf %max3A_649, %get3A_696 : vector<16xf32>
        %add3A_698 = arith.addf %add3A_650, %get3A_696 : vector<16xf32>
        %mul3A_699 = arith.mulf %get3A_696, %get3A_696 : vector<16xf32>
        %add3A_700 = arith.addf %add3A_652, %mul3A_699 : vector<16xf32>
        %mul3A_701 = arith.constant 20 : i32
        %mul3A_702 = arith.muli %scan3A_334, %mul3A_701 : i32
        %add3A_703 = arith.constant 7 : i32
        %add3A_704 = arith.addi %mul3A_702, %add3A_703 : i32
        %get3A_705 = arith.index_cast %add3A_704 : i32 to index
        %get3A_706 = arith.constant 16 : index
        %get3A_707 = tpu.vector_load %arg8[%get3A_705, %get3A_706] {strides = array<i32>} : memref<640x128xf32, #tpu.memory_space<vmem>>, vector<1x16xf32>,
        %get3A_708 = vector.shape_cast %get3A_707 : vector<1x16xf32> to vector<16xf32>
        %max3A_709 = arith.maximumf %max3A_661, %get3A_708 : vector<16xf32>
        %add3A_710 = arith.addf %add3A_662, %get3A_708 : vector<16xf32>
        %mul3A_711 = arith.mulf %get3A_708, %get3A_708 : vector<16xf32>
        %add3A_712 = arith.addf %add3A_664, %mul3A_711 : vector<16xf32>
        %mul3A_713 = arith.constant 20 : i32
        %mul3A_714 = arith.muli %scan3A_334, %mul3A_713 : i32
        %add3A_715 = arith.constant 7 : i32
        %add3A_716 = arith.addi %mul3A_714, %add3A_715 : i32
        %get3A_717 = arith.index_cast %add3A_716 : i32 to index
        %get3A_718 = arith.constant 32 : index
        %get3A_719 = tpu.vector_load %arg8[%get3A_717, %get3A_718] {strides = array<i32>} : memref<640x128xf32, #tpu.memory_space<vmem>>, vector<1x16xf32>,
        %get3A_720 = vector.shape_cast %get3A_719 : vector<1x16xf32> to vector<16xf32>
        %max3A_721 = arith.maximumf %max3A_673, %get3A_720 : vector<16xf32>
        %add3A_722 = arith.addf %add3A_674, %get3A_720 : vector<16xf32>
        %mul3A_723 = arith.mulf %get3A_720, %get3A_720 : vector<16xf32>
        %add3A_724 = arith.addf %add3A_676, %mul3A_723 : vector<16xf32>
        %mul3A_725 = arith.constant 20 : i32
        %mul3A_726 = arith.muli %scan3A_334, %mul3A_725 : i32
        %add3A_727 = arith.constant 7 : i32
        %add3A_728 = arith.addi %mul3A_726, %add3A_727 : i32
        %get3A_729 = arith.index_cast %add3A_728 : i32 to index
        %get3A_730 = arith.constant 48 : index
        %get3A_731 = tpu.vector_load %arg8[%get3A_729, %get3A_730] {strides = array<i32>} : memref<640x128xf32, #tpu.memory_space<vmem>>, vector<1x16xf32>,
        %get3A_732 = vector.shape_cast %get3A_731 : vector<1x16xf32> to vector<16xf32>
        %max3A_733 = arith.maximumf %max3A_685, %get3A_732 : vector<16xf32>
        %add3A_734 = arith.addf %add3A_686, %get3A_732 : vector<16xf32>
        %mul3A_735 = arith.mulf %get3A_732, %get3A_732 : vector<16xf32>
        %add3A_736 = arith.addf %add3A_688, %mul3A_735 : vector<16xf32>
        %mul3A_737 = arith.constant 20 : i32
        %mul3A_738 = arith.muli %scan3A_334, %mul3A_737 : i32
        %add3A_739 = arith.constant 8 : i32
        %add3A_740 = arith.addi %mul3A_738, %add3A_739 : i32
        %get3A_741 = arith.index_cast %add3A_740 : i32 to index
        %get3A_742 = arith.constant 0 : index
        %get3A_743 = tpu.vector_load %arg8[%get3A_741, %get3A_742] {strides = array<i32>} : memref<640x128xf32, #tpu.memory_space<vmem>>, vector<1x16xf32>,
        %get3A_744 = vector.shape_cast %get3A_743 : vector<1x16xf32> to vector<16xf32>
        %max3A_745 = arith.maximumf %max3A_697, %get3A_744 : vector<16xf32>
        %add3A_746 = arith.addf %add3A_698, %get3A_744 : vector<16xf32>
        %mul3A_747 = arith.mulf %get3A_744, %get3A_744 : vector<16xf32>
        %add3A_748 = arith.addf %add3A_700, %mul3A_747 : vector<16xf32>
        %mul3A_749 = arith.constant 20 : i32
        %mul3A_750 = arith.muli %scan3A_334, %mul3A_749 : i32
        %add3A_751 = arith.constant 8 : i32
        %add3A_752 = arith.addi %mul3A_750, %add3A_751 : i32
        %get3A_753 = arith.index_cast %add3A_752 : i32 to index
        %get3A_754 = arith.constant 16 : index
        %get3A_755 = tpu.vector_load %arg8[%get3A_753, %get3A_754] {strides = array<i32>} : memref<640x128xf32, #tpu.memory_space<vmem>>, vector<1x16xf32>,
        %get3A_756 = vector.shape_cast %get3A_755 : vector<1x16xf32> to vector<16xf32>
        %max3A_757 = arith.maximumf %max3A_709, %get3A_756 : vector<16xf32>
        %add3A_758 = arith.addf %add3A_710, %get3A_756 : vector<16xf32>
        %mul3A_759 = arith.mulf %get3A_756, %get3A_756 : vector<16xf32>
        %add3A_760 = arith.addf %add3A_712, %mul3A_759 : vector<16xf32>
        %mul3A_761 = arith.constant 20 : i32
        %mul3A_762 = arith.muli %scan3A_334, %mul3A_761 : i32
        %add3A_763 = arith.constant 8 : i32
        %add3A_764 = arith.addi %mul3A_762, %add3A_763 : i32
        %get3A_765 = arith.index_cast %add3A_764 : i32 to index
        %get3A_766 = arith.constant 32 : index
        %get3A_767 = tpu.vector_load %arg8[%get3A_765, %get3A_766] {strides = array<i32>} : memref<640x128xf32, #tpu.memory_space<vmem>>, vector<1x16xf32>,
        %get3A_768 = vector.shape_cast %get3A_767 : vector<1x16xf32> to vector<16xf32>
        %max3A_769 = arith.maximumf %max3A_721, %get3A_768 : vector<16xf32>
        %add3A_770 = arith.addf %add3A_722, %get3A_768 : vector<16xf32>
        %mul3A_771 = arith.mulf %get3A_768, %get3A_768 : vector<16xf32>
        %add3A_772 = arith.addf %add3A_724, %mul3A_771 : vector<16xf32>
        %mul3A_773 = arith.constant 20 : i32
        %mul3A_774 = arith.muli %scan3A_334, %mul3A_773 : i32
        %add3A_775 = arith.constant 8 : i32
        %add3A_776 = arith.addi %mul3A_774, %add3A_775 : i32
        %get3A_777 = arith.index_cast %add3A_776 : i32 to index
        %get3A_778 = arith.constant 48 : index
        %get3A_779 = tpu.vector_load %arg8[%get3A_777, %get3A_778] {strides = array<i32>} : memref<640x128xf32, #tpu.memory_space<vmem>>, vector<1x16xf32>,
        %get3A_780 = vector.shape_cast %get3A_779 : vector<1x16xf32> to vector<16xf32>
        %max3A_781 = arith.maximumf %max3A_733, %get3A_780 : vector<16xf32>
        %add3A_782 = arith.addf %add3A_734, %get3A_780 : vector<16xf32>
        %mul3A_783 = arith.mulf %get3A_780, %get3A_780 : vector<16xf32>
        %add3A_784 = arith.addf %add3A_736, %mul3A_783 : vector<16xf32>
        %mul3A_785 = arith.constant 20 : i32
        %mul3A_786 = arith.muli %scan3A_334, %mul3A_785 : i32
        %add3A_787 = arith.constant 9 : i32
        %add3A_788 = arith.addi %mul3A_786, %add3A_787 : i32
        %get3A_789 = arith.index_cast %add3A_788 : i32 to index
        %get3A_790 = arith.constant 0 : index
        %get3A_791 = tpu.vector_load %arg8[%get3A_789, %get3A_790] {strides = array<i32>} : memref<640x128xf32, #tpu.memory_space<vmem>>, vector<1x16xf32>,
        %get3A_792 = vector.shape_cast %get3A_791 : vector<1x16xf32> to vector<16xf32>
        %max3A_793 = arith.maximumf %max3A_745, %get3A_792 : vector<16xf32>
        %add3A_794 = arith.addf %add3A_746, %get3A_792 : vector<16xf32>
        %mul3A_795 = arith.mulf %get3A_792, %get3A_792 : vector<16xf32>
        %add3A_796 = arith.addf %add3A_748, %mul3A_795 : vector<16xf32>
        %mul3A_797 = arith.constant 20 : i32
        %mul3A_798 = arith.muli %scan3A_334, %mul3A_797 : i32
        %add3A_799 = arith.constant 9 : i32
        %add3A_800 = arith.addi %mul3A_798, %add3A_799 : i32
        %get3A_801 = arith.index_cast %add3A_800 : i32 to index
        %get3A_802 = arith.constant 16 : index
        %get3A_803 = tpu.vector_load %arg8[%get3A_801, %get3A_802] {strides = array<i32>} : memref<640x128xf32, #tpu.memory_space<vmem>>, vector<1x16xf32>,
        %get3A_804 = vector.shape_cast %get3A_803 : vector<1x16xf32> to vector<16xf32>
        %max3A_805 = arith.maximumf %max3A_757, %get3A_804 : vector<16xf32>
        %add3A_806 = arith.addf %add3A_758, %get3A_804 : vector<16xf32>
        %mul3A_807 = arith.mulf %get3A_804, %get3A_804 : vector<16xf32>
        %add3A_808 = arith.addf %add3A_760, %mul3A_807 : vector<16xf32>
        %mul3A_809 = arith.constant 20 : i32
        %mul3A_810 = arith.muli %scan3A_334, %mul3A_809 : i32
        %add3A_811 = arith.constant 9 : i32
        %add3A_812 = arith.addi %mul3A_810, %add3A_811 : i32
        %get3A_813 = arith.index_cast %add3A_812 : i32 to index
        %get3A_814 = arith.constant 32 : index
        %get3A_815 = tpu.vector_load %arg8[%get3A_813, %get3A_814] {strides = array<i32>} : memref<640x128xf32, #tpu.memory_space<vmem>>, vector<1x16xf32>,
        %get3A_816 = vector.shape_cast %get3A_815 : vector<1x16xf32> to vector<16xf32>
        %max3A_817 = arith.maximumf %max3A_769, %get3A_816 : vector<16xf32>
        %add3A_818 = arith.addf %add3A_770, %get3A_816 : vector<16xf32>
        %mul3A_819 = arith.mulf %get3A_816, %get3A_816 : vector<16xf32>
        %add3A_820 = arith.addf %add3A_772, %mul3A_819 : vector<16xf32>
        %mul3A_821 = arith.constant 20 : i32
        %mul3A_822 = arith.muli %scan3A_334, %mul3A_821 : i32
        %add3A_823 = arith.constant 9 : i32
        %add3A_824 = arith.addi %mul3A_822, %add3A_823 : i32
        %get3A_825 = arith.index_cast %add3A_824 : i32 to index
        %get3A_826 = arith.constant 48 : index
        %get3A_827 = tpu.vector_load %arg8[%get3A_825, %get3A_826] {strides = array<i32>} : memref<640x128xf32, #tpu.memory_space<vmem>>, vector<1x16xf32>,
        %get3A_828 = vector.shape_cast %get3A_827 : vector<1x16xf32> to vector<16xf32>
        %max3A_829 = arith.maximumf %max3A_781, %get3A_828 : vector<16xf32>
        %add3A_830 = arith.addf %add3A_782, %get3A_828 : vector<16xf32>
        %mul3A_831 = arith.mulf %get3A_828, %get3A_828 : vector<16xf32>
        %add3A_832 = arith.addf %add3A_784, %mul3A_831 : vector<16xf32>
        %mul3A_833 = arith.constant 20 : i32
        %mul3A_834 = arith.muli %scan3A_334, %mul3A_833 : i32
        %add3A_835 = arith.constant 10 : i32
        %add3A_836 = arith.addi %mul3A_834, %add3A_835 : i32
        %get3A_837 = arith.index_cast %add3A_836 : i32 to index
        %get3A_838 = arith.constant 0 : index
        %get3A_839 = tpu.vector_load %arg8[%get3A_837, %get3A_838] {strides = array<i32>} : memref<640x128xf32, #tpu.memory_space<vmem>>, vector<1x16xf32>,
        %get3A_840 = vector.shape_cast %get3A_839 : vector<1x16xf32> to vector<16xf32>
        %max3A_841 = arith.maximumf %max3A_793, %get3A_840 : vector<16xf32>
        %add3A_842 = arith.addf %add3A_794, %get3A_840 : vector<16xf32>
        %mul3A_843 = arith.mulf %get3A_840, %get3A_840 : vector<16xf32>
        %add3A_844 = arith.addf %add3A_796, %mul3A_843 : vector<16xf32>
        %mul3A_845 = arith.constant 20 : i32
        %mul3A_846 = arith.muli %scan3A_334, %mul3A_845 : i32
        %add3A_847 = arith.constant 10 : i32
        %add3A_848 = arith.addi %mul3A_846, %add3A_847 : i32
        %get3A_849 = arith.index_cast %add3A_848 : i32 to index
        %get3A_850 = arith.constant 16 : index
        %get3A_851 = tpu.vector_load %arg8[%get3A_849, %get3A_850] {strides = array<i32>} : memref<640x128xf32, #tpu.memory_space<vmem>>, vector<1x16xf32>,
        %get3A_852 = vector.shape_cast %get3A_851 : vector<1x16xf32> to vector<16xf32>
        %max3A_853 = arith.maximumf %max3A_805, %get3A_852 : vector<16xf32>
        %add3A_854 = arith.addf %add3A_806, %get3A_852 : vector<16xf32>
        %mul3A_855 = arith.mulf %get3A_852, %get3A_852 : vector<16xf32>
        %add3A_856 = arith.addf %add3A_808, %mul3A_855 : vector<16xf32>
        %mul3A_857 = arith.constant 20 : i32
        %mul3A_858 = arith.muli %scan3A_334, %mul3A_857 : i32
        %add3A_859 = arith.constant 10 : i32
        %add3A_860 = arith.addi %mul3A_858, %add3A_859 : i32
        %get3A_861 = arith.index_cast %add3A_860 : i32 to index
        %get3A_862 = arith.constant 32 : index
        %get3A_863 = tpu.vector_load %arg8[%get3A_861, %get3A_862] {strides = array<i32>} : memref<640x128xf32, #tpu.memory_space<vmem>>, vector<1x16xf32>,
        %get3A_864 = vector.shape_cast %get3A_863 : vector<1x16xf32> to vector<16xf32>
        %max3A_865 = arith.maximumf %max3A_817, %get3A_864 : vector<16xf32>
        %add3A_866 = arith.addf %add3A_818, %get3A_864 : vector<16xf32>
        %mul3A_867 = arith.mulf %get3A_864, %get3A_864 : vector<16xf32>
        %add3A_868 = arith.addf %add3A_820, %mul3A_867 : vector<16xf32>
        %mul3A_869 = arith.constant 20 : i32
        %mul3A_870 = arith.muli %scan3A_334, %mul3A_869 : i32
        %add3A_871 = arith.constant 10 : i32
        %add3A_872 = arith.addi %mul3A_870, %add3A_871 : i32
        %get3A_873 = arith.index_cast %add3A_872 : i32 to index
        %get3A_874 = arith.constant 48 : index
        %get3A_875 = tpu.vector_load %arg8[%get3A_873, %get3A_874] {strides = array<i32>} : memref<640x128xf32, #tpu.memory_space<vmem>>, vector<1x16xf32>,
        %get3A_876 = vector.shape_cast %get3A_875 : vector<1x16xf32> to vector<16xf32>
        %max3A_877 = arith.maximumf %max3A_829, %get3A_876 : vector<16xf32>
        %add3A_878 = arith.addf %add3A_830, %get3A_876 : vector<16xf32>
        %mul3A_879 = arith.mulf %get3A_876, %get3A_876 : vector<16xf32>
        %add3A_880 = arith.addf %add3A_832, %mul3A_879 : vector<16xf32>
        %mul3A_881 = arith.constant 20 : i32
        %mul3A_882 = arith.muli %scan3A_334, %mul3A_881 : i32
        %add3A_883 = arith.constant 11 : i32
        %add3A_884 = arith.addi %mul3A_882, %add3A_883 : i32
        %get3A_885 = arith.index_cast %add3A_884 : i32 to index
        %get3A_886 = arith.constant 0 : index
        %get3A_887 = tpu.vector_load %arg8[%get3A_885, %get3A_886] {strides = array<i32>} : memref<640x128xf32, #tpu.memory_space<vmem>>, vector<1x16xf32>,
        %get3A_888 = vector.shape_cast %get3A_887 : vector<1x16xf32> to vector<16xf32>
        %max3A_889 = arith.maximumf %max3A_841, %get3A_888 : vector<16xf32>
        %add3A_890 = arith.addf %add3A_842, %get3A_888 : vector<16xf32>
        %mul3A_891 = arith.mulf %get3A_888, %get3A_888 : vector<16xf32>
        %add3A_892 = arith.addf %add3A_844, %mul3A_891 : vector<16xf32>
        %mul3A_893 = arith.constant 20 : i32
        %mul3A_894 = arith.muli %scan3A_334, %mul3A_893 : i32
        %add3A_895 = arith.constant 11 : i32
        %add3A_896 = arith.addi %mul3A_894, %add3A_895 : i32
        %get3A_897 = arith.index_cast %add3A_896 : i32 to index
        %get3A_898 = arith.constant 16 : index
        %get3A_899 = tpu.vector_load %arg8[%get3A_897, %get3A_898] {strides = array<i32>} : memref<640x128xf32, #tpu.memory_space<vmem>>, vector<1x16xf32>,
        %get3A_900 = vector.shape_cast %get3A_899 : vector<1x16xf32> to vector<16xf32>
        %max3A_901 = arith.maximumf %max3A_853, %get3A_900 : vector<16xf32>
        %add3A_902 = arith.addf %add3A_854, %get3A_900 : vector<16xf32>
        %mul3A_903 = arith.mulf %get3A_900, %get3A_900 : vector<16xf32>
        %add3A_904 = arith.addf %add3A_856, %mul3A_903 : vector<16xf32>
        %mul3A_905 = arith.constant 20 : i32
        %mul3A_906 = arith.muli %scan3A_334, %mul3A_905 : i32
        %add3A_907 = arith.constant 11 : i32
        %add3A_908 = arith.addi %mul3A_906, %add3A_907 : i32
        %get3A_909 = arith.index_cast %add3A_908 : i32 to index
        %get3A_910 = arith.constant 32 : index
        %get3A_911 = tpu.vector_load %arg8[%get3A_909, %get3A_910] {strides = array<i32>} : memref<640x128xf32, #tpu.memory_space<vmem>>, vector<1x16xf32>,
        %get3A_912 = vector.shape_cast %get3A_911 : vector<1x16xf32> to vector<16xf32>
        %max3A_913 = arith.maximumf %max3A_865, %get3A_912 : vector<16xf32>
        %add3A_914 = arith.addf %add3A_866, %get3A_912 : vector<16xf32>
        %mul3A_915 = arith.mulf %get3A_912, %get3A_912 : vector<16xf32>
        %add3A_916 = arith.addf %add3A_868, %mul3A_915 : vector<16xf32>
        %mul3A_917 = arith.constant 20 : i32
        %mul3A_918 = arith.muli %scan3A_334, %mul3A_917 : i32
        %add3A_919 = arith.constant 11 : i32
        %add3A_920 = arith.addi %mul3A_918, %add3A_919 : i32
        %get3A_921 = arith.index_cast %add3A_920 : i32 to index
        %get3A_922 = arith.constant 48 : index
        %get3A_923 = tpu.vector_load %arg8[%get3A_921, %get3A_922] {strides = array<i32>} : memref<640x128xf32, #tpu.memory_space<vmem>>, vector<1x16xf32>,
        %get3A_924 = vector.shape_cast %get3A_923 : vector<1x16xf32> to vector<16xf32>
        %max3A_925 = arith.maximumf %max3A_877, %get3A_924 : vector<16xf32>
        %add3A_926 = arith.addf %add3A_878, %get3A_924 : vector<16xf32>
        %mul3A_927 = arith.mulf %get3A_924, %get3A_924 : vector<16xf32>
        %add3A_928 = arith.addf %add3A_880, %mul3A_927 : vector<16xf32>
        %mul3A_929 = arith.constant 20 : i32
        %mul3A_930 = arith.muli %scan3A_334, %mul3A_929 : i32
        %add3A_931 = arith.constant 12 : i32
        %add3A_932 = arith.addi %mul3A_930, %add3A_931 : i32
        %get3A_933 = arith.index_cast %add3A_932 : i32 to index
        %get3A_934 = arith.constant 0 : index
        %get3A_935 = tpu.vector_load %arg8[%get3A_933, %get3A_934] {strides = array<i32>} : memref<640x128xf32, #tpu.memory_space<vmem>>, vector<1x16xf32>,
        %get3A_936 = vector.shape_cast %get3A_935 : vector<1x16xf32> to vector<16xf32>
        %max3A_937 = arith.maximumf %max3A_889, %get3A_936 : vector<16xf32>
        %add3A_938 = arith.addf %add3A_890, %get3A_936 : vector<16xf32>
        %mul3A_939 = arith.mulf %get3A_936, %get3A_936 : vector<16xf32>
        %add3A_940 = arith.addf %add3A_892, %mul3A_939 : vector<16xf32>
        %mul3A_941 = arith.constant 20 : i32
        %mul3A_942 = arith.muli %scan3A_334, %mul3A_941 : i32
        %add3A_943 = arith.constant 12 : i32
        %add3A_944 = arith.addi %mul3A_942, %add3A_943 : i32
        %get3A_945 = arith.index_cast %add3A_944 : i32 to index
        %get3A_946 = arith.constant 16 : index
        %get3A_947 = tpu.vector_load %arg8[%get3A_945, %get3A_946] {strides = array<i32>} : memref<640x128xf32, #tpu.memory_space<vmem>>, vector<1x16xf32>,
        %get3A_948 = vector.shape_cast %get3A_947 : vector<1x16xf32> to vector<16xf32>
        %max3A_949 = arith.maximumf %max3A_901, %get3A_948 : vector<16xf32>
        %add3A_950 = arith.addf %add3A_902, %get3A_948 : vector<16xf32>
        %mul3A_951 = arith.mulf %get3A_948, %get3A_948 : vector<16xf32>
        %add3A_952 = arith.addf %add3A_904, %mul3A_951 : vector<16xf32>
        %mul3A_953 = arith.constant 20 : i32
        %mul3A_954 = arith.muli %scan3A_334, %mul3A_953 : i32
        %add3A_955 = arith.constant 12 : i32
        %add3A_956 = arith.addi %mul3A_954, %add3A_955 : i32
        %get3A_957 = arith.index_cast %add3A_956 : i32 to index
        %get3A_958 = arith.constant 32 : index
        %get3A_959 = tpu.vector_load %arg8[%get3A_957, %get3A_958] {strides = array<i32>} : memref<640x128xf32, #tpu.memory_space<vmem>>, vector<1x16xf32>,
        %get3A_960 = vector.shape_cast %get3A_959 : vector<1x16xf32> to vector<16xf32>
        %max3A_961 = arith.maximumf %max3A_913, %get3A_960 : vector<16xf32>
        %add3A_962 = arith.addf %add3A_914, %get3A_960 : vector<16xf32>
        %mul3A_963 = arith.mulf %get3A_960, %get3A_960 : vector<16xf32>
        %add3A_964 = arith.addf %add3A_916, %mul3A_963 : vector<16xf32>
        %mul3A_965 = arith.constant 20 : i32
        %mul3A_966 = arith.muli %scan3A_334, %mul3A_965 : i32
        %add3A_967 = arith.constant 12 : i32
        %add3A_968 = arith.addi %mul3A_966, %add3A_967 : i32
        %get3A_969 = arith.index_cast %add3A_968 : i32 to index
        %get3A_970 = arith.constant 48 : index
        %get3A_971 = tpu.vector_load %arg8[%get3A_969, %get3A_970] {strides = array<i32>} : memref<640x128xf32, #tpu.memory_space<vmem>>, vector<1x16xf32>,
        %get3A_972 = vector.shape_cast %get3A_971 : vector<1x16xf32> to vector<16xf32>
        %max3A_973 = arith.maximumf %max3A_925, %get3A_972 : vector<16xf32>
        %add3A_974 = arith.addf %add3A_926, %get3A_972 : vector<16xf32>
        %mul3A_975 = arith.mulf %get3A_972, %get3A_972 : vector<16xf32>
        %add3A_976 = arith.addf %add3A_928, %mul3A_975 : vector<16xf32>
        %mul3A_977 = arith.constant 20 : i32
        %mul3A_978 = arith.muli %scan3A_334, %mul3A_977 : i32
        %add3A_979 = arith.constant 13 : i32
        %add3A_980 = arith.addi %mul3A_978, %add3A_979 : i32
        %get3A_981 = arith.index_cast %add3A_980 : i32 to index
        %get3A_982 = arith.constant 0 : index
        %get3A_983 = tpu.vector_load %arg8[%get3A_981, %get3A_982] {strides = array<i32>} : memref<640x128xf32, #tpu.memory_space<vmem>>, vector<1x16xf32>,
        %get3A_984 = vector.shape_cast %get3A_983 : vector<1x16xf32> to vector<16xf32>
        %max3A_985 = arith.maximumf %max3A_937, %get3A_984 : vector<16xf32>
        %add3A_986 = arith.addf %add3A_938, %get3A_984 : vector<16xf32>
        %mul3A_987 = arith.mulf %get3A_984, %get3A_984 : vector<16xf32>
        %add3A_988 = arith.addf %add3A_940, %mul3A_987 : vector<16xf32>
        %mul3A_989 = arith.constant 20 : i32
        %mul3A_990 = arith.muli %scan3A_334, %mul3A_989 : i32
        %add3A_991 = arith.constant 13 : i32
        %add3A_992 = arith.addi %mul3A_990, %add3A_991 : i32
        %get3A_993 = arith.index_cast %add3A_992 : i32 to index
        %get3A_994 = arith.constant 16 : index
        %get3A_995 = tpu.vector_load %arg8[%get3A_993, %get3A_994] {strides = array<i32>} : memref<640x128xf32, #tpu.memory_space<vmem>>, vector<1x16xf32>,
        %get3A_996 = vector.shape_cast %get3A_995 : vector<1x16xf32> to vector<16xf32>
        %max3A_997 = arith.maximumf %max3A_949, %get3A_996 : vector<16xf32>
        %add3A_998 = arith.addf %add3A_950, %get3A_996 : vector<16xf32>
        %mul3A_999 = arith.mulf %get3A_996, %get3A_996 : vector<16xf32>
        %add3A_1000 = arith.addf %add3A_952, %mul3A_999 : vector<16xf32>
        %mul3A_1001 = arith.constant 20 : i32
        %mul3A_1002 = arith.muli %scan3A_334, %mul3A_1001 : i32
        %add3A_1003 = arith.constant 13 : i32
        %add3A_1004 = arith.addi %mul3A_1002, %add3A_1003 : i32
        %get3A_1005 = arith.index_cast %add3A_1004 : i32 to index
        %get3A_1006 = arith.constant 32 : index
        %get3A_1007 = tpu.vector_load %arg8[%get3A_1005, %get3A_1006] {strides = array<i32>} : memref<640x128xf32, #tpu.memory_space<vmem>>, vector<1x16xf32>,
        %get3A_1008 = vector.shape_cast %get3A_1007 : vector<1x16xf32> to vector<16xf32>
        %max3A_1009 = arith.maximumf %max3A_961, %get3A_1008 : vector<16xf32>
        %add3A_1010 = arith.addf %add3A_962, %get3A_1008 : vector<16xf32>
        %mul3A_1011 = arith.mulf %get3A_1008, %get3A_1008 : vector<16xf32>
        %add3A_1012 = arith.addf %add3A_964, %mul3A_1011 : vector<16xf32>
        %mul3A_1013 = arith.constant 20 : i32
        %mul3A_1014 = arith.muli %scan3A_334, %mul3A_1013 : i32
        %add3A_1015 = arith.constant 13 : i32
        %add3A_1016 = arith.addi %mul3A_1014, %add3A_1015 : i32
        %get3A_1017 = arith.index_cast %add3A_1016 : i32 to index
        %get3A_1018 = arith.constant 48 : index
        %get3A_1019 = tpu.vector_load %arg8[%get3A_1017, %get3A_1018] {strides = array<i32>} : memref<640x128xf32, #tpu.memory_space<vmem>>, vector<1x16xf32>,
        %get3A_1020 = vector.shape_cast %get3A_1019 : vector<1x16xf32> to vector<16xf32>
        %max3A_1021 = arith.maximumf %max3A_973, %get3A_1020 : vector<16xf32>
        %add3A_1022 = arith.addf %add3A_974, %get3A_1020 : vector<16xf32>
        %mul3A_1023 = arith.mulf %get3A_1020, %get3A_1020 : vector<16xf32>
        %add3A_1024 = arith.addf %add3A_976, %mul3A_1023 : vector<16xf32>
        %mul3A_1025 = arith.constant 20 : i32
        %mul3A_1026 = arith.muli %scan3A_334, %mul3A_1025 : i32
        %add3A_1027 = arith.constant 14 : i32
        %add3A_1028 = arith.addi %mul3A_1026, %add3A_1027 : i32
        %get3A_1029 = arith.index_cast %add3A_1028 : i32 to index
        %get3A_1030 = arith.constant 0 : index
        %get3A_1031 = tpu.vector_load %arg8[%get3A_1029, %get3A_1030] {strides = array<i32>} : memref<640x128xf32, #tpu.memory_space<vmem>>, vector<1x16xf32>,
        %get3A_1032 = vector.shape_cast %get3A_1031 : vector<1x16xf32> to vector<16xf32>
        %max3A_1033 = arith.maximumf %max3A_985, %get3A_1032 : vector<16xf32>
        %add3A_1034 = arith.addf %add3A_986, %get3A_1032 : vector<16xf32>
        %mul3A_1035 = arith.mulf %get3A_1032, %get3A_1032 : vector<16xf32>
        %add3A_1036 = arith.addf %add3A_988, %mul3A_1035 : vector<16xf32>
        %mul3A_1037 = arith.constant 20 : i32
        %mul3A_1038 = arith.muli %scan3A_334, %mul3A_1037 : i32
        %add3A_1039 = arith.constant 14 : i32
        %add3A_1040 = arith.addi %mul3A_1038, %add3A_1039 : i32
        %get3A_1041 = arith.index_cast %add3A_1040 : i32 to index
        %get3A_1042 = arith.constant 16 : index
        %get3A_1043 = tpu.vector_load %arg8[%get3A_1041, %get3A_1042] {strides = array<i32>} : memref<640x128xf32, #tpu.memory_space<vmem>>, vector<1x16xf32>,
        %get3A_1044 = vector.shape_cast %get3A_1043 : vector<1x16xf32> to vector<16xf32>
        %max3A_1045 = arith.maximumf %max3A_997, %get3A_1044 : vector<16xf32>
        %add3A_1046 = arith.addf %add3A_998, %get3A_1044 : vector<16xf32>
        %mul3A_1047 = arith.mulf %get3A_1044, %get3A_1044 : vector<16xf32>
        %add3A_1048 = arith.addf %add3A_1000, %mul3A_1047 : vector<16xf32>
        %mul3A_1049 = arith.constant 20 : i32
        %mul3A_1050 = arith.muli %scan3A_334, %mul3A_1049 : i32
        %add3A_1051 = arith.constant 14 : i32
        %add3A_1052 = arith.addi %mul3A_1050, %add3A_1051 : i32
        %get3A_1053 = arith.index_cast %add3A_1052 : i32 to index
        %get3A_1054 = arith.constant 32 : index
        %get3A_1055 = tpu.vector_load %arg8[%get3A_1053, %get3A_1054] {strides = array<i32>} : memref<640x128xf32, #tpu.memory_space<vmem>>, vector<1x16xf32>,
        %get3A_1056 = vector.shape_cast %get3A_1055 : vector<1x16xf32> to vector<16xf32>
        %max3A_1057 = arith.maximumf %max3A_1009, %get3A_1056 : vector<16xf32>
        %add3A_1058 = arith.addf %add3A_1010, %get3A_1056 : vector<16xf32>
        %mul3A_1059 = arith.mulf %get3A_1056, %get3A_1056 : vector<16xf32>
        %add3A_1060 = arith.addf %add3A_1012, %mul3A_1059 : vector<16xf32>
        %mul3A_1061 = arith.constant 20 : i32
        %mul3A_1062 = arith.muli %scan3A_334, %mul3A_1061 : i32
        %add3A_1063 = arith.constant 14 : i32
        %add3A_1064 = arith.addi %mul3A_1062, %add3A_1063 : i32
        %get3A_1065 = arith.index_cast %add3A_1064 : i32 to index
        %get3A_1066 = arith.constant 48 : index
        %get3A_1067 = tpu.vector_load %arg8[%get3A_1065, %get3A_1066] {strides = array<i32>} : memref<640x128xf32, #tpu.memory_space<vmem>>, vector<1x16xf32>,
        %get3A_1068 = vector.shape_cast %get3A_1067 : vector<1x16xf32> to vector<16xf32>
        %max3A_1069 = arith.maximumf %max3A_1021, %get3A_1068 : vector<16xf32>
        %add3A_1070 = arith.addf %add3A_1022, %get3A_1068 : vector<16xf32>
        %mul3A_1071 = arith.mulf %get3A_1068, %get3A_1068 : vector<16xf32>
        %add3A_1072 = arith.addf %add3A_1024, %mul3A_1071 : vector<16xf32>
        %mul3A_1073 = arith.constant 20 : i32
        %mul3A_1074 = arith.muli %scan3A_334, %mul3A_1073 : i32
        %add3A_1075 = arith.constant 15 : i32
        %add3A_1076 = arith.addi %mul3A_1074, %add3A_1075 : i32
        %get3A_1077 = arith.index_cast %add3A_1076 : i32 to index
        %get3A_1078 = arith.constant 0 : index
        %get3A_1079 = tpu.vector_load %arg8[%get3A_1077, %get3A_1078] {strides = array<i32>} : memref<640x128xf32, #tpu.memory_space<vmem>>, vector<1x16xf32>,
        %get3A_1080 = vector.shape_cast %get3A_1079 : vector<1x16xf32> to vector<16xf32>
        %max3A_1081 = arith.maximumf %max3A_1033, %get3A_1080 : vector<16xf32>
        %add3A_1082 = arith.addf %add3A_1034, %get3A_1080 : vector<16xf32>
        %mul3A_1083 = arith.mulf %get3A_1080, %get3A_1080 : vector<16xf32>
        %add3A_1084 = arith.addf %add3A_1036, %mul3A_1083 : vector<16xf32>
        %mul3A_1085 = arith.constant 20 : i32
        %mul3A_1086 = arith.muli %scan3A_334, %mul3A_1085 : i32
        %add3A_1087 = arith.constant 15 : i32
        %add3A_1088 = arith.addi %mul3A_1086, %add3A_1087 : i32
        %get3A_1089 = arith.index_cast %add3A_1088 : i32 to index
        %get3A_1090 = arith.constant 16 : index
        %get3A_1091 = tpu.vector_load %arg8[%get3A_1089, %get3A_1090] {strides = array<i32>} : memref<640x128xf32, #tpu.memory_space<vmem>>, vector<1x16xf32>,
        %get3A_1092 = vector.shape_cast %get3A_1091 : vector<1x16xf32> to vector<16xf32>
        %max3A_1093 = arith.maximumf %max3A_1045, %get3A_1092 : vector<16xf32>
        %add3A_1094 = arith.addf %add3A_1046, %get3A_1092 : vector<16xf32>
        %mul3A_1095 = arith.mulf %get3A_1092, %get3A_1092 : vector<16xf32>
        %add3A_1096 = arith.addf %add3A_1048, %mul3A_1095 : vector<16xf32>
        %mul3A_1097 = arith.constant 20 : i32
        %mul3A_1098 = arith.muli %scan3A_334, %mul3A_1097 : i32
        %add3A_1099 = arith.constant 15 : i32
        %add3A_1100 = arith.addi %mul3A_1098, %add3A_1099 : i32
        %get3A_1101 = arith.index_cast %add3A_1100 : i32 to index
        %get3A_1102 = arith.constant 32 : index
        %get3A_1103 = tpu.vector_load %arg8[%get3A_1101, %get3A_1102] {strides = array<i32>} : memref<640x128xf32, #tpu.memory_space<vmem>>, vector<1x16xf32>,
        %get3A_1104 = vector.shape_cast %get3A_1103 : vector<1x16xf32> to vector<16xf32>
        %max3A_1105 = arith.maximumf %max3A_1057, %get3A_1104 : vector<16xf32>
        %add3A_1106 = arith.addf %add3A_1058, %get3A_1104 : vector<16xf32>
        %mul3A_1107 = arith.mulf %get3A_1104, %get3A_1104 : vector<16xf32>
        %add3A_1108 = arith.addf %add3A_1060, %mul3A_1107 : vector<16xf32>
        %mul3A_1109 = arith.constant 20 : i32
        %mul3A_1110 = arith.muli %scan3A_334, %mul3A_1109 : i32
        %add3A_1111 = arith.constant 15 : i32
        %add3A_1112 = arith.addi %mul3A_1110, %add3A_1111 : i32
        %get3A_1113 = arith.index_cast %add3A_1112 : i32 to index
        %get3A_1114 = arith.constant 48 : index
        %get3A_1115 = tpu.vector_load %arg8[%get3A_1113, %get3A_1114] {strides = array<i32>} : memref<640x128xf32, #tpu.memory_space<vmem>>, vector<1x16xf32>,
        %get3A_1116 = vector.shape_cast %get3A_1115 : vector<1x16xf32> to vector<16xf32>
        %max3A_1117 = arith.maximumf %max3A_1069, %get3A_1116 : vector<16xf32>
        %add3A_1118 = arith.addf %add3A_1070, %get3A_1116 : vector<16xf32>
        %mul3A_1119 = arith.mulf %get3A_1116, %get3A_1116 : vector<16xf32>
        %add3A_1120 = arith.addf %add3A_1072, %mul3A_1119 : vector<16xf32>
        %mul3A_1121 = arith.constant 20 : i32
        %mul3A_1122 = arith.muli %scan3A_334, %mul3A_1121 : i32
        %add3A_1123 = arith.constant 16 : i32
        %add3A_1124 = arith.addi %mul3A_1122, %add3A_1123 : i32
        %get3A_1125 = arith.index_cast %add3A_1124 : i32 to index
        %get3A_1126 = arith.constant 0 : index
        %get3A_1127 = tpu.vector_load %arg8[%get3A_1125, %get3A_1126] {strides = array<i32>} : memref<640x128xf32, #tpu.memory_space<vmem>>, vector<1x16xf32>,
        %get3A_1128 = vector.shape_cast %get3A_1127 : vector<1x16xf32> to vector<16xf32>
        %max3A_1129 = arith.maximumf %max3A_1081, %get3A_1128 : vector<16xf32>
        %add3A_1130 = arith.addf %add3A_1082, %get3A_1128 : vector<16xf32>
        %mul3A_1131 = arith.mulf %get3A_1128, %get3A_1128 : vector<16xf32>
        %add3A_1132 = arith.addf %add3A_1084, %mul3A_1131 : vector<16xf32>
        %mul3A_1133 = arith.constant 20 : i32
        %mul3A_1134 = arith.muli %scan3A_334, %mul3A_1133 : i32
        %add3A_1135 = arith.constant 16 : i32
        %add3A_1136 = arith.addi %mul3A_1134, %add3A_1135 : i32
        %get3A_1137 = arith.index_cast %add3A_1136 : i32 to index
        %get3A_1138 = arith.constant 16 : index
        %get3A_1139 = tpu.vector_load %arg8[%get3A_1137, %get3A_1138] {strides = array<i32>} : memref<640x128xf32, #tpu.memory_space<vmem>>, vector<1x16xf32>,
        %get3A_1140 = vector.shape_cast %get3A_1139 : vector<1x16xf32> to vector<16xf32>
        %max3A_1141 = arith.maximumf %max3A_1093, %get3A_1140 : vector<16xf32>
        %add3A_1142 = arith.addf %add3A_1094, %get3A_1140 : vector<16xf32>
        %mul3A_1143 = arith.mulf %get3A_1140, %get3A_1140 : vector<16xf32>
        %add3A_1144 = arith.addf %add3A_1096, %mul3A_1143 : vector<16xf32>
        %mul3A_1145 = arith.constant 20 : i32
        %mul3A_1146 = arith.muli %scan3A_334, %mul3A_1145 : i32
        %add3A_1147 = arith.constant 16 : i32
        %add3A_1148 = arith.addi %mul3A_1146, %add3A_1147 : i32
        %get3A_1149 = arith.index_cast %add3A_1148 : i32 to index
        %get3A_1150 = arith.constant 32 : index
        %get3A_1151 = tpu.vector_load %arg8[%get3A_1149, %get3A_1150] {strides = array<i32>} : memref<640x128xf32, #tpu.memory_space<vmem>>, vector<1x16xf32>,
        %get3A_1152 = vector.shape_cast %get3A_1151 : vector<1x16xf32> to vector<16xf32>
        %max3A_1153 = arith.maximumf %max3A_1105, %get3A_1152 : vector<16xf32>
        %add3A_1154 = arith.addf %add3A_1106, %get3A_1152 : vector<16xf32>
        %mul3A_1155 = arith.mulf %get3A_1152, %get3A_1152 : vector<16xf32>
        %add3A_1156 = arith.addf %add3A_1108, %mul3A_1155 : vector<16xf32>
        %mul3A_1157 = arith.constant 20 : i32
        %mul3A_1158 = arith.muli %scan3A_334, %mul3A_1157 : i32
        %add3A_1159 = arith.constant 16 : i32
        %add3A_1160 = arith.addi %mul3A_1158, %add3A_1159 : i32
        %get3A_1161 = arith.index_cast %add3A_1160 : i32 to index
        %get3A_1162 = arith.constant 48 : index
        %get3A_1163 = tpu.vector_load %arg8[%get3A_1161, %get3A_1162] {strides = array<i32>} : memref<640x128xf32, #tpu.memory_space<vmem>>, vector<1x16xf32>,
        %get3A_1164 = vector.shape_cast %get3A_1163 : vector<1x16xf32> to vector<16xf32>
        %max3A_1165 = arith.maximumf %max3A_1117, %get3A_1164 : vector<16xf32>
        %add3A_1166 = arith.addf %add3A_1118, %get3A_1164 : vector<16xf32>
        %mul3A_1167 = arith.mulf %get3A_1164, %get3A_1164 : vector<16xf32>
        %add3A_1168 = arith.addf %add3A_1120, %mul3A_1167 : vector<16xf32>
        %mul3A_1169 = arith.constant 20 : i32
        %mul3A_1170 = arith.muli %scan3A_334, %mul3A_1169 : i32
        %add3A_1171 = arith.constant 17 : i32
        %add3A_1172 = arith.addi %mul3A_1170, %add3A_1171 : i32
        %get3A_1173 = arith.index_cast %add3A_1172 : i32 to index
        %get3A_1174 = arith.constant 0 : index
        %get3A_1175 = tpu.vector_load %arg8[%get3A_1173, %get3A_1174] {strides = array<i32>} : memref<640x128xf32, #tpu.memory_space<vmem>>, vector<1x16xf32>,
        %get3A_1176 = vector.shape_cast %get3A_1175 : vector<1x16xf32> to vector<16xf32>
        %max3A_1177 = arith.maximumf %max3A_1129, %get3A_1176 : vector<16xf32>
        %add3A_1178 = arith.addf %add3A_1130, %get3A_1176 : vector<16xf32>
        %mul3A_1179 = arith.mulf %get3A_1176, %get3A_1176 : vector<16xf32>
        %add3A_1180 = arith.addf %add3A_1132, %mul3A_1179 : vector<16xf32>
        %mul3A_1181 = arith.constant 20 : i32
        %mul3A_1182 = arith.muli %scan3A_334, %mul3A_1181 : i32
        %add3A_1183 = arith.constant 17 : i32
        %add3A_1184 = arith.addi %mul3A_1182, %add3A_1183 : i32
        %get3A_1185 = arith.index_cast %add3A_1184 : i32 to index
        %get3A_1186 = arith.constant 16 : index
        %get3A_1187 = tpu.vector_load %arg8[%get3A_1185, %get3A_1186] {strides = array<i32>} : memref<640x128xf32, #tpu.memory_space<vmem>>, vector<1x16xf32>,
        %get3A_1188 = vector.shape_cast %get3A_1187 : vector<1x16xf32> to vector<16xf32>
        %max3A_1189 = arith.maximumf %max3A_1141, %get3A_1188 : vector<16xf32>
        %add3A_1190 = arith.addf %add3A_1142, %get3A_1188 : vector<16xf32>
        %mul3A_1191 = arith.mulf %get3A_1188, %get3A_1188 : vector<16xf32>
        %add3A_1192 = arith.addf %add3A_1144, %mul3A_1191 : vector<16xf32>
        %mul3A_1193 = arith.constant 20 : i32
        %mul3A_1194 = arith.muli %scan3A_334, %mul3A_1193 : i32
        %add3A_1195 = arith.constant 17 : i32
        %add3A_1196 = arith.addi %mul3A_1194, %add3A_1195 : i32
        %get3A_1197 = arith.index_cast %add3A_1196 : i32 to index
        %get3A_1198 = arith.constant 32 : index
        %get3A_1199 = tpu.vector_load %arg8[%get3A_1197, %get3A_1198] {strides = array<i32>} : memref<640x128xf32, #tpu.memory_space<vmem>>, vector<1x16xf32>,
        %get3A_1200 = vector.shape_cast %get3A_1199 : vector<1x16xf32> to vector<16xf32>
        %max3A_1201 = arith.maximumf %max3A_1153, %get3A_1200 : vector<16xf32>
        %add3A_1202 = arith.addf %add3A_1154, %get3A_1200 : vector<16xf32>
        %mul3A_1203 = arith.mulf %get3A_1200, %get3A_1200 : vector<16xf32>
        %add3A_1204 = arith.addf %add3A_1156, %mul3A_1203 : vector<16xf32>
        %mul3A_1205 = arith.constant 20 : i32
        %mul3A_1206 = arith.muli %scan3A_334, %mul3A_1205 : i32
        %add3A_1207 = arith.constant 17 : i32
        %add3A_1208 = arith.addi %mul3A_1206, %add3A_1207 : i32
        %get3A_1209 = arith.index_cast %add3A_1208 : i32 to index
        %get3A_1210 = arith.constant 48 : index
        %get3A_1211 = tpu.vector_load %arg8[%get3A_1209, %get3A_1210] {strides = array<i32>} : memref<640x128xf32, #tpu.memory_space<vmem>>, vector<1x16xf32>,
        %get3A_1212 = vector.shape_cast %get3A_1211 : vector<1x16xf32> to vector<16xf32>
        %max3A_1213 = arith.maximumf %max3A_1165, %get3A_1212 : vector<16xf32>
        %add3A_1214 = arith.addf %add3A_1166, %get3A_1212 : vector<16xf32>
        %mul3A_1215 = arith.mulf %get3A_1212, %get3A_1212 : vector<16xf32>
        %add3A_1216 = arith.addf %add3A_1168, %mul3A_1215 : vector<16xf32>
        %mul3A_1217 = arith.constant 20 : i32
        %mul3A_1218 = arith.muli %scan3A_334, %mul3A_1217 : i32
        %add3A_1219 = arith.constant 18 : i32
        %add3A_1220 = arith.addi %mul3A_1218, %add3A_1219 : i32
        %get3A_1221 = arith.index_cast %add3A_1220 : i32 to index
        %get3A_1222 = arith.constant 0 : index
        %get3A_1223 = tpu.vector_load %arg8[%get3A_1221, %get3A_1222] {strides = array<i32>} : memref<640x128xf32, #tpu.memory_space<vmem>>, vector<1x16xf32>,
        %get3A_1224 = vector.shape_cast %get3A_1223 : vector<1x16xf32> to vector<16xf32>
        %max3A_1225 = arith.maximumf %max3A_1177, %get3A_1224 : vector<16xf32>
        %add3A_1226 = arith.addf %add3A_1178, %get3A_1224 : vector<16xf32>
        %mul3A_1227 = arith.mulf %get3A_1224, %get3A_1224 : vector<16xf32>
        %add3A_1228 = arith.addf %add3A_1180, %mul3A_1227 : vector<16xf32>
        %mul3A_1229 = arith.constant 20 : i32
        %mul3A_1230 = arith.muli %scan3A_334, %mul3A_1229 : i32
        %add3A_1231 = arith.constant 18 : i32
        %add3A_1232 = arith.addi %mul3A_1230, %add3A_1231 : i32
        %get3A_1233 = arith.index_cast %add3A_1232 : i32 to index
        %get3A_1234 = arith.constant 16 : index
        %get3A_1235 = tpu.vector_load %arg8[%get3A_1233, %get3A_1234] {strides = array<i32>} : memref<640x128xf32, #tpu.memory_space<vmem>>, vector<1x16xf32>,
        %get3A_1236 = vector.shape_cast %get3A_1235 : vector<1x16xf32> to vector<16xf32>
        %max3A_1237 = arith.maximumf %max3A_1189, %get3A_1236 : vector<16xf32>
        %add3A_1238 = arith.addf %add3A_1190, %get3A_1236 : vector<16xf32>
        %mul3A_1239 = arith.mulf %get3A_1236, %get3A_1236 : vector<16xf32>
        %add3A_1240 = arith.addf %add3A_1192, %mul3A_1239 : vector<16xf32>
        %mul3A_1241 = arith.constant 20 : i32
        %mul3A_1242 = arith.muli %scan3A_334, %mul3A_1241 : i32
        %add3A_1243 = arith.constant 18 : i32
        %add3A_1244 = arith.addi %mul3A_1242, %add3A_1243 : i32
        %get3A_1245 = arith.index_cast %add3A_1244 : i32 to index
        %get3A_1246 = arith.constant 32 : index
        %get3A_1247 = tpu.vector_load %arg8[%get3A_1245, %get3A_1246] {strides = array<i32>} : memref<640x128xf32, #tpu.memory_space<vmem>>, vector<1x16xf32>,
        %get3A_1248 = vector.shape_cast %get3A_1247 : vector<1x16xf32> to vector<16xf32>
        %max3A_1249 = arith.maximumf %max3A_1201, %get3A_1248 : vector<16xf32>
        %add3A_1250 = arith.addf %add3A_1202, %get3A_1248 : vector<16xf32>
        %mul3A_1251 = arith.mulf %get3A_1248, %get3A_1248 : vector<16xf32>
        %add3A_1252 = arith.addf %add3A_1204, %mul3A_1251 : vector<16xf32>
        %mul3A_1253 = arith.constant 20 : i32
        %mul3A_1254 = arith.muli %scan3A_334, %mul3A_1253 : i32
        %add3A_1255 = arith.constant 18 : i32
        %add3A_1256 = arith.addi %mul3A_1254, %add3A_1255 : i32
        %get3A_1257 = arith.index_cast %add3A_1256 : i32 to index
        %get3A_1258 = arith.constant 48 : index
        %get3A_1259 = tpu.vector_load %arg8[%get3A_1257, %get3A_1258] {strides = array<i32>} : memref<640x128xf32, #tpu.memory_space<vmem>>, vector<1x16xf32>,
        %get3A_1260 = vector.shape_cast %get3A_1259 : vector<1x16xf32> to vector<16xf32>
        %max3A_1261 = arith.maximumf %max3A_1213, %get3A_1260 : vector<16xf32>
        %add3A_1262 = arith.addf %add3A_1214, %get3A_1260 : vector<16xf32>
        %mul3A_1263 = arith.mulf %get3A_1260, %get3A_1260 : vector<16xf32>
        %add3A_1264 = arith.addf %add3A_1216, %mul3A_1263 : vector<16xf32>
        %mul3A_1265 = arith.constant 20 : i32
        %mul3A_1266 = arith.muli %scan3A_334, %mul3A_1265 : i32
        %add3A_1267 = arith.constant 19 : i32
        %add3A_1268 = arith.addi %mul3A_1266, %add3A_1267 : i32
        %get3A_1269 = arith.index_cast %add3A_1268 : i32 to index
        %get3A_1270 = arith.constant 0 : index
        %get3A_1271 = tpu.vector_load %arg8[%get3A_1269, %get3A_1270] {strides = array<i32>} : memref<640x128xf32, #tpu.memory_space<vmem>>, vector<1x16xf32>,
        %get3A_1272 = vector.shape_cast %get3A_1271 : vector<1x16xf32> to vector<16xf32>
        %max3A_1273 = arith.maximumf %max3A_1225, %get3A_1272 : vector<16xf32>
        %add3A_1274 = arith.addf %add3A_1226, %get3A_1272 : vector<16xf32>
        %mul3A_1275 = arith.mulf %get3A_1272, %get3A_1272 : vector<16xf32>
        %add3A_1276 = arith.addf %add3A_1228, %mul3A_1275 : vector<16xf32>
        %mul3A_1277 = arith.constant 20 : i32
        %mul3A_1278 = arith.muli %scan3A_334, %mul3A_1277 : i32
        %add3A_1279 = arith.constant 19 : i32
        %add3A_1280 = arith.addi %mul3A_1278, %add3A_1279 : i32
        %get3A_1281 = arith.index_cast %add3A_1280 : i32 to index
        %get3A_1282 = arith.constant 16 : index
        %get3A_1283 = tpu.vector_load %arg8[%get3A_1281, %get3A_1282] {strides = array<i32>} : memref<640x128xf32, #tpu.memory_space<vmem>>, vector<1x16xf32>,
        %get3A_1284 = vector.shape_cast %get3A_1283 : vector<1x16xf32> to vector<16xf32>
        %max3A_1285 = arith.maximumf %max3A_1237, %get3A_1284 : vector<16xf32>
        %add3A_1286 = arith.addf %add3A_1238, %get3A_1284 : vector<16xf32>
        %mul3A_1287 = arith.mulf %get3A_1284, %get3A_1284 : vector<16xf32>
        %add3A_1288 = arith.addf %add3A_1240, %mul3A_1287 : vector<16xf32>
        %mul3A_1289 = arith.constant 20 : i32
        %mul3A_1290 = arith.muli %scan3A_334, %mul3A_1289 : i32
        %add3A_1291 = arith.constant 19 : i32
        %add3A_1292 = arith.addi %mul3A_1290, %add3A_1291 : i32
        %get3A_1293 = arith.index_cast %add3A_1292 : i32 to index
        %get3A_1294 = arith.constant 32 : index
        %get3A_1295 = tpu.vector_load %arg8[%get3A_1293, %get3A_1294] {strides = array<i32>} : memref<640x128xf32, #tpu.memory_space<vmem>>, vector<1x16xf32>,
        %get3A_1296 = vector.shape_cast %get3A_1295 : vector<1x16xf32> to vector<16xf32>
        %max3A_1297 = arith.maximumf %max3A_1249, %get3A_1296 : vector<16xf32>
        %add3A_1298 = arith.addf %add3A_1250, %get3A_1296 : vector<16xf32>
        %mul3A_1299 = arith.mulf %get3A_1296, %get3A_1296 : vector<16xf32>
        %add3A_1300 = arith.addf %add3A_1252, %mul3A_1299 : vector<16xf32>
        %mul3A_1301 = arith.constant 20 : i32
        %mul3A_1302 = arith.muli %scan3A_334, %mul3A_1301 : i32
        %add3A_1303 = arith.constant 19 : i32
        %add3A_1304 = arith.addi %mul3A_1302, %add3A_1303 : i32
        %get3A_1305 = arith.index_cast %add3A_1304 : i32 to index
        %get3A_1306 = arith.constant 48 : index
        %get3A_1307 = tpu.vector_load %arg8[%get3A_1305, %get3A_1306] {strides = array<i32>} : memref<640x128xf32, #tpu.memory_space<vmem>>, vector<1x16xf32>,
        %get3A_1308 = vector.shape_cast %get3A_1307 : vector<1x16xf32> to vector<16xf32>
        %max3A_1309 = arith.maximumf %max3A_1261, %get3A_1308 : vector<16xf32>
        %add3A_1310 = arith.addf %add3A_1262, %get3A_1308 : vector<16xf32>
        %mul3A_1311 = arith.mulf %get3A_1308, %get3A_1308 : vector<16xf32>
        %add3A_1312 = arith.addf %add3A_1264, %mul3A_1311 : vector<16xf32>
        %swap3A_1313 = arith.index_cast %scan3A_334 : i32 to index
        %swap3A_1314 = arith.constant 0 : index
        %swap3A_1315 = tpu.vector_load %arg9[%swap3A_1313, %swap3A_1314] {strides = array<i32>} : memref<32x64xf32, #tpu.memory_space<vmem>>, vector<1x16xf32>,
        %swap3A_1316 = vector.shape_cast %swap3A_1315 : vector<1x16xf32> to vector<16xf32>
        %swap3A_1317 = vector.shape_cast %max3A_1273 : vector<16xf32> to vector<1x16xf32>
        tpu.vector_store %arg9[%swap3A_1313, %swap3A_1314], %swap3A_1317 {strides = array<i32>} : memref<32x64xf32, #tpu.memory_space<vmem>>, vector<1x16xf32>,
        %swap3A_1318 = arith.index_cast %scan3A_334 : i32 to index
        %swap3A_1319 = arith.constant 0 : index
        %swap3A_1320 = tpu.vector_load %arg10[%swap3A_1318, %swap3A_1319] {strides = array<i32>} : memref<32x64xf32, #tpu.memory_space<vmem>>, vector<1x16xf32>,
        %swap3A_1321 = vector.shape_cast %swap3A_1320 : vector<1x16xf32> to vector<16xf32>
        %swap3A_1322 = vector.shape_cast %add3A_1274 : vector<16xf32> to vector<1x16xf32>
        tpu.vector_store %arg10[%swap3A_1318, %swap3A_1319], %swap3A_1322 {strides = array<i32>} : memref<32x64xf32, #tpu.memory_space<vmem>>, vector<1x16xf32>,
        %swap3A_1323 = arith.index_cast %scan3A_334 : i32 to index
        %swap3A_1324 = arith.constant 16 : index
        %swap3A_1325 = tpu.vector_load %arg9[%swap3A_1323, %swap3A_1324] {strides = array<i32>} : memref<32x64xf32, #tpu.memory_space<vmem>>, vector<1x16xf32>,
        %swap3A_1326 = vector.shape_cast %swap3A_1325 : vector<1x16xf32> to vector<16xf32>
        %swap3A_1327 = vector.shape_cast %max3A_1285 : vector<16xf32> to vector<1x16xf32>
        tpu.vector_store %arg9[%swap3A_1323, %swap3A_1324], %swap3A_1327 {strides = array<i32>} : memref<32x64xf32, #tpu.memory_space<vmem>>, vector<1x16xf32>,
        %swap3A_1328 = arith.index_cast %scan3A_334 : i32 to index
        %swap3A_1329 = arith.constant 16 : index
        %swap3A_1330 = tpu.vector_load %arg10[%swap3A_1328, %swap3A_1329] {strides = array<i32>} : memref<32x64xf32, #tpu.memory_space<vmem>>, vector<1x16xf32>,
        %swap3A_1331 = vector.shape_cast %swap3A_1330 : vector<1x16xf32> to vector<16xf32>
        %swap3A_1332 = vector.shape_cast %add3A_1286 : vector<16xf32> to vector<1x16xf32>
        tpu.vector_store %arg10[%swap3A_1328, %swap3A_1329], %swap3A_1332 {strides = array<i32>} : memref<32x64xf32, #tpu.memory_space<vmem>>, vector<1x16xf32>,
        %swap3A_1333 = arith.index_cast %scan3A_334 : i32 to index
        %swap3A_1334 = arith.constant 32 : index
        %swap3A_1335 = tpu.vector_load %arg9[%swap3A_1333, %swap3A_1334] {strides = array<i32>} : memref<32x64xf32, #tpu.memory_space<vmem>>, vector<1x16xf32>,
        %swap3A_1336 = vector.shape_cast %swap3A_1335 : vector<1x16xf32> to vector<16xf32>
        %swap3A_1337 = vector.shape_cast %max3A_1297 : vector<16xf32> to vector<1x16xf32>
        tpu.vector_store %arg9[%swap3A_1333, %swap3A_1334], %swap3A_1337 {strides = array<i32>} : memref<32x64xf32, #tpu.memory_space<vmem>>, vector<1x16xf32>,
        %swap3A_1338 = arith.index_cast %scan3A_334 : i32 to index
        %swap3A_1339 = arith.constant 32 : index
        %swap3A_1340 = tpu.vector_load %arg10[%swap3A_1338, %swap3A_1339] {strides = array<i32>} : memref<32x64xf32, #tpu.memory_space<vmem>>, vector<1x16xf32>,
        %swap3A_1341 = vector.shape_cast %swap3A_1340 : vector<1x16xf32> to vector<16xf32>
        %swap3A_1342 = vector.shape_cast %add3A_1298 : vector<16xf32> to vector<1x16xf32>
        tpu.vector_store %arg10[%swap3A_1338, %swap3A_1339], %swap3A_1342 {strides = array<i32>} : memref<32x64xf32, #tpu.memory_space<vmem>>, vector<1x16xf32>,
        %swap3A_1343 = arith.index_cast %scan3A_334 : i32 to index
        %swap3A_1344 = arith.constant 48 : index
        %swap3A_1345 = tpu.vector_load %arg9[%swap3A_1343, %swap3A_1344] {strides = array<i32>} : memref<32x64xf32, #tpu.memory_space<vmem>>, vector<1x16xf32>,
        %swap3A_1346 = vector.shape_cast %swap3A_1345 : vector<1x16xf32> to vector<16xf32>
        %swap3A_1347 = vector.shape_cast %max3A_1309 : vector<16xf32> to vector<1x16xf32>
        tpu.vector_store %arg9[%swap3A_1343, %swap3A_1344], %swap3A_1347 {strides = array<i32>} : memref<32x64xf32, #tpu.memory_space<vmem>>, vector<1x16xf32>,
        %swap3A_1348 = arith.index_cast %scan3A_334 : i32 to index
        %swap3A_1349 = arith.constant 48 : index
        %swap3A_1350 = tpu.vector_load %arg10[%swap3A_1348, %swap3A_1349] {strides = array<i32>} : memref<32x64xf32, #tpu.memory_space<vmem>>, vector<1x16xf32>,
        %swap3A_1351 = vector.shape_cast %swap3A_1350 : vector<1x16xf32> to vector<16xf32>
        %swap3A_1352 = vector.shape_cast %add3A_1310 : vector<16xf32> to vector<1x16xf32>
        tpu.vector_store %arg10[%swap3A_1348, %swap3A_1349], %swap3A_1352 {strides = array<i32>} : memref<32x64xf32, #tpu.memory_space<vmem>>, vector<1x16xf32>,
        scf.yield %add3A_1276, %add3A_1288, %add3A_1300, %add3A_1312 : vector<16xf32>, vector<16xf32>, vector<16xf32>, vector<16xf32>
      }
      %scan3A_333 = arith.constant 32 : i32
      "tpu.region"() ({
        %run_scoped3A = tpu.sem_alloc : memref<!tpu.dma_semaphore, #tpu.memory_space<semaphore_mem>>
        %dma_start3A_334 = arith.constant 0 : i32
        %dma_start3A_335 = tpu.memref_slice %arg4[%add3A_219, %dma_start3A_334] : memref<16384x64xf32, #tpu.memory_space<hbm>> -> memref<32x64xf32, #tpu.memory_space<hbm>>
        %dma_start3A_336 = arith.constant 0 : i32
        %dma_start3A_337 = tpu.memref_slice %arg4[%add3A_219, %dma_start3A_336] : memref<16384x64xf32, #tpu.memory_space<hbm>> -> memref<32x64xf32, #tpu.memory_space<hbm>>
        tpu.enqueue_dma source(%arg9 : memref<32x64xf32, #tpu.memory_space<vmem>>) target(%dma_start3A_337 : memref<32x64xf32, #tpu.memory_space<hbm>>) target_semaphore(%run_scoped3A : memref<!tpu.dma_semaphore, #tpu.memory_space<semaphore_mem>>)
        %dma_wait3A_338 = arith.constant 0 : i32
        %dma_wait3A_339 = tpu.memref_slice %arg4[%add3A_219, %dma_wait3A_338] : memref<16384x64xf32, #tpu.memory_space<hbm>> -> memref<32x64xf32, #tpu.memory_space<hbm>>
        %dma_wait3A_340 = arith.constant 0 : i32
        %dma_wait3A_341 = tpu.memref_slice %arg4[%add3A_219, %dma_wait3A_340] : memref<16384x64xf32, #tpu.memory_space<hbm>> -> memref<32x64xf32, #tpu.memory_space<hbm>>
        tpu.wait_dma2 semaphore(%run_scoped3A : memref<!tpu.dma_semaphore, #tpu.memory_space<semaphore_mem>>) src(%arg9 : memref<32x64xf32, #tpu.memory_space<vmem>>) dst(%dma_wait3A_341 : memref<32x64xf32, #tpu.memory_space<hbm>>)
        tpu.yield
      }) : () -> ()
      "tpu.region"() ({
        %run_scoped3A = tpu.sem_alloc : memref<!tpu.dma_semaphore, #tpu.memory_space<semaphore_mem>>
        %dma_start3A_334 = arith.constant 0 : i32
        %dma_start3A_335 = tpu.memref_slice %arg5[%add3A_219, %dma_start3A_334] : memref<16384x64xf32, #tpu.memory_space<hbm>> -> memref<32x64xf32, #tpu.memory_space<hbm>>
        %dma_start3A_336 = arith.constant 0 : i32
        %dma_start3A_337 = tpu.memref_slice %arg5[%add3A_219, %dma_start3A_336] : memref<16384x64xf32, #tpu.memory_space<hbm>> -> memref<32x64xf32, #tpu.memory_space<hbm>>
        tpu.enqueue_dma source(%arg10 : memref<32x64xf32, #tpu.memory_space<vmem>>) target(%dma_start3A_337 : memref<32x64xf32, #tpu.memory_space<hbm>>) target_semaphore(%run_scoped3A : memref<!tpu.dma_semaphore, #tpu.memory_space<semaphore_mem>>)
        %dma_wait3A_338 = arith.constant 0 : i32
        %dma_wait3A_339 = tpu.memref_slice %arg5[%add3A_219, %dma_wait3A_338] : memref<16384x64xf32, #tpu.memory_space<hbm>> -> memref<32x64xf32, #tpu.memory_space<hbm>>
        %dma_wait3A_340 = arith.constant 0 : i32
        %dma_wait3A_341 = tpu.memref_slice %arg5[%add3A_219, %dma_wait3A_340] : memref<16384x64xf32, #tpu.memory_space<hbm>> -> memref<32x64xf32, #tpu.memory_space<hbm>>
        tpu.wait_dma2 semaphore(%run_scoped3A : memref<!tpu.dma_semaphore, #tpu.memory_space<semaphore_mem>>) src(%arg10 : memref<32x64xf32, #tpu.memory_space<vmem>>) dst(%dma_wait3A_341 : memref<32x64xf32, #tpu.memory_space<hbm>>)
        tpu.yield
      }) : () -> ()
      scf.yield %scan3A_332#0, %scan3A_332#1, %scan3A_332#2, %scan3A_332#3 : vector<16xf32>, vector<16xf32>, vector<16xf32>, vector<16xf32>
    }
    %scan3A_14 = arith.constant 16 : i32
    %broadcast_in_dim3A_15 = arith.constant 0.000000e+00 : f32
    %broadcast_in_dim3A_16 = vector.broadcast %broadcast_in_dim3A_15 : f32 to vector<16xf32>
    %swap3A = arith.constant 0 : i32
    %swap3A_17 = arith.index_cast %swap3A : i32 to index
    %swap3A_18 = arith.constant 0 : index
    %swap3A_19 = tpu.vector_load %arg11[%swap3A_17, %swap3A_18] {strides = array<i32>} : memref<8x64xf32, #tpu.memory_space<vmem>>, vector<1x16xf32>,
    %swap3A_20 = vector.shape_cast %swap3A_19 : vector<1x16xf32> to vector<16xf32>
    %swap3A_21 = vector.shape_cast %scan3A_13#0 : vector<16xf32> to vector<1x16xf32>
    tpu.vector_store %arg11[%swap3A_17, %swap3A_18], %swap3A_21 {strides = array<i32>} : memref<8x64xf32, #tpu.memory_space<vmem>>, vector<1x16xf32>,
    %swap3A_22 = arith.constant 0 : i32
    %swap3A_23 = arith.index_cast %swap3A_22 : i32 to index
    %swap3A_24 = arith.constant 16 : index
    %swap3A_25 = tpu.vector_load %arg11[%swap3A_23, %swap3A_24] {strides = array<i32>} : memref<8x64xf32, #tpu.memory_space<vmem>>, vector<1x16xf32>,
    %swap3A_26 = vector.shape_cast %swap3A_25 : vector<1x16xf32> to vector<16xf32>
    %swap3A_27 = vector.shape_cast %scan3A_13#1 : vector<16xf32> to vector<1x16xf32>
    tpu.vector_store %arg11[%swap3A_23, %swap3A_24], %swap3A_27 {strides = array<i32>} : memref<8x64xf32, #tpu.memory_space<vmem>>, vector<1x16xf32>,
    %swap3A_28 = arith.constant 0 : i32
    %swap3A_29 = arith.index_cast %swap3A_28 : i32 to index
    %swap3A_30 = arith.constant 32 : index
    %swap3A_31 = tpu.vector_load %arg11[%swap3A_29, %swap3A_30] {strides = array<i32>} : memref<8x64xf32, #tpu.memory_space<vmem>>, vector<1x16xf32>,
    %swap3A_32 = vector.shape_cast %swap3A_31 : vector<1x16xf32> to vector<16xf32>
    %swap3A_33 = vector.shape_cast %scan3A_13#2 : vector<16xf32> to vector<1x16xf32>
    tpu.vector_store %arg11[%swap3A_29, %swap3A_30], %swap3A_33 {strides = array<i32>} : memref<8x64xf32, #tpu.memory_space<vmem>>, vector<1x16xf32>,
    %swap3A_34 = arith.constant 0 : i32
    %swap3A_35 = arith.index_cast %swap3A_34 : i32 to index
    %swap3A_36 = arith.constant 48 : index
    %swap3A_37 = tpu.vector_load %arg11[%swap3A_35, %swap3A_36] {strides = array<i32>} : memref<8x64xf32, #tpu.memory_space<vmem>>, vector<1x16xf32>,
    %swap3A_38 = vector.shape_cast %swap3A_37 : vector<1x16xf32> to vector<16xf32>
    %swap3A_39 = vector.shape_cast %scan3A_13#3 : vector<16xf32> to vector<1x16xf32>
    tpu.vector_store %arg11[%swap3A_35, %swap3A_36], %swap3A_39 {strides = array<i32>} : memref<8x64xf32, #tpu.memory_space<vmem>>, vector<1x16xf32>,
    %swap3A_40 = arith.constant 1 : i32
    %swap3A_41 = arith.index_cast %swap3A_40 : i32 to index
    %swap3A_42 = arith.constant 0 : index
    %swap3A_43 = tpu.vector_load %arg11[%swap3A_41, %swap3A_42] {strides = array<i32>} : memref<8x64xf32, #tpu.memory_space<vmem>>, vector<1x16xf32>,
    %swap3A_44 = vector.shape_cast %swap3A_43 : vector<1x16xf32> to vector<16xf32>
    %swap3A_45 = vector.shape_cast %broadcast_in_dim3A_16 : vector<16xf32> to vector<1x16xf32>
    tpu.vector_store %arg11[%swap3A_41, %swap3A_42], %swap3A_45 {strides = array<i32>} : memref<8x64xf32, #tpu.memory_space<vmem>>, vector<1x16xf32>,
    %swap3A_46 = arith.constant 1 : i32
    %swap3A_47 = arith.index_cast %swap3A_46 : i32 to index
    %swap3A_48 = arith.constant 16 : index
    %swap3A_49 = tpu.vector_load %arg11[%swap3A_47, %swap3A_48] {strides = array<i32>} : memref<8x64xf32, #tpu.memory_space<vmem>>, vector<1x16xf32>,
    %swap3A_50 = vector.shape_cast %swap3A_49 : vector<1x16xf32> to vector<16xf32>
    %swap3A_51 = vector.shape_cast %broadcast_in_dim3A_16 : vector<16xf32> to vector<1x16xf32>
    tpu.vector_store %arg11[%swap3A_47, %swap3A_48], %swap3A_51 {strides = array<i32>} : memref<8x64xf32, #tpu.memory_space<vmem>>, vector<1x16xf32>,
    %swap3A_52 = arith.constant 1 : i32
    %swap3A_53 = arith.index_cast %swap3A_52 : i32 to index
    %swap3A_54 = arith.constant 32 : index
    %swap3A_55 = tpu.vector_load %arg11[%swap3A_53, %swap3A_54] {strides = array<i32>} : memref<8x64xf32, #tpu.memory_space<vmem>>, vector<1x16xf32>,
    %swap3A_56 = vector.shape_cast %swap3A_55 : vector<1x16xf32> to vector<16xf32>
    %swap3A_57 = vector.shape_cast %broadcast_in_dim3A_16 : vector<16xf32> to vector<1x16xf32>
    tpu.vector_store %arg11[%swap3A_53, %swap3A_54], %swap3A_57 {strides = array<i32>} : memref<8x64xf32, #tpu.memory_space<vmem>>, vector<1x16xf32>,
    %swap3A_58 = arith.constant 1 : i32
    %swap3A_59 = arith.index_cast %swap3A_58 : i32 to index
    %swap3A_60 = arith.constant 48 : index
    %swap3A_61 = tpu.vector_load %arg11[%swap3A_59, %swap3A_60] {strides = array<i32>} : memref<8x64xf32, #tpu.memory_space<vmem>>, vector<1x16xf32>,
    %swap3A_62 = vector.shape_cast %swap3A_61 : vector<1x16xf32> to vector<16xf32>
    %swap3A_63 = vector.shape_cast %broadcast_in_dim3A_16 : vector<16xf32> to vector<1x16xf32>
    tpu.vector_store %arg11[%swap3A_59, %swap3A_60], %swap3A_63 {strides = array<i32>} : memref<8x64xf32, #tpu.memory_space<vmem>>, vector<1x16xf32>,
    %swap3A_64 = arith.constant 2 : i32
    %swap3A_65 = arith.index_cast %swap3A_64 : i32 to index
    %swap3A_66 = arith.constant 0 : index
    %swap3A_67 = tpu.vector_load %arg11[%swap3A_65, %swap3A_66] {strides = array<i32>} : memref<8x64xf32, #tpu.memory_space<vmem>>, vector<1x16xf32>,
    %swap3A_68 = vector.shape_cast %swap3A_67 : vector<1x16xf32> to vector<16xf32>
    %swap3A_69 = vector.shape_cast %broadcast_in_dim3A_16 : vector<16xf32> to vector<1x16xf32>
    tpu.vector_store %arg11[%swap3A_65, %swap3A_66], %swap3A_69 {strides = array<i32>} : memref<8x64xf32, #tpu.memory_space<vmem>>, vector<1x16xf32>,
    %swap3A_70 = arith.constant 2 : i32
    %swap3A_71 = arith.index_cast %swap3A_70 : i32 to index
    %swap3A_72 = arith.constant 16 : index
    %swap3A_73 = tpu.vector_load %arg11[%swap3A_71, %swap3A_72] {strides = array<i32>} : memref<8x64xf32, #tpu.memory_space<vmem>>, vector<1x16xf32>,
    %swap3A_74 = vector.shape_cast %swap3A_73 : vector<1x16xf32> to vector<16xf32>
    %swap3A_75 = vector.shape_cast %broadcast_in_dim3A_16 : vector<16xf32> to vector<1x16xf32>
    tpu.vector_store %arg11[%swap3A_71, %swap3A_72], %swap3A_75 {strides = array<i32>} : memref<8x64xf32, #tpu.memory_space<vmem>>, vector<1x16xf32>,
    %swap3A_76 = arith.constant 2 : i32
    %swap3A_77 = arith.index_cast %swap3A_76 : i32 to index
    %swap3A_78 = arith.constant 32 : index
    %swap3A_79 = tpu.vector_load %arg11[%swap3A_77, %swap3A_78] {strides = array<i32>} : memref<8x64xf32, #tpu.memory_space<vmem>>, vector<1x16xf32>,
    %swap3A_80 = vector.shape_cast %swap3A_79 : vector<1x16xf32> to vector<16xf32>
    %swap3A_81 = vector.shape_cast %broadcast_in_dim3A_16 : vector<16xf32> to vector<1x16xf32>
    tpu.vector_store %arg11[%swap3A_77, %swap3A_78], %swap3A_81 {strides = array<i32>} : memref<8x64xf32, #tpu.memory_space<vmem>>, vector<1x16xf32>,
    %swap3A_82 = arith.constant 2 : i32
    %swap3A_83 = arith.index_cast %swap3A_82 : i32 to index
    %swap3A_84 = arith.constant 48 : index
    %swap3A_85 = tpu.vector_load %arg11[%swap3A_83, %swap3A_84] {strides = array<i32>} : memref<8x64xf32, #tpu.memory_space<vmem>>, vector<1x16xf32>,
    %swap3A_86 = vector.shape_cast %swap3A_85 : vector<1x16xf32> to vector<16xf32>
    %swap3A_87 = vector.shape_cast %broadcast_in_dim3A_16 : vector<16xf32> to vector<1x16xf32>
    tpu.vector_store %arg11[%swap3A_83, %swap3A_84], %swap3A_87 {strides = array<i32>} : memref<8x64xf32, #tpu.memory_space<vmem>>, vector<1x16xf32>,
    %swap3A_88 = arith.constant 3 : i32
    %swap3A_89 = arith.index_cast %swap3A_88 : i32 to index
    %swap3A_90 = arith.constant 0 : index
    %swap3A_91 = tpu.vector_load %arg11[%swap3A_89, %swap3A_90] {strides = array<i32>} : memref<8x64xf32, #tpu.memory_space<vmem>>, vector<1x16xf32>,
    %swap3A_92 = vector.shape_cast %swap3A_91 : vector<1x16xf32> to vector<16xf32>
    %swap3A_93 = vector.shape_cast %broadcast_in_dim3A_16 : vector<16xf32> to vector<1x16xf32>
    tpu.vector_store %arg11[%swap3A_89, %swap3A_90], %swap3A_93 {strides = array<i32>} : memref<8x64xf32, #tpu.memory_space<vmem>>, vector<1x16xf32>,
    %swap3A_94 = arith.constant 3 : i32
    %swap3A_95 = arith.index_cast %swap3A_94 : i32 to index
    %swap3A_96 = arith.constant 16 : index
    %swap3A_97 = tpu.vector_load %arg11[%swap3A_95, %swap3A_96] {strides = array<i32>} : memref<8x64xf32, #tpu.memory_space<vmem>>, vector<1x16xf32>,
    %swap3A_98 = vector.shape_cast %swap3A_97 : vector<1x16xf32> to vector<16xf32>
    %swap3A_99 = vector.shape_cast %broadcast_in_dim3A_16 : vector<16xf32> to vector<1x16xf32>
    tpu.vector_store %arg11[%swap3A_95, %swap3A_96], %swap3A_99 {strides = array<i32>} : memref<8x64xf32, #tpu.memory_space<vmem>>, vector<1x16xf32>,
    %swap3A_100 = arith.constant 3 : i32
    %swap3A_101 = arith.index_cast %swap3A_100 : i32 to index
    %swap3A_102 = arith.constant 32 : index
    %swap3A_103 = tpu.vector_load %arg11[%swap3A_101, %swap3A_102] {strides = array<i32>} : memref<8x64xf32, #tpu.memory_space<vmem>>, vector<1x16xf32>,
    %swap3A_104 = vector.shape_cast %swap3A_103 : vector<1x16xf32> to vector<16xf32>
    %swap3A_105 = vector.shape_cast %broadcast_in_dim3A_16 : vector<16xf32> to vector<1x16xf32>
    tpu.vector_store %arg11[%swap3A_101, %swap3A_102], %swap3A_105 {strides = array<i32>} : memref<8x64xf32, #tpu.memory_space<vmem>>, vector<1x16xf32>,
    %swap3A_106 = arith.constant 3 : i32
    %swap3A_107 = arith.index_cast %swap3A_106 : i32 to index
    %swap3A_108 = arith.constant 48 : index
    %swap3A_109 = tpu.vector_load %arg11[%swap3A_107, %swap3A_108] {strides = array<i32>} : memref<8x64xf32, #tpu.memory_space<vmem>>, vector<1x16xf32>,
    %swap3A_110 = vector.shape_cast %swap3A_109 : vector<1x16xf32> to vector<16xf32>
    %swap3A_111 = vector.shape_cast %broadcast_in_dim3A_16 : vector<16xf32> to vector<1x16xf32>
    tpu.vector_store %arg11[%swap3A_107, %swap3A_108], %swap3A_111 {strides = array<i32>} : memref<8x64xf32, #tpu.memory_space<vmem>>, vector<1x16xf32>,
    %swap3A_112 = arith.constant 4 : i32
    %swap3A_113 = arith.index_cast %swap3A_112 : i32 to index
    %swap3A_114 = arith.constant 0 : index
    %swap3A_115 = tpu.vector_load %arg11[%swap3A_113, %swap3A_114] {strides = array<i32>} : memref<8x64xf32, #tpu.memory_space<vmem>>, vector<1x16xf32>,
    %swap3A_116 = vector.shape_cast %swap3A_115 : vector<1x16xf32> to vector<16xf32>
    %swap3A_117 = vector.shape_cast %broadcast_in_dim3A_16 : vector<16xf32> to vector<1x16xf32>
    tpu.vector_store %arg11[%swap3A_113, %swap3A_114], %swap3A_117 {strides = array<i32>} : memref<8x64xf32, #tpu.memory_space<vmem>>, vector<1x16xf32>,
    %swap3A_118 = arith.constant 4 : i32
    %swap3A_119 = arith.index_cast %swap3A_118 : i32 to index
    %swap3A_120 = arith.constant 16 : index
    %swap3A_121 = tpu.vector_load %arg11[%swap3A_119, %swap3A_120] {strides = array<i32>} : memref<8x64xf32, #tpu.memory_space<vmem>>, vector<1x16xf32>,
    %swap3A_122 = vector.shape_cast %swap3A_121 : vector<1x16xf32> to vector<16xf32>
    %swap3A_123 = vector.shape_cast %broadcast_in_dim3A_16 : vector<16xf32> to vector<1x16xf32>
    tpu.vector_store %arg11[%swap3A_119, %swap3A_120], %swap3A_123 {strides = array<i32>} : memref<8x64xf32, #tpu.memory_space<vmem>>, vector<1x16xf32>,
    %swap3A_124 = arith.constant 4 : i32
    %swap3A_125 = arith.index_cast %swap3A_124 : i32 to index
    %swap3A_126 = arith.constant 32 : index
    %swap3A_127 = tpu.vector_load %arg11[%swap3A_125, %swap3A_126] {strides = array<i32>} : memref<8x64xf32, #tpu.memory_space<vmem>>, vector<1x16xf32>,
    %swap3A_128 = vector.shape_cast %swap3A_127 : vector<1x16xf32> to vector<16xf32>
    %swap3A_129 = vector.shape_cast %broadcast_in_dim3A_16 : vector<16xf32> to vector<1x16xf32>
    tpu.vector_store %arg11[%swap3A_125, %swap3A_126], %swap3A_129 {strides = array<i32>} : memref<8x64xf32, #tpu.memory_space<vmem>>, vector<1x16xf32>,
    %swap3A_130 = arith.constant 4 : i32
    %swap3A_131 = arith.index_cast %swap3A_130 : i32 to index
    %swap3A_132 = arith.constant 48 : index
    %swap3A_133 = tpu.vector_load %arg11[%swap3A_131, %swap3A_132] {strides = array<i32>} : memref<8x64xf32, #tpu.memory_space<vmem>>, vector<1x16xf32>,
    %swap3A_134 = vector.shape_cast %swap3A_133 : vector<1x16xf32> to vector<16xf32>
    %swap3A_135 = vector.shape_cast %broadcast_in_dim3A_16 : vector<16xf32> to vector<1x16xf32>
    tpu.vector_store %arg11[%swap3A_131, %swap3A_132], %swap3A_135 {strides = array<i32>} : memref<8x64xf32, #tpu.memory_space<vmem>>, vector<1x16xf32>,
    %swap3A_136 = arith.constant 5 : i32
    %swap3A_137 = arith.index_cast %swap3A_136 : i32 to index
    %swap3A_138 = arith.constant 0 : index
    %swap3A_139 = tpu.vector_load %arg11[%swap3A_137, %swap3A_138] {strides = array<i32>} : memref<8x64xf32, #tpu.memory_space<vmem>>, vector<1x16xf32>,
    %swap3A_140 = vector.shape_cast %swap3A_139 : vector<1x16xf32> to vector<16xf32>
    %swap3A_141 = vector.shape_cast %broadcast_in_dim3A_16 : vector<16xf32> to vector<1x16xf32>
    tpu.vector_store %arg11[%swap3A_137, %swap3A_138], %swap3A_141 {strides = array<i32>} : memref<8x64xf32, #tpu.memory_space<vmem>>, vector<1x16xf32>,
    %swap3A_142 = arith.constant 5 : i32
    %swap3A_143 = arith.index_cast %swap3A_142 : i32 to index
    %swap3A_144 = arith.constant 16 : index
    %swap3A_145 = tpu.vector_load %arg11[%swap3A_143, %swap3A_144] {strides = array<i32>} : memref<8x64xf32, #tpu.memory_space<vmem>>, vector<1x16xf32>,
    %swap3A_146 = vector.shape_cast %swap3A_145 : vector<1x16xf32> to vector<16xf32>
    %swap3A_147 = vector.shape_cast %broadcast_in_dim3A_16 : vector<16xf32> to vector<1x16xf32>
    tpu.vector_store %arg11[%swap3A_143, %swap3A_144], %swap3A_147 {strides = array<i32>} : memref<8x64xf32, #tpu.memory_space<vmem>>, vector<1x16xf32>,
    %swap3A_148 = arith.constant 5 : i32
    %swap3A_149 = arith.index_cast %swap3A_148 : i32 to index
    %swap3A_150 = arith.constant 32 : index
    %swap3A_151 = tpu.vector_load %arg11[%swap3A_149, %swap3A_150] {strides = array<i32>} : memref<8x64xf32, #tpu.memory_space<vmem>>, vector<1x16xf32>,
    %swap3A_152 = vector.shape_cast %swap3A_151 : vector<1x16xf32> to vector<16xf32>
    %swap3A_153 = vector.shape_cast %broadcast_in_dim3A_16 : vector<16xf32> to vector<1x16xf32>
    tpu.vector_store %arg11[%swap3A_149, %swap3A_150], %swap3A_153 {strides = array<i32>} : memref<8x64xf32, #tpu.memory_space<vmem>>, vector<1x16xf32>,
    %swap3A_154 = arith.constant 5 : i32
    %swap3A_155 = arith.index_cast %swap3A_154 : i32 to index
    %swap3A_156 = arith.constant 48 : index
    %swap3A_157 = tpu.vector_load %arg11[%swap3A_155, %swap3A_156] {strides = array<i32>} : memref<8x64xf32, #tpu.memory_space<vmem>>, vector<1x16xf32>,
    %swap3A_158 = vector.shape_cast %swap3A_157 : vector<1x16xf32> to vector<16xf32>
    %swap3A_159 = vector.shape_cast %broadcast_in_dim3A_16 : vector<16xf32> to vector<1x16xf32>
    tpu.vector_store %arg11[%swap3A_155, %swap3A_156], %swap3A_159 {strides = array<i32>} : memref<8x64xf32, #tpu.memory_space<vmem>>, vector<1x16xf32>,
    %swap3A_160 = arith.constant 6 : i32
    %swap3A_161 = arith.index_cast %swap3A_160 : i32 to index
    %swap3A_162 = arith.constant 0 : index
    %swap3A_163 = tpu.vector_load %arg11[%swap3A_161, %swap3A_162] {strides = array<i32>} : memref<8x64xf32, #tpu.memory_space<vmem>>, vector<1x16xf32>,
    %swap3A_164 = vector.shape_cast %swap3A_163 : vector<1x16xf32> to vector<16xf32>
    %swap3A_165 = vector.shape_cast %broadcast_in_dim3A_16 : vector<16xf32> to vector<1x16xf32>
    tpu.vector_store %arg11[%swap3A_161, %swap3A_162], %swap3A_165 {strides = array<i32>} : memref<8x64xf32, #tpu.memory_space<vmem>>, vector<1x16xf32>,
    %swap3A_166 = arith.constant 6 : i32
    %swap3A_167 = arith.index_cast %swap3A_166 : i32 to index
    %swap3A_168 = arith.constant 16 : index
    %swap3A_169 = tpu.vector_load %arg11[%swap3A_167, %swap3A_168] {strides = array<i32>} : memref<8x64xf32, #tpu.memory_space<vmem>>, vector<1x16xf32>,
    %swap3A_170 = vector.shape_cast %swap3A_169 : vector<1x16xf32> to vector<16xf32>
    %swap3A_171 = vector.shape_cast %broadcast_in_dim3A_16 : vector<16xf32> to vector<1x16xf32>
    tpu.vector_store %arg11[%swap3A_167, %swap3A_168], %swap3A_171 {strides = array<i32>} : memref<8x64xf32, #tpu.memory_space<vmem>>, vector<1x16xf32>,
    %swap3A_172 = arith.constant 6 : i32
    %swap3A_173 = arith.index_cast %swap3A_172 : i32 to index
    %swap3A_174 = arith.constant 32 : index
    %swap3A_175 = tpu.vector_load %arg11[%swap3A_173, %swap3A_174] {strides = array<i32>} : memref<8x64xf32, #tpu.memory_space<vmem>>, vector<1x16xf32>,
    %swap3A_176 = vector.shape_cast %swap3A_175 : vector<1x16xf32> to vector<16xf32>
    %swap3A_177 = vector.shape_cast %broadcast_in_dim3A_16 : vector<16xf32> to vector<1x16xf32>
    tpu.vector_store %arg11[%swap3A_173, %swap3A_174], %swap3A_177 {strides = array<i32>} : memref<8x64xf32, #tpu.memory_space<vmem>>, vector<1x16xf32>,
    %swap3A_178 = arith.constant 6 : i32
    %swap3A_179 = arith.index_cast %swap3A_178 : i32 to index
    %swap3A_180 = arith.constant 48 : index
    %swap3A_181 = tpu.vector_load %arg11[%swap3A_179, %swap3A_180] {strides = array<i32>} : memref<8x64xf32, #tpu.memory_space<vmem>>, vector<1x16xf32>,
    %swap3A_182 = vector.shape_cast %swap3A_181 : vector<1x16xf32> to vector<16xf32>
    %swap3A_183 = vector.shape_cast %broadcast_in_dim3A_16 : vector<16xf32> to vector<1x16xf32>
    tpu.vector_store %arg11[%swap3A_179, %swap3A_180], %swap3A_183 {strides = array<i32>} : memref<8x64xf32, #tpu.memory_space<vmem>>, vector<1x16xf32>,
    %swap3A_184 = arith.constant 7 : i32
    %swap3A_185 = arith.index_cast %swap3A_184 : i32 to index
    %swap3A_186 = arith.constant 0 : index
    %swap3A_187 = tpu.vector_load %arg11[%swap3A_185, %swap3A_186] {strides = array<i32>} : memref<8x64xf32, #tpu.memory_space<vmem>>, vector<1x16xf32>,
    %swap3A_188 = vector.shape_cast %swap3A_187 : vector<1x16xf32> to vector<16xf32>
    %swap3A_189 = vector.shape_cast %broadcast_in_dim3A_16 : vector<16xf32> to vector<1x16xf32>
    tpu.vector_store %arg11[%swap3A_185, %swap3A_186], %swap3A_189 {strides = array<i32>} : memref<8x64xf32, #tpu.memory_space<vmem>>, vector<1x16xf32>,
    %swap3A_190 = arith.constant 7 : i32
    %swap3A_191 = arith.index_cast %swap3A_190 : i32 to index
    %swap3A_192 = arith.constant 16 : index
    %swap3A_193 = tpu.vector_load %arg11[%swap3A_191, %swap3A_192] {strides = array<i32>} : memref<8x64xf32, #tpu.memory_space<vmem>>, vector<1x16xf32>,
    %swap3A_194 = vector.shape_cast %swap3A_193 : vector<1x16xf32> to vector<16xf32>
    %swap3A_195 = vector.shape_cast %broadcast_in_dim3A_16 : vector<16xf32> to vector<1x16xf32>
    tpu.vector_store %arg11[%swap3A_191, %swap3A_192], %swap3A_195 {strides = array<i32>} : memref<8x64xf32, #tpu.memory_space<vmem>>, vector<1x16xf32>,
    %swap3A_196 = arith.constant 7 : i32
    %swap3A_197 = arith.index_cast %swap3A_196 : i32 to index
    %swap3A_198 = arith.constant 32 : index
    %swap3A_199 = tpu.vector_load %arg11[%swap3A_197, %swap3A_198] {strides = array<i32>} : memref<8x64xf32, #tpu.memory_space<vmem>>, vector<1x16xf32>,
    %swap3A_200 = vector.shape_cast %swap3A_199 : vector<1x16xf32> to vector<16xf32>
    %swap3A_201 = vector.shape_cast %broadcast_in_dim3A_16 : vector<16xf32> to vector<1x16xf32>
    tpu.vector_store %arg11[%swap3A_197, %swap3A_198], %swap3A_201 {strides = array<i32>} : memref<8x64xf32, #tpu.memory_space<vmem>>, vector<1x16xf32>,
    %swap3A_202 = arith.constant 7 : i32
    %swap3A_203 = arith.index_cast %swap3A_202 : i32 to index
    %swap3A_204 = arith.constant 48 : index
    %swap3A_205 = tpu.vector_load %arg11[%swap3A_203, %swap3A_204] {strides = array<i32>} : memref<8x64xf32, #tpu.memory_space<vmem>>, vector<1x16xf32>,
    %swap3A_206 = vector.shape_cast %swap3A_205 : vector<1x16xf32> to vector<16xf32>
    %swap3A_207 = vector.shape_cast %broadcast_in_dim3A_16 : vector<16xf32> to vector<1x16xf32>
    tpu.vector_store %arg11[%swap3A_203, %swap3A_204], %swap3A_207 {strides = array<i32>} : memref<8x64xf32, #tpu.memory_space<vmem>>, vector<1x16xf32>,
    %mul3A_208 = arith.constant 8 : i32
    %mul3A_209 = arith.muli %add3A, %mul3A_208 : i32
    "tpu.region"() ({
      %run_scoped3A = tpu.sem_alloc : memref<!tpu.dma_semaphore, #tpu.memory_space<semaphore_mem>>
      %dma_start3A = arith.constant 0 : i32
      %dma_start3A_210 = tpu.memref_slice %arg6[%mul3A_209, %dma_start3A] : memref<256x64xf32, #tpu.memory_space<hbm>> -> memref<8x64xf32, #tpu.memory_space<hbm>>
      %dma_start3A_211 = arith.constant 0 : i32
      %dma_start3A_212 = tpu.memref_slice %arg6[%mul3A_209, %dma_start3A_211] : memref<256x64xf32, #tpu.memory_space<hbm>> -> memref<8x64xf32, #tpu.memory_space<hbm>>
      tpu.enqueue_dma source(%arg11 : memref<8x64xf32, #tpu.memory_space<vmem>>) target(%dma_start3A_212 : memref<8x64xf32, #tpu.memory_space<hbm>>) target_semaphore(%run_scoped3A : memref<!tpu.dma_semaphore, #tpu.memory_space<semaphore_mem>>)
      %dma_wait3A = arith.constant 0 : i32
      %dma_wait3A_213 = tpu.memref_slice %arg6[%mul3A_209, %dma_wait3A] : memref<256x64xf32, #tpu.memory_space<hbm>> -> memref<8x64xf32, #tpu.memory_space<hbm>>
      %dma_wait3A_214 = arith.constant 0 : i32
      %dma_wait3A_215 = tpu.memref_slice %arg6[%mul3A_209, %dma_wait3A_214] : memref<256x64xf32, #tpu.memory_space<hbm>> -> memref<8x64xf32, #tpu.memory_space<hbm>>
      tpu.wait_dma2 semaphore(%run_scoped3A : memref<!tpu.dma_semaphore, #tpu.memory_space<semaphore_mem>>) src(%arg11 : memref<8x64xf32, #tpu.memory_space<vmem>>) dst(%dma_wait3A_215 : memref<8x64xf32, #tpu.memory_space<hbm>>)
      tpu.yield
    }) : () -> ()
    return
  }
}

module attributes {stable_mosaic.version = 14 : i64} {
  func.func @_k1_body(%arg0: i32, %arg1: i32, %arg2: memref<1x64x4096xf32, #tpu.memory_space<vmem>>, %arg3: memref<64x128xf32, #tpu.memory_space<vmem>>, %arg4: memref<1x256x20xi32, #tpu.memory_space<vmem>>, %arg5: memref<1x64x256xf32, #tpu.memory_space<vmem>>, %arg6: memref<1x256x128xf32, #tpu.memory_space<vmem>>) attributes {dimension_semantics = [#tpu.dimension_semantics<arbitrary>, #tpu.dimension_semantics<arbitrary>], iteration_bounds = array<i64: 4, 16>, scalar_prefetch = 0 : i64, scratch_operands = 0 : i64, tpu.core_type = #tpu.core_type<tc>, window_params = [{transform_indices = @transform_0, window_bounds = array<i64: 1, 64, 4096>}, {pipeline_mode = #tpu.pipeline_mode<synchronous>, transform_indices = @transform_1, window_bounds = array<i64: 64, 128>}, {transform_indices = @transform_2, window_bounds = array<i64: 1, 256, 20>}, {transform_indices = @transform_3, window_bounds = array<i64: 1, 64, 256>}, {transform_indices = @transform_4, window_bounds = array<i64: 1, 256, 128>}]} {
    %get3A = arith.constant 0 : index
    %get3A_0 = arith.constant 0 : index
    %get3A_1 = arith.constant 0 : index
    %get3A_2 = vector.load %arg2[%get3A, %get3A_0, %get3A_1] : memref<1x64x4096xf32, #tpu.memory_space<vmem>>, vector<1x64x4096xf32>
    %get3A_3 = vector.shape_cast %get3A_2 : vector<1x64x4096xf32> to vector<64x4096xf32>
    %mul3A = arith.constant 256 : i32
    %mul3A_4 = arith.muli %arg1, %mul3A : i32
    %get3A_5 = arith.constant 0 : index
    %get3A_6 = arith.constant 0 : index
    %get3A_7 = arith.index_cast %mul3A_4 : i32 to index
    %get3A_8 = vector.load %arg2[%get3A_5, %get3A_6, %get3A_7] : memref<1x64x4096xf32, #tpu.memory_space<vmem>>, vector<1x64x256xf32>
    %get3A_9 = vector.shape_cast %get3A_8 : vector<1x64x256xf32> to vector<64x256xf32>
    %dot_general3A = arith.constant dense<0.000000e+00> : vector<256x4096xf32>
    %dot_general3A_10 = tpu.matmul %get3A_9, %get3A_3, %dot_general3A {dimension_numbers = #tpu.dot_dimension_numbers<[0], [0], [1], [1], [0, 1, 1, 1], [], []>, transpose_lhs_hint = false} : vector<64x256xf32>, vector<64x4096xf32>, vector<256x4096xf32> -> vector<256x4096xf32>
    %mul3A_11 = arith.mulf %get3A_3, %get3A_3 : vector<64x4096xf32>
    %reduce_sum3A = arith.constant dense<0.000000e+00> : vector<4096xf32>
    %reduce_sum3A_12 = vector.multi_reduction <add>, %mul3A_11, %reduce_sum3A [0] : vector<64x4096xf32> to vector<4096xf32>
    %broadcast_in_dim3A = vector.shape_cast %reduce_sum3A_12 : vector<4096xf32> to vector<1x4096xf32>
    %broadcast_in_dim3A_13 = arith.constant 1.000000e+00 : f32
    %broadcast_in_dim3A_14 = vector.broadcast %broadcast_in_dim3A_13 : f32 to vector<64x1xf32>
    %mul3A_15 = arith.mulf %get3A_9, %get3A_9 : vector<64x256xf32>
    %dot_general3A_16 = arith.constant dense<0.000000e+00> : vector<256x1xf32>
    %dot_general3A_17 = tpu.matmul %mul3A_15, %broadcast_in_dim3A_14, %dot_general3A_16 {dimension_numbers = #tpu.dot_dimension_numbers<[0], [0], [1], [1], [0, 1, 1, 1], [], []>, transpose_lhs_hint = false} : vector<64x256xf32>, vector<64x1xf32>, vector<256x1xf32> -> vector<256x1xf32>
    %mul3A_18 = arith.constant 2.000000e+00 : f32
    %mul3A_19 = vector.broadcast %mul3A_18 : f32 to vector<256x4096xf32>
    %mul3A_20 = arith.mulf %mul3A_19, %dot_general3A_10 : vector<256x4096xf32>
    %sub3A = vector.broadcast %dot_general3A_17 : vector<256x1xf32> to vector<256x4096xf32>
    %sub3A_21 = arith.subf %mul3A_20, %sub3A : vector<256x4096xf32>
    %sub3A_22 = vector.broadcast %broadcast_in_dim3A : vector<1x4096xf32> to vector<256x4096xf32>
    %sub3A_23 = arith.subf %sub3A_21, %sub3A_22 : vector<256x4096xf32>
    %iota3A = tpu.iota {dimensions = array<i32: 1>} : vector<256x4096xi32>
    %iota3A_24 = tpu.iota {dimensions = array<i32: 1>} : vector<256x20xi32>
    %broadcast_in_dim3A_25 = arith.constant 0 : i32
    %broadcast_in_dim3A_26 = vector.broadcast %broadcast_in_dim3A_25 : i32 to vector<256x20xi32>
    %argmax3A = tpu.reduce_index %sub3A_23 {axis = 1 : i32, kind = #tpu.reduction_kind<arg_max>} : vector<256x4096xf32> -> vector<256xi32>
    %broadcast_in_dim3A_27 = vector.shape_cast %argmax3A : vector<256xi32> to vector<256x1xi32>
    %eq3A = arith.constant 0 : i32
    %eq3A_28 = vector.broadcast %eq3A : i32 to vector<256x20xi32>
    %eq3A_29 = arith.cmpi eq, %iota3A_24, %eq3A_28 : vector<256x20xi32>
    %mul3A_30 = arith.constant 4096 : i32
    %mul3A_31 = arith.muli %arg0, %mul3A_30 : i32
    %add3A = vector.broadcast %mul3A_31 : i32 to vector<256x1xi32>
    %add3A_32 = arith.addi %broadcast_in_dim3A_27, %add3A : vector<256x1xi32>
    %broadcast_in_dim3A_33 = vector.shape_cast %add3A_32 : vector<256x1xi32> to vector<256x1xi32>
    %broadcast_in_dim3A_34 = vector.broadcast %broadcast_in_dim3A_33 : vector<256x1xi32> to vector<256x20xi32>
    %select_n3A = arith.select %eq3A_29, %broadcast_in_dim3A_34, %broadcast_in_dim3A_26 : vector<256x20xi1>, vector<256x20xi32>
    %eq3A_35 = vector.broadcast %broadcast_in_dim3A_27 : vector<256x1xi32> to vector<256x4096xi32>
    %eq3A_36 = arith.cmpi eq, %iota3A, %eq3A_35 : vector<256x4096xi32>
    %jit3A = arith.constant -3.400000e+38 : f32
    %broadcast_in_dim3A_37 = vector.broadcast %jit3A : f32 to vector<256x4096xf32>
    %select_n3A_38 = arith.select %eq3A_36, %broadcast_in_dim3A_37, %sub3A_23 : vector<256x4096xi1>, vector<256x4096xf32>
    %argmax3A_39 = tpu.reduce_index %select_n3A_38 {axis = 1 : i32, kind = #tpu.reduction_kind<arg_max>} : vector<256x4096xf32> -> vector<256xi32>
    %broadcast_in_dim3A_40 = vector.shape_cast %argmax3A_39 : vector<256xi32> to vector<256x1xi32>
    %eq3A_41 = arith.constant 1 : i32
    %eq3A_42 = vector.broadcast %eq3A_41 : i32 to vector<256x20xi32>
    %eq3A_43 = arith.cmpi eq, %iota3A_24, %eq3A_42 : vector<256x20xi32>
    %mul3A_44 = arith.constant 4096 : i32
    %mul3A_45 = arith.muli %arg0, %mul3A_44 : i32
    %add3A_46 = vector.broadcast %mul3A_45 : i32 to vector<256x1xi32>
    %add3A_47 = arith.addi %broadcast_in_dim3A_40, %add3A_46 : vector<256x1xi32>
    %broadcast_in_dim3A_48 = vector.shape_cast %add3A_47 : vector<256x1xi32> to vector<256x1xi32>
    %broadcast_in_dim3A_49 = vector.broadcast %broadcast_in_dim3A_48 : vector<256x1xi32> to vector<256x20xi32>
    %select_n3A_50 = arith.select %eq3A_43, %broadcast_in_dim3A_49, %select_n3A : vector<256x20xi1>, vector<256x20xi32>
    %eq3A_51 = vector.broadcast %broadcast_in_dim3A_40 : vector<256x1xi32> to vector<256x4096xi32>
    %eq3A_52 = arith.cmpi eq, %iota3A, %eq3A_51 : vector<256x4096xi32>
    %jit3A_53 = arith.constant -3.400000e+38 : f32
    %broadcast_in_dim3A_54 = vector.broadcast %jit3A_53 : f32 to vector<256x4096xf32>
    %select_n3A_55 = arith.select %eq3A_52, %broadcast_in_dim3A_54, %select_n3A_38 : vector<256x4096xi1>, vector<256x4096xf32>
    %argmax3A_56 = tpu.reduce_index %select_n3A_55 {axis = 1 : i32, kind = #tpu.reduction_kind<arg_max>} : vector<256x4096xf32> -> vector<256xi32>
    %broadcast_in_dim3A_57 = vector.shape_cast %argmax3A_56 : vector<256xi32> to vector<256x1xi32>
    %eq3A_58 = arith.constant 2 : i32
    %eq3A_59 = vector.broadcast %eq3A_58 : i32 to vector<256x20xi32>
    %eq3A_60 = arith.cmpi eq, %iota3A_24, %eq3A_59 : vector<256x20xi32>
    %mul3A_61 = arith.constant 4096 : i32
    %mul3A_62 = arith.muli %arg0, %mul3A_61 : i32
    %add3A_63 = vector.broadcast %mul3A_62 : i32 to vector<256x1xi32>
    %add3A_64 = arith.addi %broadcast_in_dim3A_57, %add3A_63 : vector<256x1xi32>
    %broadcast_in_dim3A_65 = vector.shape_cast %add3A_64 : vector<256x1xi32> to vector<256x1xi32>
    %broadcast_in_dim3A_66 = vector.broadcast %broadcast_in_dim3A_65 : vector<256x1xi32> to vector<256x20xi32>
    %select_n3A_67 = arith.select %eq3A_60, %broadcast_in_dim3A_66, %select_n3A_50 : vector<256x20xi1>, vector<256x20xi32>
    %eq3A_68 = vector.broadcast %broadcast_in_dim3A_57 : vector<256x1xi32> to vector<256x4096xi32>
    %eq3A_69 = arith.cmpi eq, %iota3A, %eq3A_68 : vector<256x4096xi32>
    %jit3A_70 = arith.constant -3.400000e+38 : f32
    %broadcast_in_dim3A_71 = vector.broadcast %jit3A_70 : f32 to vector<256x4096xf32>
    %select_n3A_72 = arith.select %eq3A_69, %broadcast_in_dim3A_71, %select_n3A_55 : vector<256x4096xi1>, vector<256x4096xf32>
    %argmax3A_73 = tpu.reduce_index %select_n3A_72 {axis = 1 : i32, kind = #tpu.reduction_kind<arg_max>} : vector<256x4096xf32> -> vector<256xi32>
    %broadcast_in_dim3A_74 = vector.shape_cast %argmax3A_73 : vector<256xi32> to vector<256x1xi32>
    %eq3A_75 = arith.constant 3 : i32
    %eq3A_76 = vector.broadcast %eq3A_75 : i32 to vector<256x20xi32>
    %eq3A_77 = arith.cmpi eq, %iota3A_24, %eq3A_76 : vector<256x20xi32>
    %mul3A_78 = arith.constant 4096 : i32
    %mul3A_79 = arith.muli %arg0, %mul3A_78 : i32
    %add3A_80 = vector.broadcast %mul3A_79 : i32 to vector<256x1xi32>
    %add3A_81 = arith.addi %broadcast_in_dim3A_74, %add3A_80 : vector<256x1xi32>
    %broadcast_in_dim3A_82 = vector.shape_cast %add3A_81 : vector<256x1xi32> to vector<256x1xi32>
    %broadcast_in_dim3A_83 = vector.broadcast %broadcast_in_dim3A_82 : vector<256x1xi32> to vector<256x20xi32>
    %select_n3A_84 = arith.select %eq3A_77, %broadcast_in_dim3A_83, %select_n3A_67 : vector<256x20xi1>, vector<256x20xi32>
    %eq3A_85 = vector.broadcast %broadcast_in_dim3A_74 : vector<256x1xi32> to vector<256x4096xi32>
    %eq3A_86 = arith.cmpi eq, %iota3A, %eq3A_85 : vector<256x4096xi32>
    %jit3A_87 = arith.constant -3.400000e+38 : f32
    %broadcast_in_dim3A_88 = vector.broadcast %jit3A_87 : f32 to vector<256x4096xf32>
    %select_n3A_89 = arith.select %eq3A_86, %broadcast_in_dim3A_88, %select_n3A_72 : vector<256x4096xi1>, vector<256x4096xf32>
    %argmax3A_90 = tpu.reduce_index %select_n3A_89 {axis = 1 : i32, kind = #tpu.reduction_kind<arg_max>} : vector<256x4096xf32> -> vector<256xi32>
    %broadcast_in_dim3A_91 = vector.shape_cast %argmax3A_90 : vector<256xi32> to vector<256x1xi32>
    %eq3A_92 = arith.constant 4 : i32
    %eq3A_93 = vector.broadcast %eq3A_92 : i32 to vector<256x20xi32>
    %eq3A_94 = arith.cmpi eq, %iota3A_24, %eq3A_93 : vector<256x20xi32>
    %mul3A_95 = arith.constant 4096 : i32
    %mul3A_96 = arith.muli %arg0, %mul3A_95 : i32
    %add3A_97 = vector.broadcast %mul3A_96 : i32 to vector<256x1xi32>
    %add3A_98 = arith.addi %broadcast_in_dim3A_91, %add3A_97 : vector<256x1xi32>
    %broadcast_in_dim3A_99 = vector.shape_cast %add3A_98 : vector<256x1xi32> to vector<256x1xi32>
    %broadcast_in_dim3A_100 = vector.broadcast %broadcast_in_dim3A_99 : vector<256x1xi32> to vector<256x20xi32>
    %select_n3A_101 = arith.select %eq3A_94, %broadcast_in_dim3A_100, %select_n3A_84 : vector<256x20xi1>, vector<256x20xi32>
    %eq3A_102 = vector.broadcast %broadcast_in_dim3A_91 : vector<256x1xi32> to vector<256x4096xi32>
    %eq3A_103 = arith.cmpi eq, %iota3A, %eq3A_102 : vector<256x4096xi32>
    %jit3A_104 = arith.constant -3.400000e+38 : f32
    %broadcast_in_dim3A_105 = vector.broadcast %jit3A_104 : f32 to vector<256x4096xf32>
    %select_n3A_106 = arith.select %eq3A_103, %broadcast_in_dim3A_105, %select_n3A_89 : vector<256x4096xi1>, vector<256x4096xf32>
    %argmax3A_107 = tpu.reduce_index %select_n3A_106 {axis = 1 : i32, kind = #tpu.reduction_kind<arg_max>} : vector<256x4096xf32> -> vector<256xi32>
    %broadcast_in_dim3A_108 = vector.shape_cast %argmax3A_107 : vector<256xi32> to vector<256x1xi32>
    %eq3A_109 = arith.constant 5 : i32
    %eq3A_110 = vector.broadcast %eq3A_109 : i32 to vector<256x20xi32>
    %eq3A_111 = arith.cmpi eq, %iota3A_24, %eq3A_110 : vector<256x20xi32>
    %mul3A_112 = arith.constant 4096 : i32
    %mul3A_113 = arith.muli %arg0, %mul3A_112 : i32
    %add3A_114 = vector.broadcast %mul3A_113 : i32 to vector<256x1xi32>
    %add3A_115 = arith.addi %broadcast_in_dim3A_108, %add3A_114 : vector<256x1xi32>
    %broadcast_in_dim3A_116 = vector.shape_cast %add3A_115 : vector<256x1xi32> to vector<256x1xi32>
    %broadcast_in_dim3A_117 = vector.broadcast %broadcast_in_dim3A_116 : vector<256x1xi32> to vector<256x20xi32>
    %select_n3A_118 = arith.select %eq3A_111, %broadcast_in_dim3A_117, %select_n3A_101 : vector<256x20xi1>, vector<256x20xi32>
    %eq3A_119 = vector.broadcast %broadcast_in_dim3A_108 : vector<256x1xi32> to vector<256x4096xi32>
    %eq3A_120 = arith.cmpi eq, %iota3A, %eq3A_119 : vector<256x4096xi32>
    %jit3A_121 = arith.constant -3.400000e+38 : f32
    %broadcast_in_dim3A_122 = vector.broadcast %jit3A_121 : f32 to vector<256x4096xf32>
    %select_n3A_123 = arith.select %eq3A_120, %broadcast_in_dim3A_122, %select_n3A_106 : vector<256x4096xi1>, vector<256x4096xf32>
    %argmax3A_124 = tpu.reduce_index %select_n3A_123 {axis = 1 : i32, kind = #tpu.reduction_kind<arg_max>} : vector<256x4096xf32> -> vector<256xi32>
    %broadcast_in_dim3A_125 = vector.shape_cast %argmax3A_124 : vector<256xi32> to vector<256x1xi32>
    %eq3A_126 = arith.constant 6 : i32
    %eq3A_127 = vector.broadcast %eq3A_126 : i32 to vector<256x20xi32>
    %eq3A_128 = arith.cmpi eq, %iota3A_24, %eq3A_127 : vector<256x20xi32>
    %mul3A_129 = arith.constant 4096 : i32
    %mul3A_130 = arith.muli %arg0, %mul3A_129 : i32
    %add3A_131 = vector.broadcast %mul3A_130 : i32 to vector<256x1xi32>
    %add3A_132 = arith.addi %broadcast_in_dim3A_125, %add3A_131 : vector<256x1xi32>
    %broadcast_in_dim3A_133 = vector.shape_cast %add3A_132 : vector<256x1xi32> to vector<256x1xi32>
    %broadcast_in_dim3A_134 = vector.broadcast %broadcast_in_dim3A_133 : vector<256x1xi32> to vector<256x20xi32>
    %select_n3A_135 = arith.select %eq3A_128, %broadcast_in_dim3A_134, %select_n3A_118 : vector<256x20xi1>, vector<256x20xi32>
    %eq3A_136 = vector.broadcast %broadcast_in_dim3A_125 : vector<256x1xi32> to vector<256x4096xi32>
    %eq3A_137 = arith.cmpi eq, %iota3A, %eq3A_136 : vector<256x4096xi32>
    %jit3A_138 = arith.constant -3.400000e+38 : f32
    %broadcast_in_dim3A_139 = vector.broadcast %jit3A_138 : f32 to vector<256x4096xf32>
    %select_n3A_140 = arith.select %eq3A_137, %broadcast_in_dim3A_139, %select_n3A_123 : vector<256x4096xi1>, vector<256x4096xf32>
    %argmax3A_141 = tpu.reduce_index %select_n3A_140 {axis = 1 : i32, kind = #tpu.reduction_kind<arg_max>} : vector<256x4096xf32> -> vector<256xi32>
    %broadcast_in_dim3A_142 = vector.shape_cast %argmax3A_141 : vector<256xi32> to vector<256x1xi32>
    %eq3A_143 = arith.constant 7 : i32
    %eq3A_144 = vector.broadcast %eq3A_143 : i32 to vector<256x20xi32>
    %eq3A_145 = arith.cmpi eq, %iota3A_24, %eq3A_144 : vector<256x20xi32>
    %mul3A_146 = arith.constant 4096 : i32
    %mul3A_147 = arith.muli %arg0, %mul3A_146 : i32
    %add3A_148 = vector.broadcast %mul3A_147 : i32 to vector<256x1xi32>
    %add3A_149 = arith.addi %broadcast_in_dim3A_142, %add3A_148 : vector<256x1xi32>
    %broadcast_in_dim3A_150 = vector.shape_cast %add3A_149 : vector<256x1xi32> to vector<256x1xi32>
    %broadcast_in_dim3A_151 = vector.broadcast %broadcast_in_dim3A_150 : vector<256x1xi32> to vector<256x20xi32>
    %select_n3A_152 = arith.select %eq3A_145, %broadcast_in_dim3A_151, %select_n3A_135 : vector<256x20xi1>, vector<256x20xi32>
    %eq3A_153 = vector.broadcast %broadcast_in_dim3A_142 : vector<256x1xi32> to vector<256x4096xi32>
    %eq3A_154 = arith.cmpi eq, %iota3A, %eq3A_153 : vector<256x4096xi32>
    %jit3A_155 = arith.constant -3.400000e+38 : f32
    %broadcast_in_dim3A_156 = vector.broadcast %jit3A_155 : f32 to vector<256x4096xf32>
    %select_n3A_157 = arith.select %eq3A_154, %broadcast_in_dim3A_156, %select_n3A_140 : vector<256x4096xi1>, vector<256x4096xf32>
    %argmax3A_158 = tpu.reduce_index %select_n3A_157 {axis = 1 : i32, kind = #tpu.reduction_kind<arg_max>} : vector<256x4096xf32> -> vector<256xi32>
    %broadcast_in_dim3A_159 = vector.shape_cast %argmax3A_158 : vector<256xi32> to vector<256x1xi32>
    %eq3A_160 = arith.constant 8 : i32
    %eq3A_161 = vector.broadcast %eq3A_160 : i32 to vector<256x20xi32>
    %eq3A_162 = arith.cmpi eq, %iota3A_24, %eq3A_161 : vector<256x20xi32>
    %mul3A_163 = arith.constant 4096 : i32
    %mul3A_164 = arith.muli %arg0, %mul3A_163 : i32
    %add3A_165 = vector.broadcast %mul3A_164 : i32 to vector<256x1xi32>
    %add3A_166 = arith.addi %broadcast_in_dim3A_159, %add3A_165 : vector<256x1xi32>
    %broadcast_in_dim3A_167 = vector.shape_cast %add3A_166 : vector<256x1xi32> to vector<256x1xi32>
    %broadcast_in_dim3A_168 = vector.broadcast %broadcast_in_dim3A_167 : vector<256x1xi32> to vector<256x20xi32>
    %select_n3A_169 = arith.select %eq3A_162, %broadcast_in_dim3A_168, %select_n3A_152 : vector<256x20xi1>, vector<256x20xi32>
    %eq3A_170 = vector.broadcast %broadcast_in_dim3A_159 : vector<256x1xi32> to vector<256x4096xi32>
    %eq3A_171 = arith.cmpi eq, %iota3A, %eq3A_170 : vector<256x4096xi32>
    %jit3A_172 = arith.constant -3.400000e+38 : f32
    %broadcast_in_dim3A_173 = vector.broadcast %jit3A_172 : f32 to vector<256x4096xf32>
    %select_n3A_174 = arith.select %eq3A_171, %broadcast_in_dim3A_173, %select_n3A_157 : vector<256x4096xi1>, vector<256x4096xf32>
    %argmax3A_175 = tpu.reduce_index %select_n3A_174 {axis = 1 : i32, kind = #tpu.reduction_kind<arg_max>} : vector<256x4096xf32> -> vector<256xi32>
    %broadcast_in_dim3A_176 = vector.shape_cast %argmax3A_175 : vector<256xi32> to vector<256x1xi32>
    %eq3A_177 = arith.constant 9 : i32
    %eq3A_178 = vector.broadcast %eq3A_177 : i32 to vector<256x20xi32>
    %eq3A_179 = arith.cmpi eq, %iota3A_24, %eq3A_178 : vector<256x20xi32>
    %mul3A_180 = arith.constant 4096 : i32
    %mul3A_181 = arith.muli %arg0, %mul3A_180 : i32
    %add3A_182 = vector.broadcast %mul3A_181 : i32 to vector<256x1xi32>
    %add3A_183 = arith.addi %broadcast_in_dim3A_176, %add3A_182 : vector<256x1xi32>
    %broadcast_in_dim3A_184 = vector.shape_cast %add3A_183 : vector<256x1xi32> to vector<256x1xi32>
    %broadcast_in_dim3A_185 = vector.broadcast %broadcast_in_dim3A_184 : vector<256x1xi32> to vector<256x20xi32>
    %select_n3A_186 = arith.select %eq3A_179, %broadcast_in_dim3A_185, %select_n3A_169 : vector<256x20xi1>, vector<256x20xi32>
    %eq3A_187 = vector.broadcast %broadcast_in_dim3A_176 : vector<256x1xi32> to vector<256x4096xi32>
    %eq3A_188 = arith.cmpi eq, %iota3A, %eq3A_187 : vector<256x4096xi32>
    %jit3A_189 = arith.constant -3.400000e+38 : f32
    %broadcast_in_dim3A_190 = vector.broadcast %jit3A_189 : f32 to vector<256x4096xf32>
    %select_n3A_191 = arith.select %eq3A_188, %broadcast_in_dim3A_190, %select_n3A_174 : vector<256x4096xi1>, vector<256x4096xf32>
    %argmax3A_192 = tpu.reduce_index %select_n3A_191 {axis = 1 : i32, kind = #tpu.reduction_kind<arg_max>} : vector<256x4096xf32> -> vector<256xi32>
    %broadcast_in_dim3A_193 = vector.shape_cast %argmax3A_192 : vector<256xi32> to vector<256x1xi32>
    %eq3A_194 = arith.constant 10 : i32
    %eq3A_195 = vector.broadcast %eq3A_194 : i32 to vector<256x20xi32>
    %eq3A_196 = arith.cmpi eq, %iota3A_24, %eq3A_195 : vector<256x20xi32>
    %mul3A_197 = arith.constant 4096 : i32
    %mul3A_198 = arith.muli %arg0, %mul3A_197 : i32
    %add3A_199 = vector.broadcast %mul3A_198 : i32 to vector<256x1xi32>
    %add3A_200 = arith.addi %broadcast_in_dim3A_193, %add3A_199 : vector<256x1xi32>
    %broadcast_in_dim3A_201 = vector.shape_cast %add3A_200 : vector<256x1xi32> to vector<256x1xi32>
    %broadcast_in_dim3A_202 = vector.broadcast %broadcast_in_dim3A_201 : vector<256x1xi32> to vector<256x20xi32>
    %select_n3A_203 = arith.select %eq3A_196, %broadcast_in_dim3A_202, %select_n3A_186 : vector<256x20xi1>, vector<256x20xi32>
    %eq3A_204 = vector.broadcast %broadcast_in_dim3A_193 : vector<256x1xi32> to vector<256x4096xi32>
    %eq3A_205 = arith.cmpi eq, %iota3A, %eq3A_204 : vector<256x4096xi32>
    %jit3A_206 = arith.constant -3.400000e+38 : f32
    %broadcast_in_dim3A_207 = vector.broadcast %jit3A_206 : f32 to vector<256x4096xf32>
    %select_n3A_208 = arith.select %eq3A_205, %broadcast_in_dim3A_207, %select_n3A_191 : vector<256x4096xi1>, vector<256x4096xf32>
    %argmax3A_209 = tpu.reduce_index %select_n3A_208 {axis = 1 : i32, kind = #tpu.reduction_kind<arg_max>} : vector<256x4096xf32> -> vector<256xi32>
    %broadcast_in_dim3A_210 = vector.shape_cast %argmax3A_209 : vector<256xi32> to vector<256x1xi32>
    %eq3A_211 = arith.constant 11 : i32
    %eq3A_212 = vector.broadcast %eq3A_211 : i32 to vector<256x20xi32>
    %eq3A_213 = arith.cmpi eq, %iota3A_24, %eq3A_212 : vector<256x20xi32>
    %mul3A_214 = arith.constant 4096 : i32
    %mul3A_215 = arith.muli %arg0, %mul3A_214 : i32
    %add3A_216 = vector.broadcast %mul3A_215 : i32 to vector<256x1xi32>
    %add3A_217 = arith.addi %broadcast_in_dim3A_210, %add3A_216 : vector<256x1xi32>
    %broadcast_in_dim3A_218 = vector.shape_cast %add3A_217 : vector<256x1xi32> to vector<256x1xi32>
    %broadcast_in_dim3A_219 = vector.broadcast %broadcast_in_dim3A_218 : vector<256x1xi32> to vector<256x20xi32>
    %select_n3A_220 = arith.select %eq3A_213, %broadcast_in_dim3A_219, %select_n3A_203 : vector<256x20xi1>, vector<256x20xi32>
    %eq3A_221 = vector.broadcast %broadcast_in_dim3A_210 : vector<256x1xi32> to vector<256x4096xi32>
    %eq3A_222 = arith.cmpi eq, %iota3A, %eq3A_221 : vector<256x4096xi32>
    %jit3A_223 = arith.constant -3.400000e+38 : f32
    %broadcast_in_dim3A_224 = vector.broadcast %jit3A_223 : f32 to vector<256x4096xf32>
    %select_n3A_225 = arith.select %eq3A_222, %broadcast_in_dim3A_224, %select_n3A_208 : vector<256x4096xi1>, vector<256x4096xf32>
    %argmax3A_226 = tpu.reduce_index %select_n3A_225 {axis = 1 : i32, kind = #tpu.reduction_kind<arg_max>} : vector<256x4096xf32> -> vector<256xi32>
    %broadcast_in_dim3A_227 = vector.shape_cast %argmax3A_226 : vector<256xi32> to vector<256x1xi32>
    %eq3A_228 = arith.constant 12 : i32
    %eq3A_229 = vector.broadcast %eq3A_228 : i32 to vector<256x20xi32>
    %eq3A_230 = arith.cmpi eq, %iota3A_24, %eq3A_229 : vector<256x20xi32>
    %mul3A_231 = arith.constant 4096 : i32
    %mul3A_232 = arith.muli %arg0, %mul3A_231 : i32
    %add3A_233 = vector.broadcast %mul3A_232 : i32 to vector<256x1xi32>
    %add3A_234 = arith.addi %broadcast_in_dim3A_227, %add3A_233 : vector<256x1xi32>
    %broadcast_in_dim3A_235 = vector.shape_cast %add3A_234 : vector<256x1xi32> to vector<256x1xi32>
    %broadcast_in_dim3A_236 = vector.broadcast %broadcast_in_dim3A_235 : vector<256x1xi32> to vector<256x20xi32>
    %select_n3A_237 = arith.select %eq3A_230, %broadcast_in_dim3A_236, %select_n3A_220 : vector<256x20xi1>, vector<256x20xi32>
    %eq3A_238 = vector.broadcast %broadcast_in_dim3A_227 : vector<256x1xi32> to vector<256x4096xi32>
    %eq3A_239 = arith.cmpi eq, %iota3A, %eq3A_238 : vector<256x4096xi32>
    %jit3A_240 = arith.constant -3.400000e+38 : f32
    %broadcast_in_dim3A_241 = vector.broadcast %jit3A_240 : f32 to vector<256x4096xf32>
    %select_n3A_242 = arith.select %eq3A_239, %broadcast_in_dim3A_241, %select_n3A_225 : vector<256x4096xi1>, vector<256x4096xf32>
    %argmax3A_243 = tpu.reduce_index %select_n3A_242 {axis = 1 : i32, kind = #tpu.reduction_kind<arg_max>} : vector<256x4096xf32> -> vector<256xi32>
    %broadcast_in_dim3A_244 = vector.shape_cast %argmax3A_243 : vector<256xi32> to vector<256x1xi32>
    %eq3A_245 = arith.constant 13 : i32
    %eq3A_246 = vector.broadcast %eq3A_245 : i32 to vector<256x20xi32>
    %eq3A_247 = arith.cmpi eq, %iota3A_24, %eq3A_246 : vector<256x20xi32>
    %mul3A_248 = arith.constant 4096 : i32
    %mul3A_249 = arith.muli %arg0, %mul3A_248 : i32
    %add3A_250 = vector.broadcast %mul3A_249 : i32 to vector<256x1xi32>
    %add3A_251 = arith.addi %broadcast_in_dim3A_244, %add3A_250 : vector<256x1xi32>
    %broadcast_in_dim3A_252 = vector.shape_cast %add3A_251 : vector<256x1xi32> to vector<256x1xi32>
    %broadcast_in_dim3A_253 = vector.broadcast %broadcast_in_dim3A_252 : vector<256x1xi32> to vector<256x20xi32>
    %select_n3A_254 = arith.select %eq3A_247, %broadcast_in_dim3A_253, %select_n3A_237 : vector<256x20xi1>, vector<256x20xi32>
    %eq3A_255 = vector.broadcast %broadcast_in_dim3A_244 : vector<256x1xi32> to vector<256x4096xi32>
    %eq3A_256 = arith.cmpi eq, %iota3A, %eq3A_255 : vector<256x4096xi32>
    %jit3A_257 = arith.constant -3.400000e+38 : f32
    %broadcast_in_dim3A_258 = vector.broadcast %jit3A_257 : f32 to vector<256x4096xf32>
    %select_n3A_259 = arith.select %eq3A_256, %broadcast_in_dim3A_258, %select_n3A_242 : vector<256x4096xi1>, vector<256x4096xf32>
    %argmax3A_260 = tpu.reduce_index %select_n3A_259 {axis = 1 : i32, kind = #tpu.reduction_kind<arg_max>} : vector<256x4096xf32> -> vector<256xi32>
    %broadcast_in_dim3A_261 = vector.shape_cast %argmax3A_260 : vector<256xi32> to vector<256x1xi32>
    %eq3A_262 = arith.constant 14 : i32
    %eq3A_263 = vector.broadcast %eq3A_262 : i32 to vector<256x20xi32>
    %eq3A_264 = arith.cmpi eq, %iota3A_24, %eq3A_263 : vector<256x20xi32>
    %mul3A_265 = arith.constant 4096 : i32
    %mul3A_266 = arith.muli %arg0, %mul3A_265 : i32
    %add3A_267 = vector.broadcast %mul3A_266 : i32 to vector<256x1xi32>
    %add3A_268 = arith.addi %broadcast_in_dim3A_261, %add3A_267 : vector<256x1xi32>
    %broadcast_in_dim3A_269 = vector.shape_cast %add3A_268 : vector<256x1xi32> to vector<256x1xi32>
    %broadcast_in_dim3A_270 = vector.broadcast %broadcast_in_dim3A_269 : vector<256x1xi32> to vector<256x20xi32>
    %select_n3A_271 = arith.select %eq3A_264, %broadcast_in_dim3A_270, %select_n3A_254 : vector<256x20xi1>, vector<256x20xi32>
    %eq3A_272 = vector.broadcast %broadcast_in_dim3A_261 : vector<256x1xi32> to vector<256x4096xi32>
    %eq3A_273 = arith.cmpi eq, %iota3A, %eq3A_272 : vector<256x4096xi32>
    %jit3A_274 = arith.constant -3.400000e+38 : f32
    %broadcast_in_dim3A_275 = vector.broadcast %jit3A_274 : f32 to vector<256x4096xf32>
    %select_n3A_276 = arith.select %eq3A_273, %broadcast_in_dim3A_275, %select_n3A_259 : vector<256x4096xi1>, vector<256x4096xf32>
    %argmax3A_277 = tpu.reduce_index %select_n3A_276 {axis = 1 : i32, kind = #tpu.reduction_kind<arg_max>} : vector<256x4096xf32> -> vector<256xi32>
    %broadcast_in_dim3A_278 = vector.shape_cast %argmax3A_277 : vector<256xi32> to vector<256x1xi32>
    %eq3A_279 = arith.constant 15 : i32
    %eq3A_280 = vector.broadcast %eq3A_279 : i32 to vector<256x20xi32>
    %eq3A_281 = arith.cmpi eq, %iota3A_24, %eq3A_280 : vector<256x20xi32>
    %mul3A_282 = arith.constant 4096 : i32
    %mul3A_283 = arith.muli %arg0, %mul3A_282 : i32
    %add3A_284 = vector.broadcast %mul3A_283 : i32 to vector<256x1xi32>
    %add3A_285 = arith.addi %broadcast_in_dim3A_278, %add3A_284 : vector<256x1xi32>
    %broadcast_in_dim3A_286 = vector.shape_cast %add3A_285 : vector<256x1xi32> to vector<256x1xi32>
    %broadcast_in_dim3A_287 = vector.broadcast %broadcast_in_dim3A_286 : vector<256x1xi32> to vector<256x20xi32>
    %select_n3A_288 = arith.select %eq3A_281, %broadcast_in_dim3A_287, %select_n3A_271 : vector<256x20xi1>, vector<256x20xi32>
    %eq3A_289 = vector.broadcast %broadcast_in_dim3A_278 : vector<256x1xi32> to vector<256x4096xi32>
    %eq3A_290 = arith.cmpi eq, %iota3A, %eq3A_289 : vector<256x4096xi32>
    %jit3A_291 = arith.constant -3.400000e+38 : f32
    %broadcast_in_dim3A_292 = vector.broadcast %jit3A_291 : f32 to vector<256x4096xf32>
    %select_n3A_293 = arith.select %eq3A_290, %broadcast_in_dim3A_292, %select_n3A_276 : vector<256x4096xi1>, vector<256x4096xf32>
    %argmax3A_294 = tpu.reduce_index %select_n3A_293 {axis = 1 : i32, kind = #tpu.reduction_kind<arg_max>} : vector<256x4096xf32> -> vector<256xi32>
    %broadcast_in_dim3A_295 = vector.shape_cast %argmax3A_294 : vector<256xi32> to vector<256x1xi32>
    %eq3A_296 = arith.constant 16 : i32
    %eq3A_297 = vector.broadcast %eq3A_296 : i32 to vector<256x20xi32>
    %eq3A_298 = arith.cmpi eq, %iota3A_24, %eq3A_297 : vector<256x20xi32>
    %mul3A_299 = arith.constant 4096 : i32
    %mul3A_300 = arith.muli %arg0, %mul3A_299 : i32
    %add3A_301 = vector.broadcast %mul3A_300 : i32 to vector<256x1xi32>
    %add3A_302 = arith.addi %broadcast_in_dim3A_295, %add3A_301 : vector<256x1xi32>
    %broadcast_in_dim3A_303 = vector.shape_cast %add3A_302 : vector<256x1xi32> to vector<256x1xi32>
    %broadcast_in_dim3A_304 = vector.broadcast %broadcast_in_dim3A_303 : vector<256x1xi32> to vector<256x20xi32>
    %select_n3A_305 = arith.select %eq3A_298, %broadcast_in_dim3A_304, %select_n3A_288 : vector<256x20xi1>, vector<256x20xi32>
    %eq3A_306 = vector.broadcast %broadcast_in_dim3A_295 : vector<256x1xi32> to vector<256x4096xi32>
    %eq3A_307 = arith.cmpi eq, %iota3A, %eq3A_306 : vector<256x4096xi32>
    %jit3A_308 = arith.constant -3.400000e+38 : f32
    %broadcast_in_dim3A_309 = vector.broadcast %jit3A_308 : f32 to vector<256x4096xf32>
    %select_n3A_310 = arith.select %eq3A_307, %broadcast_in_dim3A_309, %select_n3A_293 : vector<256x4096xi1>, vector<256x4096xf32>
    %argmax3A_311 = tpu.reduce_index %select_n3A_310 {axis = 1 : i32, kind = #tpu.reduction_kind<arg_max>} : vector<256x4096xf32> -> vector<256xi32>
    %broadcast_in_dim3A_312 = vector.shape_cast %argmax3A_311 : vector<256xi32> to vector<256x1xi32>
    %eq3A_313 = arith.constant 17 : i32
    %eq3A_314 = vector.broadcast %eq3A_313 : i32 to vector<256x20xi32>
    %eq3A_315 = arith.cmpi eq, %iota3A_24, %eq3A_314 : vector<256x20xi32>
    %mul3A_316 = arith.constant 4096 : i32
    %mul3A_317 = arith.muli %arg0, %mul3A_316 : i32
    %add3A_318 = vector.broadcast %mul3A_317 : i32 to vector<256x1xi32>
    %add3A_319 = arith.addi %broadcast_in_dim3A_312, %add3A_318 : vector<256x1xi32>
    %broadcast_in_dim3A_320 = vector.shape_cast %add3A_319 : vector<256x1xi32> to vector<256x1xi32>
    %broadcast_in_dim3A_321 = vector.broadcast %broadcast_in_dim3A_320 : vector<256x1xi32> to vector<256x20xi32>
    %select_n3A_322 = arith.select %eq3A_315, %broadcast_in_dim3A_321, %select_n3A_305 : vector<256x20xi1>, vector<256x20xi32>
    %eq3A_323 = vector.broadcast %broadcast_in_dim3A_312 : vector<256x1xi32> to vector<256x4096xi32>
    %eq3A_324 = arith.cmpi eq, %iota3A, %eq3A_323 : vector<256x4096xi32>
    %jit3A_325 = arith.constant -3.400000e+38 : f32
    %broadcast_in_dim3A_326 = vector.broadcast %jit3A_325 : f32 to vector<256x4096xf32>
    %select_n3A_327 = arith.select %eq3A_324, %broadcast_in_dim3A_326, %select_n3A_310 : vector<256x4096xi1>, vector<256x4096xf32>
    %argmax3A_328 = tpu.reduce_index %select_n3A_327 {axis = 1 : i32, kind = #tpu.reduction_kind<arg_max>} : vector<256x4096xf32> -> vector<256xi32>
    %broadcast_in_dim3A_329 = vector.shape_cast %argmax3A_328 : vector<256xi32> to vector<256x1xi32>
    %eq3A_330 = arith.constant 18 : i32
    %eq3A_331 = vector.broadcast %eq3A_330 : i32 to vector<256x20xi32>
    %eq3A_332 = arith.cmpi eq, %iota3A_24, %eq3A_331 : vector<256x20xi32>
    %mul3A_333 = arith.constant 4096 : i32
    %mul3A_334 = arith.muli %arg0, %mul3A_333 : i32
    %add3A_335 = vector.broadcast %mul3A_334 : i32 to vector<256x1xi32>
    %add3A_336 = arith.addi %broadcast_in_dim3A_329, %add3A_335 : vector<256x1xi32>
    %broadcast_in_dim3A_337 = vector.shape_cast %add3A_336 : vector<256x1xi32> to vector<256x1xi32>
    %broadcast_in_dim3A_338 = vector.broadcast %broadcast_in_dim3A_337 : vector<256x1xi32> to vector<256x20xi32>
    %select_n3A_339 = arith.select %eq3A_332, %broadcast_in_dim3A_338, %select_n3A_322 : vector<256x20xi1>, vector<256x20xi32>
    %eq3A_340 = vector.broadcast %broadcast_in_dim3A_329 : vector<256x1xi32> to vector<256x4096xi32>
    %eq3A_341 = arith.cmpi eq, %iota3A, %eq3A_340 : vector<256x4096xi32>
    %jit3A_342 = arith.constant -3.400000e+38 : f32
    %broadcast_in_dim3A_343 = vector.broadcast %jit3A_342 : f32 to vector<256x4096xf32>
    %select_n3A_344 = arith.select %eq3A_341, %broadcast_in_dim3A_343, %select_n3A_327 : vector<256x4096xi1>, vector<256x4096xf32>
    %argmax3A_345 = tpu.reduce_index %select_n3A_344 {axis = 1 : i32, kind = #tpu.reduction_kind<arg_max>} : vector<256x4096xf32> -> vector<256xi32>
    %broadcast_in_dim3A_346 = vector.shape_cast %argmax3A_345 : vector<256xi32> to vector<256x1xi32>
    %eq3A_347 = arith.constant 19 : i32
    %eq3A_348 = vector.broadcast %eq3A_347 : i32 to vector<256x20xi32>
    %eq3A_349 = arith.cmpi eq, %iota3A_24, %eq3A_348 : vector<256x20xi32>
    %mul3A_350 = arith.constant 4096 : i32
    %mul3A_351 = arith.muli %arg0, %mul3A_350 : i32
    %add3A_352 = vector.broadcast %mul3A_351 : i32 to vector<256x1xi32>
    %add3A_353 = arith.addi %broadcast_in_dim3A_346, %add3A_352 : vector<256x1xi32>
    %broadcast_in_dim3A_354 = vector.shape_cast %add3A_353 : vector<256x1xi32> to vector<256x1xi32>
    %broadcast_in_dim3A_355 = vector.broadcast %broadcast_in_dim3A_354 : vector<256x1xi32> to vector<256x20xi32>
    %select_n3A_356 = arith.select %eq3A_349, %broadcast_in_dim3A_355, %select_n3A_339 : vector<256x20xi1>, vector<256x20xi32>
    %swap3A = arith.constant 0 : index
    %swap3A_357 = arith.constant 0 : index
    %swap3A_358 = arith.constant 0 : index
    %swap3A_359 = vector.load %arg4[%swap3A, %swap3A_357, %swap3A_358] : memref<1x256x20xi32, #tpu.memory_space<vmem>>, vector<1x256x20xi32>
    %swap3A_360 = vector.shape_cast %swap3A_359 : vector<1x256x20xi32> to vector<256x20xi32>
    %swap3A_361 = vector.shape_cast %select_n3A_356 : vector<256x20xi32> to vector<1x256x20xi32>
    tpu.vector_store %arg4[%swap3A, %swap3A_357, %swap3A_358], %swap3A_361 {strides = array<i32>} : memref<1x256x20xi32, #tpu.memory_space<vmem>>, vector<1x256x20xi32>,
    %get3A_362 = arith.constant 0 : index
    %get3A_363 = arith.constant 0 : index
    %get3A_364 = vector.load %arg3[%get3A_362, %get3A_363] : memref<64x128xf32, #tpu.memory_space<vmem>>, vector<64x64xf32>
    %get3A_365 = arith.constant 0 : index
    %get3A_366 = arith.constant 64 : index
    %get3A_367 = vector.load %arg3[%get3A_365, %get3A_366] : memref<64x128xf32, #tpu.memory_space<vmem>>, vector<64x64xf32>
    %sub3A_368 = arith.subf %get3A_364, %get3A_367 : vector<64x64xf32>
    %dot_general3A_369 = arith.constant dense<0.000000e+00> : vector<64x256xf32>
    %dot_general3A_370 = tpu.matmul %sub3A_368, %get3A_9, %dot_general3A_369 {dimension_numbers = #tpu.dot_dimension_numbers<[1], [0], [0], [1], [0, 0, 1, 1], [], []>, transpose_lhs_hint = false} : vector<64x64xf32>, vector<64x256xf32>, vector<64x256xf32> -> vector<64x256xf32>
    %swap3A_371 = arith.constant 0 : index
    %swap3A_372 = arith.constant 0 : index
    %swap3A_373 = arith.constant 0 : index
    %swap3A_374 = vector.load %arg5[%swap3A_371, %swap3A_372, %swap3A_373] : memref<1x64x256xf32, #tpu.memory_space<vmem>>, vector<1x64x256xf32>
    %swap3A_375 = vector.shape_cast %swap3A_374 : vector<1x64x256xf32> to vector<64x256xf32>
    %swap3A_376 = vector.shape_cast %dot_general3A_370 : vector<64x256xf32> to vector<1x64x256xf32>
    tpu.vector_store %arg5[%swap3A_371, %swap3A_372, %swap3A_373], %swap3A_376 {strides = array<i32>} : memref<1x64x256xf32, #tpu.memory_space<vmem>>, vector<1x64x256xf32>,
    %broadcast_in_dim3A_377 = arith.constant 0.000000e+00 : f32
    %broadcast_in_dim3A_378 = vector.broadcast %broadcast_in_dim3A_377 : f32 to vector<64x64xf32>
    %concatenate3A = tpu.concatenate %get3A_367, %broadcast_in_dim3A_378 in 0 : vector<64x64xf32>, vector<64x64xf32> -> vector<128x64xf32>
    %dot_general3A_379 = arith.constant dense<0.000000e+00> : vector<256x128xf32>
    %dot_general3A_380 = tpu.matmul %get3A_9, %concatenate3A, %dot_general3A_379 {dimension_numbers = #tpu.dot_dimension_numbers<[0], [1], [1], [0], [0, 1, 1, 0], [], []>, transpose_lhs_hint = false} : vector<64x256xf32>, vector<128x64xf32>, vector<256x128xf32> -> vector<256x128xf32>
    %swap3A_381 = arith.constant 0 : index
    %swap3A_382 = arith.constant 0 : index
    %swap3A_383 = arith.constant 0 : index
    %swap3A_384 = vector.load %arg6[%swap3A_381, %swap3A_382, %swap3A_383] : memref<1x256x128xf32, #tpu.memory_space<vmem>>, vector<1x256x128xf32>
    %swap3A_385 = vector.shape_cast %swap3A_384 : vector<1x256x128xf32> to vector<256x128xf32>
    %swap3A_386 = vector.shape_cast %dot_general3A_380 : vector<256x128xf32> to vector<1x256x128xf32>
    tpu.vector_store %arg6[%swap3A_381, %swap3A_382, %swap3A_383], %swap3A_386 {strides = array<i32>} : memref<1x256x128xf32, #tpu.memory_space<vmem>>, vector<1x256x128xf32>,
    return
  }
  func.func @transform_0(%arg0: i32, %arg1: i32) -> (i32, i32, i32) {
    %c0_i32 = arith.constant 0 : i32
    %c0_i32_0 = arith.constant 0 : i32
    %c0_i32_1 = arith.constant 0 : i32
    return %arg0, %c0_i32, %c0_i32_0 : i32, i32, i32
  }
  func.func @transform_1(%arg0: i32, %arg1: i32) -> (i32, i32) {
    %c0_i32 = arith.constant 0 : i32
    %c0_i32_0 = arith.constant 0 : i32
    %c0_i32_1 = arith.constant 0 : i32
    return %c0_i32, %c0_i32_0 : i32, i32
  }
  func.func @transform_2(%arg0: i32, %arg1: i32) -> (i32, i32, i32) {
    %c0_i32 = arith.constant 0 : i32
    %c0_i32_0 = arith.constant 0 : i32
    return %arg0, %arg1, %c0_i32 : i32, i32, i32
  }
  func.func @transform_3(%arg0: i32, %arg1: i32) -> (i32, i32, i32) {
    %c0_i32 = arith.constant 0 : i32
    %c0_i32_0 = arith.constant 0 : i32
    return %arg0, %c0_i32, %arg1 : i32, i32, i32
  }
  func.func @transform_4(%arg0: i32, %arg1: i32) -> (i32, i32, i32) {
    %c0_i32 = arith.constant 0 : i32
    %c0_i32_0 = arith.constant 0 : i32
    return %arg0, %arg1, %c0_i32 : i32, i32, i32
  }
}

module attributes {stable_mosaic.version = 14 : i64} {
  func.func @_k3a_body(%arg0: i32, %arg1: i32, %arg2: memref<1x64x512xf32, #tpu.memory_space<vmem>>, %arg3: memref<1x512x64xf32, #tpu.memory_space<vmem>>, %arg4: memref<256x64xf32, #tpu.memory_space<vmem>>, %arg5: memref<64x128xf32, #tpu.memory_space<vmem>>, %arg6: memref<64x128xf32, #tpu.memory_space<vmem>>) attributes {dimension_semantics = [#tpu.dimension_semantics<arbitrary>, #tpu.dimension_semantics<arbitrary>], iteration_bounds = array<i64: 4, 8>, scalar_prefetch = 0 : i64, scratch_operands = 1 : i64, tpu.core_type = #tpu.core_type<tc>, window_params = [{transform_indices = @transform_0, window_bounds = array<i64: 1, 64, 512>}, {transform_indices = @transform_1, window_bounds = array<i64: 1, 512, 64>}, {pipeline_mode = #tpu.pipeline_mode<synchronous>, transform_indices = @transform_2, window_bounds = array<i64: 256, 64>}, {pipeline_mode = #tpu.pipeline_mode<synchronous>, transform_indices = @transform_3, window_bounds = array<i64: 64, 128>}]} {
    %iota3A = tpu.iota {dimensions = array<i32: 1>} : vector<64x128xi32>
    %get3A = arith.constant 0 : index
    %get3A_0 = arith.constant 0 : index
    %get3A_1 = arith.constant 0 : index
    %get3A_2 = vector.load %arg2[%get3A, %get3A_0, %get3A_1] : memref<1x64x512xf32, #tpu.memory_space<vmem>>, vector<1x64x512xf32>
    %get3A_3 = vector.shape_cast %get3A_2 : vector<1x64x512xf32> to vector<64x512xf32>
    %eq3A = arith.constant 0 : i32
    %eq3A_4 = arith.cmpi eq, %arg0, %eq3A : i32
    %eq3A_5 = arith.constant 0 : i32
    %eq3A_6 = arith.cmpi eq, %arg1, %eq3A_5 : i32
    %and3A = arith.andi %eq3A_4, %eq3A_6 : i1
    %convert_element_type3A = arith.extui %and3A : i1 to i32
    %cond3A = arith.constant 0 : i32
    %cond3A_7 = arith.cmpi ne, %convert_element_type3A, %cond3A : i32
    scf.if %cond3A_7 {
      %broadcast_in_dim3A_73 = arith.constant 1.000000e+00 : f32
      %broadcast_in_dim3A_74 = vector.broadcast %broadcast_in_dim3A_73 : f32 to vector<256x1xf32>
      %get3A_75 = arith.constant 0 : index
      %get3A_76 = arith.constant 0 : index
      %get3A_77 = vector.load %arg4[%get3A_75, %get3A_76] : memref<256x64xf32, #tpu.memory_space<vmem>>, vector<256x64xf32>
      %dot_general3A_78 = arith.constant dense<0.000000e+00> : vector<64x1xf32>
      %dot_general3A_79 = tpu.matmul %get3A_77, %broadcast_in_dim3A_74, %dot_general3A_78 {dimension_numbers = #tpu.dot_dimension_numbers<[0], [0], [1], [1], [0, 1, 1, 1], [], []>, transpose_lhs_hint = false} : vector<256x64xf32>, vector<256x1xf32>, vector<64x1xf32> -> vector<64x1xf32>
      %eq3A_80 = arith.constant 4 : i32
      %eq3A_81 = vector.broadcast %eq3A_80 : i32 to vector<64x128xi32>
      %eq3A_82 = arith.cmpi eq, %iota3A, %eq3A_81 : vector<64x128xi32>
      %jit3A_83 = arith.constant 0.000000e+00 : f32
      %broadcast_in_dim3A_84 = vector.shape_cast %dot_general3A_79 : vector<64x1xf32> to vector<64x1xf32>
      %broadcast_in_dim3A_85 = vector.broadcast %broadcast_in_dim3A_84 : vector<64x1xf32> to vector<64x128xf32>
      %broadcast_in_dim3A_86 = vector.broadcast %jit3A_83 : f32 to vector<64x128xf32>
      %select_n3A_87 = arith.select %eq3A_82, %broadcast_in_dim3A_85, %broadcast_in_dim3A_86 : vector<64x128xi1>, vector<64x128xf32>
      %swap3A_88 = arith.constant 0 : index
      %swap3A_89 = arith.constant 0 : index
      %swap3A_90 = vector.load %arg6[%swap3A_88, %swap3A_89] : memref<64x128xf32, #tpu.memory_space<vmem>>, vector<64x128xf32>
      tpu.vector_store %arg6[%swap3A_88, %swap3A_89], %select_n3A_87 {strides = array<i32>} : memref<64x128xf32, #tpu.memory_space<vmem>>, vector<64x128xf32>,
    } else {
    }
    %get3A_8 = arith.constant 0 : index
    %get3A_9 = arith.constant 0 : index
    %get3A_10 = arith.constant 0 : index
    %get3A_11 = vector.load %arg3[%get3A_8, %get3A_9, %get3A_10] : memref<1x512x64xf32, #tpu.memory_space<vmem>>, vector<1x512x64xf32>
    %get3A_12 = vector.shape_cast %get3A_11 : vector<1x512x64xf32> to vector<512x64xf32>
    %broadcast_in_dim3A = arith.constant 1.000000e+00 : f32
    %broadcast_in_dim3A_13 = vector.broadcast %broadcast_in_dim3A : f32 to vector<512x1xf32>
    %dot_general3A = arith.constant dense<0.000000e+00> : vector<64x1xf32>
    %dot_general3A_14 = tpu.matmul %get3A_3, %broadcast_in_dim3A_13, %dot_general3A {dimension_numbers = #tpu.dot_dimension_numbers<[1], [0], [0], [1], [0, 0, 1, 1], [], []>, transpose_lhs_hint = false} : vector<64x512xf32>, vector<512x1xf32>, vector<64x1xf32> -> vector<64x1xf32>
    %mul3A = arith.mulf %get3A_3, %get3A_3 : vector<64x512xf32>
    %dot_general3A_15 = arith.constant dense<0.000000e+00> : vector<64x1xf32>
    %dot_general3A_16 = tpu.matmul %mul3A, %broadcast_in_dim3A_13, %dot_general3A_15 {dimension_numbers = #tpu.dot_dimension_numbers<[1], [0], [0], [1], [0, 0, 1, 1], [], []>, transpose_lhs_hint = false} : vector<64x512xf32>, vector<512x1xf32>, vector<64x1xf32> -> vector<64x1xf32>
    %dot_general3A_17 = arith.constant dense<0.000000e+00> : vector<64x1xf32>
    %dot_general3A_18 = tpu.matmul %get3A_12, %broadcast_in_dim3A_13, %dot_general3A_17 {dimension_numbers = #tpu.dot_dimension_numbers<[0], [0], [1], [1], [0, 1, 1, 1], [], []>, transpose_lhs_hint = false} : vector<512x64xf32>, vector<512x1xf32>, vector<64x1xf32> -> vector<64x1xf32>
    %dot_general3A_19 = arith.constant dense<0.000000e+00> : vector<64x64xf32>
    %dot_general3A_20 = tpu.matmul %get3A_3, %get3A_12, %dot_general3A_19 {dimension_numbers = #tpu.dot_dimension_numbers<[1], [0], [0], [1], [0, 0, 1, 1], [], []>, transpose_lhs_hint = false} : vector<64x512xf32>, vector<512x64xf32>, vector<64x64xf32> -> vector<64x64xf32>
    %iota3A_21 = tpu.iota {dimensions = array<i32: 0>} : vector<64x64xi32>
    %iota3A_22 = tpu.iota {dimensions = array<i32: 1>} : vector<64x64xi32>
    %eq3A_23 = arith.cmpi eq, %iota3A_21, %iota3A_22 : vector<64x64xi32>
    %convert_element_type3A_24 = arith.extui %eq3A_23 : vector<64x64xi1> to vector<64x64xi32>
    %convert_element_type3A_25 = arith.sitofp %convert_element_type3A_24 : vector<64x64xi32> to vector<64x64xf32>
    %mul3A_26 = arith.mulf %dot_general3A_20, %convert_element_type3A_25 : vector<64x64xf32>
    %reduce_sum3A = arith.constant dense<0.000000e+00> : vector<64xf32>
    %reduce_sum3A_27 = vector.multi_reduction <add>, %mul3A_26, %reduce_sum3A [1] : vector<64x64xf32> to vector<64xf32>
    %broadcast_in_dim3A_28 = vector.shape_cast %reduce_sum3A_27 : vector<64xf32> to vector<64x1xf32>
    %get3A_29 = arith.constant 0 : index
    %get3A_30 = arith.constant 0 : index
    %get3A_31 = vector.load %arg6[%get3A_29, %get3A_30] : memref<64x128xf32, #tpu.memory_space<vmem>>, vector<64x128xf32>
    %eq3A_32 = arith.constant 0 : i32
    %eq3A_33 = vector.broadcast %eq3A_32 : i32 to vector<64x128xi32>
    %eq3A_34 = arith.cmpi eq, %iota3A, %eq3A_33 : vector<64x128xi32>
    %jit3A = arith.constant 0.000000e+00 : f32
    %broadcast_in_dim3A_35 = vector.shape_cast %dot_general3A_14 : vector<64x1xf32> to vector<64x1xf32>
    %broadcast_in_dim3A_36 = vector.broadcast %broadcast_in_dim3A_35 : vector<64x1xf32> to vector<64x128xf32>
    %broadcast_in_dim3A_37 = vector.broadcast %jit3A : f32 to vector<64x128xf32>
    %select_n3A = arith.select %eq3A_34, %broadcast_in_dim3A_36, %broadcast_in_dim3A_37 : vector<64x128xi1>, vector<64x128xf32>
    %add3A = arith.addf %get3A_31, %select_n3A : vector<64x128xf32>
    %eq3A_38 = arith.constant 1 : i32
    %eq3A_39 = vector.broadcast %eq3A_38 : i32 to vector<64x128xi32>
    %eq3A_40 = arith.cmpi eq, %iota3A, %eq3A_39 : vector<64x128xi32>
    %jit3A_41 = arith.constant 0.000000e+00 : f32
    %broadcast_in_dim3A_42 = vector.shape_cast %dot_general3A_16 : vector<64x1xf32> to vector<64x1xf32>
    %broadcast_in_dim3A_43 = vector.broadcast %broadcast_in_dim3A_42 : vector<64x1xf32> to vector<64x128xf32>
    %broadcast_in_dim3A_44 = vector.broadcast %jit3A_41 : f32 to vector<64x128xf32>
    %select_n3A_45 = arith.select %eq3A_40, %broadcast_in_dim3A_43, %broadcast_in_dim3A_44 : vector<64x128xi1>, vector<64x128xf32>
    %add3A_46 = arith.addf %add3A, %select_n3A_45 : vector<64x128xf32>
    %eq3A_47 = arith.constant 2 : i32
    %eq3A_48 = vector.broadcast %eq3A_47 : i32 to vector<64x128xi32>
    %eq3A_49 = arith.cmpi eq, %iota3A, %eq3A_48 : vector<64x128xi32>
    %jit3A_50 = arith.constant 0.000000e+00 : f32
    %broadcast_in_dim3A_51 = vector.shape_cast %dot_general3A_18 : vector<64x1xf32> to vector<64x1xf32>
    %broadcast_in_dim3A_52 = vector.broadcast %broadcast_in_dim3A_51 : vector<64x1xf32> to vector<64x128xf32>
    %broadcast_in_dim3A_53 = vector.broadcast %jit3A_50 : f32 to vector<64x128xf32>
    %select_n3A_54 = arith.select %eq3A_49, %broadcast_in_dim3A_52, %broadcast_in_dim3A_53 : vector<64x128xi1>, vector<64x128xf32>
    %add3A_55 = arith.addf %add3A_46, %select_n3A_54 : vector<64x128xf32>
    %eq3A_56 = arith.constant 3 : i32
    %eq3A_57 = vector.broadcast %eq3A_56 : i32 to vector<64x128xi32>
    %eq3A_58 = arith.cmpi eq, %iota3A, %eq3A_57 : vector<64x128xi32>
    %jit3A_59 = arith.constant 0.000000e+00 : f32
    %broadcast_in_dim3A_60 = vector.shape_cast %broadcast_in_dim3A_28 : vector<64x1xf32> to vector<64x1xf32>
    %broadcast_in_dim3A_61 = vector.broadcast %broadcast_in_dim3A_60 : vector<64x1xf32> to vector<64x128xf32>
    %broadcast_in_dim3A_62 = vector.broadcast %jit3A_59 : f32 to vector<64x128xf32>
    %select_n3A_63 = arith.select %eq3A_58, %broadcast_in_dim3A_61, %broadcast_in_dim3A_62 : vector<64x128xi1>, vector<64x128xf32>
    %add3A_64 = arith.addf %add3A_55, %select_n3A_63 : vector<64x128xf32>
    %swap3A = arith.constant 0 : index
    %swap3A_65 = arith.constant 0 : index
    %swap3A_66 = vector.load %arg6[%swap3A, %swap3A_65] : memref<64x128xf32, #tpu.memory_space<vmem>>, vector<64x128xf32>
    tpu.vector_store %arg6[%swap3A, %swap3A_65], %add3A_64 {strides = array<i32>} : memref<64x128xf32, #tpu.memory_space<vmem>>, vector<64x128xf32>,
    %get3A_67 = arith.constant 0 : index
    %get3A_68 = arith.constant 0 : index
    %get3A_69 = vector.load %arg6[%get3A_67, %get3A_68] : memref<64x128xf32, #tpu.memory_space<vmem>>, vector<64x128xf32>
    %swap3A_70 = arith.constant 0 : index
    %swap3A_71 = arith.constant 0 : index
    %swap3A_72 = vector.load %arg5[%swap3A_70, %swap3A_71] : memref<64x128xf32, #tpu.memory_space<vmem>>, vector<64x128xf32>
    tpu.vector_store %arg5[%swap3A_70, %swap3A_71], %get3A_69 {strides = array<i32>} : memref<64x128xf32, #tpu.memory_space<vmem>>, vector<64x128xf32>,
    return
  }
  func.func @transform_0(%arg0: i32, %arg1: i32) -> (i32, i32, i32) {
    %c0_i32 = arith.constant 0 : i32
    %c0_i32_0 = arith.constant 0 : i32
    return %arg0, %c0_i32, %arg1 : i32, i32, i32
  }
  func.func @transform_1(%arg0: i32, %arg1: i32) -> (i32, i32, i32) {
    %c0_i32 = arith.constant 0 : i32
    %c0_i32_0 = arith.constant 0 : i32
    return %arg0, %arg1, %c0_i32 : i32, i32, i32
  }
  func.func @transform_2(%arg0: i32, %arg1: i32) -> (i32, i32) {
    %c0_i32 = arith.constant 0 : i32
    %c0_i32_0 = arith.constant 0 : i32
    %c0_i32_1 = arith.constant 0 : i32
    return %c0_i32, %c0_i32_0 : i32, i32
  }
  func.func @transform_3(%arg0: i32, %arg1: i32) -> (i32, i32) {
    %c0_i32 = arith.constant 0 : i32
    %c0_i32_0 = arith.constant 0 : i32
    %c0_i32_1 = arith.constant 0 : i32
    return %c0_i32, %c0_i32_0 : i32, i32
  }
}

module attributes {stable_mosaic.version = 14 : i64} {
  func.func @_k3b_body(%arg0: i32, %arg1: i32, %arg2: memref<1x64x512xf32, #tpu.memory_space<vmem>>, %arg3: memref<1x512x64xf32, #tpu.memory_space<vmem>>, %arg4: memref<64x128xf32, #tpu.memory_space<vmem>>, %arg5: memref<64x1xf32, #tpu.memory_space<vmem>>, %arg6: memref<64x1xf32, #tpu.memory_space<vmem>>, %arg7: memref<1x64x512xf32, #tpu.memory_space<vmem>>) attributes {dimension_semantics = [#tpu.dimension_semantics<arbitrary>, #tpu.dimension_semantics<arbitrary>], iteration_bounds = array<i64: 4, 8>, scalar_prefetch = 0 : i64, scratch_operands = 0 : i64, tpu.core_type = #tpu.core_type<tc>, window_params = [{transform_indices = @transform_0, window_bounds = array<i64: 1, 64, 512>}, {transform_indices = @transform_1, window_bounds = array<i64: 1, 512, 64>}, {pipeline_mode = #tpu.pipeline_mode<synchronous>, transform_indices = @transform_2, window_bounds = array<i64: 64, 128>}, {pipeline_mode = #tpu.pipeline_mode<synchronous>, transform_indices = @transform_3, window_bounds = array<i64: 64, 1>}, {pipeline_mode = #tpu.pipeline_mode<synchronous>, transform_indices = @transform_4, window_bounds = array<i64: 64, 1>}, {transform_indices = @transform_5, window_bounds = array<i64: 1, 64, 512>}]} {
    %iota3A = tpu.iota {dimensions = array<i32: 1>} : vector<64x128xi32>
    %get3A = arith.constant 0 : index
    %get3A_0 = arith.constant 0 : index
    %get3A_1 = arith.constant 0 : index
    %get3A_2 = vector.load %arg2[%get3A, %get3A_0, %get3A_1] : memref<1x64x512xf32, #tpu.memory_space<vmem>>, vector<1x64x512xf32>
    %get3A_3 = vector.shape_cast %get3A_2 : vector<1x64x512xf32> to vector<64x512xf32>
    %get3A_4 = arith.constant 0 : index
    %get3A_5 = arith.constant 0 : index
    %get3A_6 = vector.load %arg4[%get3A_4, %get3A_5] : memref<64x128xf32, #tpu.memory_space<vmem>>, vector<64x128xf32>
    %eq3A = arith.constant 0 : i32
    %eq3A_7 = vector.broadcast %eq3A : i32 to vector<64x128xi32>
    %eq3A_8 = arith.cmpi eq, %iota3A, %eq3A_7 : vector<64x128xi32>
    %jit3A = arith.constant 0.000000e+00 : f32
    %broadcast_in_dim3A = vector.broadcast %jit3A : f32 to vector<64x128xf32>
    %select_n3A = arith.select %eq3A_8, %get3A_6, %broadcast_in_dim3A : vector<64x128xi1>, vector<64x128xf32>
    %reduce_sum3A = arith.constant dense<0.000000e+00> : vector<64xf32>
    %reduce_sum3A_9 = vector.multi_reduction <add>, %select_n3A, %reduce_sum3A [1] : vector<64x128xf32> to vector<64xf32>
    %broadcast_in_dim3A_10 = vector.shape_cast %reduce_sum3A_9 : vector<64xf32> to vector<64x1xf32>
    %eq3A_11 = arith.constant 1 : i32
    %eq3A_12 = vector.broadcast %eq3A_11 : i32 to vector<64x128xi32>
    %eq3A_13 = arith.cmpi eq, %iota3A, %eq3A_12 : vector<64x128xi32>
    %jit3A_14 = arith.constant 0.000000e+00 : f32
    %broadcast_in_dim3A_15 = vector.broadcast %jit3A_14 : f32 to vector<64x128xf32>
    %select_n3A_16 = arith.select %eq3A_13, %get3A_6, %broadcast_in_dim3A_15 : vector<64x128xi1>, vector<64x128xf32>
    %reduce_sum3A_17 = arith.constant dense<0.000000e+00> : vector<64xf32>
    %reduce_sum3A_18 = vector.multi_reduction <add>, %select_n3A_16, %reduce_sum3A_17 [1] : vector<64x128xf32> to vector<64xf32>
    %broadcast_in_dim3A_19 = vector.shape_cast %reduce_sum3A_18 : vector<64xf32> to vector<64x1xf32>
    %eq3A_20 = arith.constant 2 : i32
    %eq3A_21 = vector.broadcast %eq3A_20 : i32 to vector<64x128xi32>
    %eq3A_22 = arith.cmpi eq, %iota3A, %eq3A_21 : vector<64x128xi32>
    %jit3A_23 = arith.constant 0.000000e+00 : f32
    %broadcast_in_dim3A_24 = vector.broadcast %jit3A_23 : f32 to vector<64x128xf32>
    %select_n3A_25 = arith.select %eq3A_22, %get3A_6, %broadcast_in_dim3A_24 : vector<64x128xi1>, vector<64x128xf32>
    %reduce_sum3A_26 = arith.constant dense<0.000000e+00> : vector<64xf32>
    %reduce_sum3A_27 = vector.multi_reduction <add>, %select_n3A_25, %reduce_sum3A_26 [1] : vector<64x128xf32> to vector<64xf32>
    %broadcast_in_dim3A_28 = vector.shape_cast %reduce_sum3A_27 : vector<64xf32> to vector<64x1xf32>
    %eq3A_29 = arith.constant 3 : i32
    %eq3A_30 = vector.broadcast %eq3A_29 : i32 to vector<64x128xi32>
    %eq3A_31 = arith.cmpi eq, %iota3A, %eq3A_30 : vector<64x128xi32>
    %jit3A_32 = arith.constant 0.000000e+00 : f32
    %broadcast_in_dim3A_33 = vector.broadcast %jit3A_32 : f32 to vector<64x128xf32>
    %select_n3A_34 = arith.select %eq3A_31, %get3A_6, %broadcast_in_dim3A_33 : vector<64x128xi1>, vector<64x128xf32>
    %reduce_sum3A_35 = arith.constant dense<0.000000e+00> : vector<64xf32>
    %reduce_sum3A_36 = vector.multi_reduction <add>, %select_n3A_34, %reduce_sum3A_35 [1] : vector<64x128xf32> to vector<64xf32>
    %broadcast_in_dim3A_37 = vector.shape_cast %reduce_sum3A_36 : vector<64xf32> to vector<64x1xf32>
    %eq3A_38 = arith.constant 4 : i32
    %eq3A_39 = vector.broadcast %eq3A_38 : i32 to vector<64x128xi32>
    %eq3A_40 = arith.cmpi eq, %iota3A, %eq3A_39 : vector<64x128xi32>
    %jit3A_41 = arith.constant 0.000000e+00 : f32
    %broadcast_in_dim3A_42 = vector.broadcast %jit3A_41 : f32 to vector<64x128xf32>
    %select_n3A_43 = arith.select %eq3A_40, %get3A_6, %broadcast_in_dim3A_42 : vector<64x128xi1>, vector<64x128xf32>
    %reduce_sum3A_44 = arith.constant dense<0.000000e+00> : vector<64xf32>
    %reduce_sum3A_45 = vector.multi_reduction <add>, %select_n3A_43, %reduce_sum3A_44 [1] : vector<64x128xf32> to vector<64xf32>
    %broadcast_in_dim3A_46 = vector.shape_cast %reduce_sum3A_45 : vector<64xf32> to vector<64x1xf32>
    %mul3A = arith.constant 2.000000e+01 : f32
    %mul3A_47 = vector.broadcast %mul3A : f32 to vector<64x1xf32>
    %mul3A_48 = arith.mulf %mul3A_47, %broadcast_in_dim3A_10 : vector<64x1xf32>
    %add3A = arith.addf %mul3A_48, %broadcast_in_dim3A_28 : vector<64x1xf32>
    %mul3A_49 = arith.constant 2.000000e+01 : f32
    %mul3A_50 = vector.broadcast %mul3A_49 : f32 to vector<64x1xf32>
    %mul3A_51 = arith.mulf %mul3A_50, %broadcast_in_dim3A_19 : vector<64x1xf32>
    %mul3A_52 = arith.constant 2.000000e+00 : f32
    %mul3A_53 = vector.broadcast %mul3A_52 : f32 to vector<64x1xf32>
    %mul3A_54 = arith.mulf %mul3A_53, %broadcast_in_dim3A_37 : vector<64x1xf32>
    %add3A_55 = arith.addf %mul3A_51, %mul3A_54 : vector<64x1xf32>
    %add3A_56 = arith.addf %add3A_55, %broadcast_in_dim3A_46 : vector<64x1xf32>
    %div3A = arith.constant 3.276800e+05 : f32
    %div3A_57 = vector.broadcast %div3A : f32 to vector<64x1xf32>
    %div3A_58 = arith.divf %add3A, %div3A_57 : vector<64x1xf32>
    %div3A_59 = arith.constant 3.276800e+05 : f32
    %div3A_60 = vector.broadcast %div3A_59 : f32 to vector<64x1xf32>
    %div3A_61 = arith.divf %add3A_56, %div3A_60 : vector<64x1xf32>
    %mul3A_62 = arith.mulf %div3A_58, %div3A_58 : vector<64x1xf32>
    %sub3A = arith.subf %div3A_61, %mul3A_62 : vector<64x1xf32>
    %add3A_63 = arith.constant 9.99999974E-6 : f32
    %add3A_64 = vector.broadcast %add3A_63 : f32 to vector<64x1xf32>
    %add3A_65 = arith.addf %sub3A, %add3A_64 : vector<64x1xf32>
    %sqrt3A = math.sqrt %add3A_65 : vector<64x1xf32>
    %iota3A_66 = tpu.iota {dimensions = array<i32: 0>} : vector<64x64xi32>
    %iota3A_67 = tpu.iota {dimensions = array<i32: 1>} : vector<64x64xi32>
    %eq3A_68 = arith.cmpi eq, %iota3A_66, %iota3A_67 : vector<64x64xi32>
    %convert_element_type3A = arith.extui %eq3A_68 : vector<64x64xi1> to vector<64x64xi32>
    %convert_element_type3A_69 = arith.sitofp %convert_element_type3A : vector<64x64xi32> to vector<64x64xf32>
    %get3A_70 = arith.constant 0 : index
    %get3A_71 = arith.constant 0 : index
    %get3A_72 = arith.constant 0 : index
    %get3A_73 = vector.load %arg3[%get3A_70, %get3A_71, %get3A_72] : memref<1x512x64xf32, #tpu.memory_space<vmem>>, vector<1x512x64xf32>
    %get3A_74 = vector.shape_cast %get3A_73 : vector<1x512x64xf32> to vector<512x64xf32>
    %dot_general3A = arith.constant dense<0.000000e+00> : vector<64x512xf32>
    %dot_general3A_75 = tpu.matmul %convert_element_type3A_69, %get3A_74, %dot_general3A {dimension_numbers = #tpu.dot_dimension_numbers<[1], [1], [0], [0], [0, 0, 1, 0], [], []>, transpose_lhs_hint = false} : vector<64x64xf32>, vector<512x64xf32>, vector<64x512xf32> -> vector<64x512xf32>
    %add3A_76 = arith.addf %get3A_3, %dot_general3A_75 : vector<64x512xf32>
    %sub3A_77 = vector.broadcast %div3A_58 : vector<64x1xf32> to vector<64x512xf32>
    %sub3A_78 = arith.subf %add3A_76, %sub3A_77 : vector<64x512xf32>
    %div3A_79 = vector.broadcast %sqrt3A : vector<64x1xf32> to vector<64x512xf32>
    %div3A_80 = arith.divf %sub3A_78, %div3A_79 : vector<64x512xf32>
    %get3A_81 = arith.constant 0 : index
    %get3A_82 = arith.constant 0 : index
    %get3A_83 = vector.load %arg5[%get3A_81, %get3A_82] : memref<64x1xf32, #tpu.memory_space<vmem>>, vector<64x1xf32>
    %mul3A_84 = vector.broadcast %get3A_83 : vector<64x1xf32> to vector<64x512xf32>
    %mul3A_85 = arith.mulf %div3A_80, %mul3A_84 : vector<64x512xf32>
    %get3A_86 = arith.constant 0 : index
    %get3A_87 = arith.constant 0 : index
    %get3A_88 = vector.load %arg6[%get3A_86, %get3A_87] : memref<64x1xf32, #tpu.memory_space<vmem>>, vector<64x1xf32>
    %add3A_89 = vector.broadcast %get3A_88 : vector<64x1xf32> to vector<64x512xf32>
    %add3A_90 = arith.addf %mul3A_85, %add3A_89 : vector<64x512xf32>
    %gt3A = arith.constant 0.000000e+00 : f32
    %gt3A_91 = vector.broadcast %gt3A : f32 to vector<64x512xf32>
    %gt3A_92 = arith.cmpf ogt, %add3A_90, %gt3A_91 : vector<64x512xf32>
    %mul3A_93 = arith.constant 2.000000e-01 : f32
    %mul3A_94 = vector.broadcast %mul3A_93 : f32 to vector<64x512xf32>
    %mul3A_95 = arith.mulf %mul3A_94, %add3A_90 : vector<64x512xf32>
    %select_n3A_96 = arith.select %gt3A_92, %add3A_90, %mul3A_95 : vector<64x512xi1>, vector<64x512xf32>
    %swap3A = arith.constant 0 : index
    %swap3A_97 = arith.constant 0 : index
    %swap3A_98 = arith.constant 0 : index
    %swap3A_99 = vector.load %arg7[%swap3A, %swap3A_97, %swap3A_98] : memref<1x64x512xf32, #tpu.memory_space<vmem>>, vector<1x64x512xf32>
    %swap3A_100 = vector.shape_cast %swap3A_99 : vector<1x64x512xf32> to vector<64x512xf32>
    %swap3A_101 = vector.shape_cast %select_n3A_96 : vector<64x512xf32> to vector<1x64x512xf32>
    tpu.vector_store %arg7[%swap3A, %swap3A_97, %swap3A_98], %swap3A_101 {strides = array<i32>} : memref<1x64x512xf32, #tpu.memory_space<vmem>>, vector<1x64x512xf32>,
    return
  }
  func.func @transform_0(%arg0: i32, %arg1: i32) -> (i32, i32, i32) {
    %c0_i32 = arith.constant 0 : i32
    %c0_i32_0 = arith.constant 0 : i32
    return %arg0, %c0_i32, %arg1 : i32, i32, i32
  }
  func.func @transform_1(%arg0: i32, %arg1: i32) -> (i32, i32, i32) {
    %c0_i32 = arith.constant 0 : i32
    %c0_i32_0 = arith.constant 0 : i32
    return %arg0, %arg1, %c0_i32 : i32, i32, i32
  }
  func.func @transform_2(%arg0: i32, %arg1: i32) -> (i32, i32) {
    %c0_i32 = arith.constant 0 : i32
    %c0_i32_0 = arith.constant 0 : i32
    %c0_i32_1 = arith.constant 0 : i32
    return %c0_i32, %c0_i32_0 : i32, i32
  }
  func.func @transform_3(%arg0: i32, %arg1: i32) -> (i32, i32) {
    %c0_i32 = arith.constant 0 : i32
    %c0_i32_0 = arith.constant 0 : i32
    %c0_i32_1 = arith.constant 0 : i32
    return %c0_i32, %c0_i32_0 : i32, i32
  }
  func.func @transform_4(%arg0: i32, %arg1: i32) -> (i32, i32) {
    %c0_i32 = arith.constant 0 : i32
    %c0_i32_0 = arith.constant 0 : i32
    %c0_i32_1 = arith.constant 0 : i32
    return %c0_i32, %c0_i32_0 : i32, i32
  }
  func.func @transform_5(%arg0: i32, %arg1: i32) -> (i32, i32, i32) {
    %c0_i32 = arith.constant 0 : i32
    %c0_i32_0 = arith.constant 0 : i32
    return %arg0, %c0_i32, %arg1 : i32, i32, i32
  }
}

</mosaic_0001>

<sc_bundles>
// kernel: kernel.6.cloned.1.call-start
scs
__scs_entry_jumppad:
0x0: {  	(pc) =	sbr.rel $0x88, $3  }
0x1: {  	(tag) =	ssettag $0x0;
	lr =	simm.s32 $0x1  }
0x2: {  	[smem:$0x3F9D] =	sst lr;
	_ =	strace $0xD0000000  }
0x3: {  	_ = 	snop  }
0x4: {  	_ = 	snop  }
0x5: {  	_ = 	snop  }
0x6: {  	_ = 	snop  }
0x7: {  	_ = 	snop  }
__scs_overlays_trampoline_lowered:
0x8: {  	[smem:$0x3FAC] =	sst s0  }
0x9: {  	[smem:$0x3FAD] =	sst s1  }
0xa: {  	[smem:$0x3FAE] =	sst s2  }
0xb: {  	[smem:$0x3FAF] =	sst s3  }
0xc: {  	[smem:$0x3FB0] =	sst s4  }
0xd: {  	[smem:$0x3FB1] =	sst s5  }
0xe: {  	[smem:$0x3FB2] =	sst s6  }
0xf: {  	[smem:$0x3FB3] =	sst s7  }
0x10: {  	[smem:$0x3FB4] =	sst s8  }
0x11: {  	[smem:$0x3FB5] =	sst s9;
	s0 =	simm.s32 @!p0 $0x0  }
0x12: {  	s1 =	sld [smem:$0x3F9B];
	s0 =	simm.s32 @p0 $0x1  }
0x13: {  	[smem:$0x3FB6] =	sst s0;
	s0 =	simm.s32 @!p1 $0x0  }
0x14: {  	s2 =	sld [smem:$0x3F9A];
	s0 =	simm.s32 @p1 $0x1  }
0x15: {  	[smem:$0x3FB7] =	sst s0;
	s0 =	simm.s32 @!p2 $0x0  }
0x16: {  	s3 =	sld [smem:$0x3FDB];
	s0 =	simm.s32 @p2 $0x1  }
0x17: {  	s4 =	simm.s32 $0x1BF5;
	[smem:$0x3FB9] =	sst s0  }
0x18: {  	s0 =	sld [smem:$0x3F9C];
	_ =	swait.ge [sflag:s4], $0x0  }
0x19: {  	s7 =	sld [smem:$0x3F9D]  }
0x1a: {  	s8 =	sadd.s32 $0xFFFFE003, lr  }
0x1b: {  	s9 =	sadd.s32 $0xFFFFFEF7, lr;
	s5 =	simm.s32 $0xFFFFFFFF;
	p2 =	slt.u32 s8, $0xFFFFF086  }
0x1c: {  	p1 =	slt.u32 s9, $0xF7A;
	s5 =	simm.s32 @!p2 $0x0  }
0x1d: {  	s5 =	simm.s32 @p1 $0x1;
	p0 =	seq.s32 s7, s2  }
0x1e: {  	s7 =	smul.u32 @!p0 $0xF7A, s2;
	p2 =	seq.s32 @!p0 s5, $0x0  }
0x1f: {  	s9 =	smul.u32 $0xF7A, s1;
	s8 =	simm.s32 @!p0 $0x1BF5;
	p2 =	por !p2, p0  }
0x20: {  	[sflag:s8] =	ssyncset.s32 @!p0 $0xFFFFF086;
	s6 =	sadd.s32 @!p0 s3, s7;
	s7 =	simm.s32 @!p0 $0x108  }
0x21: {  	s3 =	sadd.s32 s3, s9;
	s6 =	sadd.s32 @!p0 $0x88, s6;
	s7 =	simm.s32 @p2 $0x1082  }
0x22: {  	[simem:s7], [sflag:s8] =	dma.local @!p0 [hbm:s6], $0xF7A  }
0x23: {  	s9 =	sor.u32 $0xD0000000, s2;
	s6 =	simm.s32 $0x108;
	_ =	swait.ge @!p0 [sflag:s8], $0x0  }
0x24: {  	s3 =	sadd.s32 $0x88, s3;
	s6 =	simm.s32 @!p1 $0x1082;
	[sflag:s4] =	ssyncset.s32 $0xFFFFF086  }
0x25: {  	[simem:s6], [sflag:s4] =	dma.local [hbm:s3], $0xF7A  }
0x26: {  	[smem:$0x3F9D] =	sst s1;
	(tag) =	ssettag s2;
	_ =	strace s9  }
0x27: {  	s1 =	sld [smem:$0x3FAD]  }
0x28: {  	s2 =	sld [smem:$0x3FAE]  }
0x29: {  	s4 =	sld [smem:$0x3FB0]  }
0x2a: {  	p0 =	seq.s32 s5, $0x0;
	s5 =	sld [smem:$0x3FB1]  }
0x2b: {  	s6 =	sld [smem:$0x3FB2]  }
0x2c: {  	s7 =	sld [smem:$0x3FB3]  }
0x2d: {  	s3 =	simm.s32 $0x108;
	s8 =	sld [smem:$0x3FB4]  }
0x2e: {  	s3 =	simm.s32 @!p0 $0x1082;
	s9 =	sld [smem:$0x3FB5]  }
0x2f: {  	lr =	sadd.s32 s0, s3;
	s0 =	sld [smem:$0x3FAC]  }
0x30: {  	s3 =	sld [smem:$0x3FAF]  }
0x31: {  	[smem:$0x3FB8] =	sst s10  }
0x32: {  	s10 =	sld [smem:$0x3FB6];
	_ =	sdelay $0x3  }
0x33: {  	p0 =	seq.s32 s10, $0x1;
	s10 =	sld [smem:$0x3FB8];
	_ =	sdelay $0x3  }
0x34: {  	[smem:$0x3FB8] =	sst s10  }
0x35: {  	s10 =	sld [smem:$0x3FB7];
	_ =	sdelay $0x3  }
0x36: {  	p1 =	seq.s32 s10, $0x1;
	s10 =	sld [smem:$0x3FB8];
	_ =	sdelay $0x3  }
0x37: {  	[smem:$0x3FB8] =	sst s10  }
0x38: {  	s10 =	sld [smem:$0x3FB9]  }
0x39: {  	_ = 	snop;
	(pc) =	sbr.ind lr, $3  }
0x3a: {  	_ = 	snop  }
0x3b: {  	_ = 	snop  }
0x3c: {  	p2 =	seq.s32 s10, $0x1;
	s10 =	sld [smem:$0x3FB8]  }
0x3d: {  	_ =	shalt  }
0x3e: {  	_ =	shalt  }
0x3f: {  	_ =	shalt  }
0x40: {  	_ =	shalt  }
0x41: {  	_ =	shalt  }
0x42: {  	_ =	shalt  }
0x43: {  	_ =	shalt  }
0x44: {  	_ =	shalt  }
0x45: {  	_ =	shalt  }
0x46: {  	_ =	shalt  }
0x47: {  	_ =	shalt  }
0x48: {  	_ =	shalt  }
0x49: {  	_ =	shalt  }
0x4a: {  	_ =	shalt  }
0x4b: {  	_ =	shalt  }
0x4c: {  	_ =	shalt  }
0x4d: {  	_ =	shalt  }
0x4e: {  	_ =	shalt  }
0x4f: {  	_ =	shalt  }
0x50: {  	_ =	shalt  }
0x51: {  	_ =	shalt  }
0x52: {  	_ =	shalt  }
0x53: {  	_ =	shalt  }
0x54: {  	_ =	shalt  }
0x55: {  	_ =	shalt  }
0x56: {  	_ =	shalt  }
0x57: {  	_ =	shalt  }
0x58: {  	_ =	shalt  }
0x59: {  	_ =	shalt  }
0x5a: {  	_ =	shalt  }
0x5b: {  	_ =	shalt  }
0x5c: {  	_ =	shalt  }
0x5d: {  	_ =	shalt  }
0x5e: {  	_ =	shalt  }
0x5f: {  	_ =	shalt  }
0x60: {  	_ =	shalt  }
0x61: {  	_ =	shalt  }
0x62: {  	_ =	shalt  }
0x63: {  	_ =	shalt  }
0x64: {  	_ =	shalt  }
0x65: {  	_ =	shalt  }
0x66: {  	_ =	shalt  }
0x67: {  	_ =	shalt  }
0x68: {  	_ =	shalt  }
0x69: {  	_ =	shalt  }
0x6a: {  	_ =	shalt  }
0x6b: {  	_ =	shalt  }
0x6c: {  	_ =	shalt  }
0x6d: {  	_ =	shalt  }
0x6e: {  	_ =	shalt  }
0x6f: {  	_ =	shalt  }
0x70: {  	_ =	shalt  }
0x71: {  	_ =	shalt  }
0x72: {  	_ =	shalt  }
0x73: {  	_ =	shalt  }
0x74: {  	_ =	shalt  }
0x75: {  	_ =	shalt  }
0x76: {  	_ =	shalt  }
0x77: {  	_ =	shalt  }
0x78: {  	_ =	shalt  }
0x79: {  	_ =	shalt  }
0x7a: {  	_ =	shalt  }
0x7b: {  	_ =	shalt  }
0x7c: {  	_ =	shalt  }
0x7d: {  	_ =	shalt  }
0x7e: {  	_ =	shalt  }
0x7f: {  	_ =	shalt  }
0x80: {  	_ =	shalt  }
0x81: {  	_ =	shalt  }
0x82: {  	_ =	shalt  }
0x83: {  	_ =	shalt  }
0x84: {  	_ =	shalt  }
0x85: {  	_ =	shalt  }
0x86: {  	_ =	shalt  }
0x87: {  	_ =	shalt  }
.Lfunc_end0:
.L_simem_size_0:
called_computation_lowered:
.L_overlay_start_0:
0x88: {  	s2 =	sld [smem:$0x3FD9]  }
0x89: {  	s3 =	sld [smem:$0x3FFE];
	_ =	sdelay $0x1  }
0x8a: {  	s1 =	srdreg.scid  }
0x8b: {  	s0 =	sand.u32 $0x1, s1  }
0x8c: {  	s17 =	sshll.u32 s0, $0xA;
	s2 =	sadd.s32 s3, s2  }
0x8d: {  	s2 =	sadd.s32 s2, s17  }
0x8e: {  	[smem:$0x3FC4] =	sst s2  }
0x8f: {  	_ = 	snop  }
0x90: {  	s2 =	sld [smem:$0x3FD0];
	(tm) =	ssettm $0x1  }
0x91: {  	s18 =	sld [smem:$0x3FFB];
	_ =	sdelay $0x3  }
0x92: {  	_ =	strace s18  }
0x93: {  	s3 =	sld [smem:$0x3FFC];
	_ =	sdelay $0x3  }
0x94: {  	_ =	strace s3  }
0x95: {  	s3 =	sld [smem:$0x3FFD];
	_ =	sdelay $0x3  }
0x96: {  	_ =	strace s3  }
0x97: {  	_ =	strace $0x8FFFFFFF  }
0x98: {  	s19 =	sld [smem:$0x3FDB];
	_ =	sdelay $0x1  }
0x99: {  	s4 =	simm.s32 $_scs_section_size  }
0x9a: {  	s5 =	simm.s32 $_size__tile_overlayer_lowered;
	s6 =	simm.s32 $_tile_overlayer_lowered  }
0x9b: {  	s22 =	simm.s32 $0x1BFF;
	s21 =	sshll.u32 s6, $0x1;
	s3 =	sadd.s32 s4, s19  }
0x9c: {  	s7 =	simm.s32 $0x0;
	s20 =	sshll.u32 s5, $0x1;
	s5 =	sadd.s32 s21, s3  }
0x9d: {  	[timem:s7], [sflag:s22] =	dma.local [hbm:s5], s20  }
0x9e: {  	_ =	swait.ge [sflag:s22], s20  }
0x9f: {  	s4 =	ssub.s32 $0x0, s20;
	[sflag:s22] =	ssyncset.done $0x0  }
0xa0: {  	[sflag:s22] =	ssyncadd.s32 s4;
	_ =	sdelay $0x1  }
0xa1: {  	s23 =	simm.s32 $0x1B8B  }
0xa2: {  	_ =	swait.ge [sflag:s23], $0x1  }
0xa3: {  	[sflag:s23] =	ssyncset.done $0x0  }
0xa4: {  	s25 =	simm.s32 $0x1B8E;
	s24 =	sld [smem:$0x3FFE];
	[sflag:s23] =	ssyncadd.s32 $0xFFFFFFFF  }
0xa5: {  	s26 =	simm.s32 $execute0_lowered;
	[smem:$0x3FD2] =	sst s25  }
0xa6: {  	s5 =	sshll.u32 s26, $0x1;
	_ =	strace $0x80000046;
	[dreg:$0x1] =	wrdreg $0xFFFFFFFF  }
0xa7: {  	s28 =	simm.s32 $_size_execute0_lowered;
	s3 =	sadd.s32 s3, s5;
	[dreg:$0x0] =	wrdreg $0x0  }
0xa8: {  	s5 =	sshll.u32 s28, $0x1;
	[dreg:$0x2] =	wrdreg s3  }
0xa9: {  	[dreg:$0x3] =	wrdreg s5  }
0xaa: {  	[dreg:$0x4] =	wrdreg $0xC0  }
0xab: {  	_ =	task [dreg:s7], $0x5FFFF  }
0xac: {  	[dreg:$0x1] =	wrdreg $0xFFFFFFFF  }
0xad: {  	[dreg:$0x0] =	wrdreg $0x60  }
0xae: {  	[dreg:$0x2] =	wrdreg s24  }
0xaf: {  	[dreg:$0x3] =	wrdreg s2  }
0xb0: {  	[dreg:$0x4] =	wrdreg $0x9  }
0xb1: {  	_ =	task.clear_ibuf [dreg:s7], $0x5FFFF;
	_ =	strace $0x90000046  }
0xb2: {  	s29 =	simm.s32 $0x9;
	_ =	strace $0x80000048  }
0xb3: {  	_ =	swait.ge [sflag:s29], $0x1  }
0xb4: {  	[sflag:s29] =	ssyncadd.s32 $0xFFFFFFFF  }
0xb5: {  	_ =	strace $0x90000048  }
0xb6: {  	_ =	sfence  }
0xb7: {  	s30 =	sld [smem:$0x0];
	_ =	sdelay $0x2  }
0xb8: {  	s31 =	sshll.u32 s1, $0xD;
	s1 =	sshrl.u32 s1, $0x2  }
0xb9: {  	s3 =	sand.u32 $0x4000, s31;
	s1 =	sadd.s32 s1, s30  }
0xba: {  	s0 =	sor.u32 s3, s0;
	s1 =	sshll.u32 s1, $0x11  }
0xbb: {  	s0 =	sor.u32 s1, s0  }
0xbc: {  	s0 =	sadd.s32 $0x8F2B, s0  }
0xbd: {  	[sflag:s0] =	ssyncadd.remote.s32 $0x1  }
0xbe: {  	_ =	sfence.sel $0xFFFF  }
0xbf: {  	[dreg:$0x0] =	wrdreg $0xFFFFFFFF;
	(pc) =	sbr.abs _section_cstart, $3  }
0xc0: {  	[dreg:$0x1] =	wrdreg $0xFFFFFFFF  }
0xc1: {  	_ =	task.clear_ibuf [dreg:s7], $0x2FFFF;
	_ =	strace $0x9FFFFFFF  }
0xc2: {  	(tm) =	ssettm $0x7FFFFFFF  }
0xc3: {  	_ =	shalt  }
tec
execute0_lowered:
.L_overlay_start_1:
0x0: {  	(tag) =	ssettag $0x1  }
0x1: {  	s6 =	rddreg [dreg:$0x0]  }
0x2: {  	s7 =	rddreg [dreg:$0x1]  }
0x3: {  	s0 =	rddreg [dreg:$0x2]  }
0x4: {  	s2 =	simm.s32 $0x0;
	s3 =	srdreg.scid;
	s1 =	stileid.u32  }
0x5: {  	s13 =	simm.s32 $0x6800;
	s14 =	simm.s32 $0xA800;
	s15 =	simm.s32 $0xE800  }
0x6: {  	s16 =	simm.s32 $0x12800;
	s17 =	simm.s32 $0x1;
	s18 =	simm.s32 $0x16800  }
0x7: {  	s19 =	simm.s32 $0x17800;
	s20 =	simm.s32 $0x18800;
	s21 =	simm.s32 $0x0  }
0x8: {  	[smem:$0x7FF] =	sst s2;
	s5 =	sand.u32 $0x1, s3;
	s4 =	sshll.u32 s1, $0x1  }
0x9: {  	s3 =	sadd.s32 $0x1800, s6;
	_ =	strace $0x80000047;
	s8 =	sor.u32 s5, s4  }
0xa: {  	s4 =	sadd.s32 $0x82800, s6;
	s9 =	ssub.s32 $0x2, s5;
	s5 =	sadd.s32 $0x41800, s6  }
0xb: {  	s10 =	smul.u32 $0x500, s8;
	s11 =	sshll.u32 s8, $0x7;
	s12 =	sshrl.u32 s9, $0x1  }
0xc: {  	s11 =	sadd.s32 s11, s6;
	s9 =	ssub.s32 s9, s12;
	s12 =	simm.s32 $0x2800  }
0xd: {  	s6 =	sadd.s32 s7, s10;
	s7 =	sshll.u32 s8, $0xD;
	s8 =	sadd.s32 $0x81800, s11  }
0xe: {  	v0 =	vimm.f32 $0.0e+00;
	s9 =	smax.u32 s9, $0x1;
	s10 =	simm.s32 $0x2;
	s11 =	simm.s32 $0x80  }
.LBB2_1:
0xf: {  	[tilespmem:s2], [sflag:$0x2] =	stream.linear.gather [hbm4b:s6+s2], $0x2800, $0x38;
	[tilespmem:$0x18C00] =	vst v63  }
0x10: {  	_ =	swait.ge [sflag:s10], $0x2800  }
0x11: {  	v1 =	vimm.f32 $0.0e+00;
	[sflag:s10] =	ssyncset.done $0x0  }
0x12: {  	v2 =	vimm.f32 $0.0e+00;
	v3 =	vimm.f32 $0.0e+00;
	v4 =	vimm.f32 $0.0e+00;
	s22 =	simm.s32 $0x0;
	[sflag:s10] =	ssyncadd.s32 $0xFFFFD800  }
.LBB2_2:
0x13: {  	s23 =	smul.u32 $0xA00, s22;
	_ =	sdelay $0x1  }
0x14: {  	s23 =	sshra.s32 s23, $0x2  }
0x15: {  	[tilespmem:s12], [sflag:$0x1] =	stream.indirect.gather [hbm4b:s3+s11], $0x80, s23, s11, $0xb8;
	[tilespmem:$0x18C00] =	vst v63  }
0x16: {  	s24 =	sadd.s32 $0x80, s23  }
0x17: {  	[tilespmem:s13], [sflag:$0x1] =	stream.indirect.gather [hbm4b:s3+s11], $0x80, s24, s11, $0xb8;
	[tilespmem:$0x18C00] =	vst v63  }
0x18: {  	s30 =	sadd.s32 $0x100, s23  }
0x19: {  	[tilespmem:s14], [sflag:$0x1] =	stream.indirect.gather [hbm4b:s3+s11], $0x80, s30, s11, $0xb8;
	[tilespmem:$0x18C00] =	vst v63  }
0x1a: {  	s31 =	sadd.s32 $0x180, s23  }
0x1b: {  	[tilespmem:s15], [sflag:$0x1] =	stream.indirect.gather [hbm4b:s3+s11], $0x80, s31, s11, $0xb8;
	[tilespmem:$0x18C00] =	vst v63  }
0x1c: {  	s23 =	sadd.s32 $0x200, s23  }
0x1d: {  	[tilespmem:s16], [sflag:$0x1] =	stream.indirect.gather [hbm4b:s3+s11], $0x80, s23, s11, $0xb8;
	[tilespmem:$0x18C00] =	vst v63  }
0x1e: {  	_ =	swait.ge [sflag:s17], $0x4000  }
0x1f: {  	[sflag:s17] =	ssyncset.done $0x0  }
0x20: {  	[sflag:s17] =	ssyncadd.s32 $0xFFFFC000  }
0x21: {  	_ =	swait.ge [sflag:s17], $0x4000  }
0x22: {  	[sflag:s17] =	ssyncset.done $0x0  }
0x23: {  	[sflag:s17] =	ssyncadd.s32 $0xFFFFC000  }
0x24: {  	_ =	swait.ge [sflag:s17], $0x4000  }
0x25: {  	[sflag:s17] =	ssyncset.done $0x0  }
0x26: {  	[sflag:s17] =	ssyncadd.s32 $0xFFFFC000  }
0x27: {  	_ =	swait.ge [sflag:s17], $0x4000  }
0x28: {  	[sflag:s17] =	ssyncset.done $0x0  }
0x29: {  	[sflag:s17] =	ssyncadd.s32 $0xFFFFC000  }
0x2a: {  	_ =	swait.ge [sflag:s17], $0x4000  }
0x2b: {  	[sflag:s17] =	ssyncset.done $0x0  }
0x2c: {  	s24 =	simm.s32 $0x2D00;
	s23 =	simm.s32 $0x0;
	[sflag:s17] =	ssyncadd.s32 $0xFFFFC000  }
.LBB2_3:
0x2d: {  	v5 =	vld [tilespmem:s24+$0xFFFFFB00]  }
0x2e: {  	v6 =	vld [tilespmem:s24+$0xFFFFFB10]  }
0x2f: {  	v7 =	vld [tilespmem:s24+$0xFFFFFB20]  }
0x30: {  	v8 =	vld [tilespmem:s24+$0xFFFFFB30]  }
0x31: {  	v10 =	vld [tilespmem:s24+$0xFFFFFB80]  }
0x32: {  	v13 =	vld [tilespmem:s24+$0xFFFFFB90]  }
0x33: {  	v15 =	vld [tilespmem:s24+$0xFFFFFBA0]  }
0x34: {  	v16 =	vld [tilespmem:s24+$0xFFFFFBB0]  }
0x35: {  	v19 =	vld [tilespmem:s24+$0xFFFFFC00]  }
0x36: {  	v48 =	vld [tilespmem:s24+$0xFFFFFC10]  }
0x37: {  	v50 =	vld [tilespmem:s24+$0xFFFFFC20]  }
0x38: {  	v52 =	vld [tilespmem:s24+$0xFFFFFC30]  }
0x39: {  	v55 =	vld [tilespmem:s24+$0xFFFFFC80]  }
0x3a: {  	v57 =	vld [tilespmem:s24+$0xFFFFFC90]  }
0x3b: {  	v59 =	vld [tilespmem:s24+$0xFFFFFCA0]  }
0x3c: {  	v62 =	vld [tilespmem:s24+$0xFFFFFCB0]  }
0x3d: {  	v21 =	vld [tilespmem:s24+$0xFFFFFD00]  }
0x3e: {  	v23 =	vld [tilespmem:s24+$0xFFFFFD10];
	v9 =	vmul.f32 v5, v5;
	v12 =	vmul.f32 v6, v6  }
0x3f: {  	v25 =	vld [tilespmem:s24+$0xFFFFFD20];
	v14 =	vmul.f32 v7, v7;
	v46 =	vmul.f32 v8, v8  }
0x40: {  	v27 =	vld [tilespmem:s24+$0xFFFFFD30];
	v18 =	vmul.f32 v10, v10;
	v47 =	vmul.f32 v13, v13  }
0x41: {  	v29 =	vld [tilespmem:s24+$0xFFFFFD80];
	v11 =	vmax.f32 v5, $-3.399999950e+38;
	v49 =	vmul.f32 v15, v15;
	v51 =	vmul.f32 v16, v16  }
0x42: {  	v31 =	vld [tilespmem:s24+$0xFFFFFD90];
	v5 =	vadd.f32 $0.0e+00, v5;
	v54 =	vmul.f32 v19, v19;
	v56 =	vmul.f32 v48, v48  }
0x43: {  	v33 =	vld [tilespmem:s24+$0xFFFFFDA0];
	v44 =	vmax.f32 v6, $-3.399999950e+38;
	v58 =	vmul.f32 v50, v50;
	v60 =	vmul.f32 v52, v52  }
0x44: {  	v35 =	vld [tilespmem:s24+$0xFFFFFDB0];
	v6 =	vadd.f32 $0.0e+00, v6;
	v63 =	vmul.f32 v55, v55;
	v22 =	vmul.f32 v57, v57  }
0x45: {  	v45 =	vmax.f32 v7, $-3.399999950e+38;
	v24 =	vmul.f32 v59, v59;
	v26 =	vmul.f32 v62, v62  }
0x46: {  	v7 =	vadd.f32 $0.0e+00, v7;
	v28 =	vmul.f32 v21, v21;
	v30 =	vmul.f32 v23, v23  }
0x47: {  	v17 =	vmax.f32 v8, $-3.399999950e+38;
	v32 =	vmul.f32 v25, v25;
	v34 =	vmul.f32 v27, v27  }
0x48: {  	v37 =	vld [tilespmem:s24+$0xFFFFFE00];
	v8 =	vadd.f32 $0.0e+00, v8;
	v36 =	vmul.f32 v29, v29;
	v38 =	vmul.f32 v31, v31  }
0x49: {  	v39 =	vld [tilespmem:s24+$0xFFFFFE10];
	v40 =	vmul.f32 v33, v33;
	v42 =	vmul.f32 v35, v35;
	v4 =	vadd.f32 v9, v4  }
0x4a: {  	v11 =	vmax.f32 v11, v10;
	v3 =	vadd.f32 v12, v3;
	v2 =	vadd.f32 v14, v2  }
0x4b: {  	v53 =	vmax.f32 v17, v16;
	v1 =	vadd.f32 v46, v1;
	v5 =	vadd.f32 v10, v5  }
0x4c: {  	v9 =	vmax.f32 v44, v13;
	v6 =	vadd.f32 v13, v6;
	v12 =	vmax.f32 v45, v15  }
0x4d: {  	v7 =	vadd.f32 v15, v7;
	v8 =	vadd.f32 v16, v8;
	v11 =	vmax.f32 v11, v19  }
0x4e: {  	v41 =	vld [tilespmem:s24+$0xFFFFFE20];
	v61 =	vmax.f32 v53, v52;
	v44 =	vmul.f32 v37, v37;
	v46 =	vmul.f32 v39, v39  }
0x4f: {  	v43 =	vld [tilespmem:s24+$0xFFFFFE30];
	v9 =	vmax.f32 v9, v48;
	v4 =	vadd.f32 v18, v4;
	v3 =	vadd.f32 v47, v3  }
0x50: {  	v12 =	vmax.f32 v12, v50;
	v2 =	vadd.f32 v49, v2;
	v1 =	vadd.f32 v51, v1  }
0x51: {  	v11 =	vmax.f32 v11, v55;
	v5 =	vadd.f32 v19, v5;
	v6 =	vadd.f32 v48, v6  }
0x52: {  	v10 =	vmax.f32 v61, v62;
	v7 =	vadd.f32 v50, v7;
	v8 =	vadd.f32 v52, v8  }
0x53: {  	v9 =	vmax.f32 v9, v57;
	v12 =	vmax.f32 v12, v59;
	v11 =	vmax.f32 v11, v21  }
0x54: {  	v10 =	vmax.f32 v10, v27;
	v48 =	vmul.f32 v41, v41;
	v50 =	vmul.f32 v43, v43  }
0x55: {  	v9 =	vmax.f32 v9, v23;
	v4 =	vadd.f32 v54, v4;
	v3 =	vadd.f32 v56, v3  }
0x56: {  	v45 =	vld [tilespmem:s24+$0xFFFFFE80];
	v12 =	vmax.f32 v12, v25;
	v2 =	vadd.f32 v58, v2;
	v1 =	vadd.f32 v60, v1  }
0x57: {  	v11 =	vmax.f32 v11, v29;
	v5 =	vadd.f32 v55, v5;
	v6 =	vadd.f32 v57, v6  }
0x58: {  	v53 =	vld [tilespmem:s24+$0xFFFFFF00];
	v10 =	vmax.f32 v10, v35;
	v7 =	vadd.f32 v59, v7;
	v8 =	vadd.f32 v62, v8  }
0x59: {  	v61 =	vld [tilespmem:s24+$0xFFFFFF80];
	v9 =	vmax.f32 v9, v31;
	v12 =	vmax.f32 v12, v33;
	v11 =	vmax.f32 v11, v37  }
0x5a: {  	v47 =	vld [tilespmem:s24+$0xFFFFFE90];
	v10 =	vmax.f32 v10, v43;
	v9 =	vmax.f32 v9, v39;
	v12 =	vmax.f32 v12, v41  }
0x5b: {  	v49 =	vld [tilespmem:s24+$0xFFFFFEA0];
	v52 =	vmul.f32 v45, v45;
	v4 =	vadd.f32 v63, v4;
	v3 =	vadd.f32 v22, v3  }
0x5c: {  	v51 =	vld [tilespmem:s24+$0xFFFFFEB0];
	v11 =	vmax.f32 v11, v45;
	v2 =	vadd.f32 v24, v2;
	v1 =	vadd.f32 v26, v1  }
0x5d: {  	v60 =	vmul.f32 v53, v53;
	v5 =	vadd.f32 v21, v5;
	v6 =	vadd.f32 v23, v6  }
0x5e: {  	v7 =	vadd.f32 v25, v7;
	v8 =	vadd.f32 v27, v8;
	v11 =	vmax.f32 v11, v53  }
0x5f: {  	v55 =	vld [tilespmem:s24+$0xFFFFFF10];
	v25 =	vmul.f32 v61, v61;
	v54 =	vmul.f32 v47, v47;
	v9 =	vmax.f32 v9, v47  }
0x60: {  	v57 =	vld [tilespmem:s24+$0xFFFFFF20];
	v56 =	vmul.f32 v49, v49;
	v12 =	vmax.f32 v12, v49;
	v4 =	vadd.f32 v28, v4  }
0x61: {  	v58 =	vmul.f32 v51, v51;
	v3 =	vadd.f32 v30, v3;
	v2 =	vadd.f32 v32, v2  }
0x62: {  	v59 =	vld [tilespmem:s24+$0xFFFFFF30];
	v10 =	vmax.f32 v10, v51;
	v1 =	vadd.f32 v34, v1;
	v5 =	vadd.f32 v29, v5  }
0x63: {  	v63 =	vld [tilespmem:s24+$0xFFFFFF90];
	v11 =	vmax.f32 v11, v61;
	v6 =	vadd.f32 v31, v6;
	v7 =	vadd.f32 v33, v7  }
0x64: {  	v22 =	vld [tilespmem:s24+$0xFFFFFFA0];
	v8 =	vadd.f32 v35, v8;
	v62 =	vmul.f32 v55, v55;
	v9 =	vmax.f32 v9, v55  }
0x65: {  	v24 =	vld [tilespmem:s24+$0xFFFFFFB0];
	v21 =	vmul.f32 v57, v57;
	v4 =	vadd.f32 v36, v4;
	v3 =	vadd.f32 v38, v3  }
0x66: {  	v12 =	vmax.f32 v12, v57;
	v2 =	vadd.f32 v40, v2;
	v1 =	vadd.f32 v42, v1  }
0x67: {  	v26 =	vld [tilespmem:s24+$0x0];
	v23 =	vmul.f32 v59, v59;
	v5 =	vadd.f32 v37, v5;
	v6 =	vadd.f32 v39, v6  }
0x68: {  	v28 =	vld [tilespmem:s24+$0x10];
	v10 =	vmax.f32 v10, v59;
	v7 =	vadd.f32 v41, v7;
	v8 =	vadd.f32 v43, v8  }
0x69: {  	v30 =	vld [tilespmem:s24+$0x20];
	v27 =	vmul.f32 v63, v63;
	v9 =	vmax.f32 v9, v63;
	v29 =	vmul.f32 v22, v22  }
0x6a: {  	v32 =	vld [tilespmem:s24+$0x30];
	v12 =	vmax.f32 v12, v22;
	v31 =	vmul.f32 v24, v24;
	v4 =	vadd.f32 v44, v4  }
0x6b: {  	v10 =	vmax.f32 v10, v24;
	v3 =	vadd.f32 v46, v3;
	v2 =	vadd.f32 v48, v2  }
0x6c: {  	v34 =	vld [tilespmem:s24+$0x80];
	v33 =	vmul.f32 v26, v26;
	v1 =	vadd.f32 v50, v1;
	v5 =	vadd.f32 v45, v5  }
0x6d: {  	v11 =	vmax.f32 v11, v26;
	v6 =	vadd.f32 v47, v6;
	v7 =	vadd.f32 v49, v7  }
0x6e: {  	v36 =	vld [tilespmem:s24+$0x90];
	v8 =	vadd.f32 v51, v8;
	v35 =	vmul.f32 v28, v28;
	v9 =	vmax.f32 v9, v28  }
0x6f: {  	v38 =	vld [tilespmem:s24+$0xA0];
	v37 =	vmul.f32 v30, v30;
	v12 =	vmax.f32 v12, v30;
	v39 =	vmul.f32 v32, v32  }
0x70: {  	v40 =	vld [tilespmem:s24+$0xB0];
	v10 =	vmax.f32 v10, v32;
	v4 =	vadd.f32 v52, v4;
	v3 =	vadd.f32 v54, v3  }
0x71: {  	v41 =	vmul.f32 v34, v34;
	v2 =	vadd.f32 v56, v2;
	v1 =	vadd.f32 v58, v1  }
0x72: {  	v42 =	vld [tilespmem:s24+$0x100];
	v11 =	vmax.f32 v11, v34;
	v5 =	vadd.f32 v53, v5;
	v6 =	vadd.f32 v55, v6  }
0x73: {  	v44 =	vld [tilespmem:s24+$0x110];
	v7 =	vadd.f32 v57, v7;
	v8 =	vadd.f32 v59, v8;
	v43 =	vmul.f32 v36, v36  }
0x74: {  	v46 =	vld [tilespmem:s24+$0x120];
	v9 =	vmax.f32 v9, v36;
	v45 =	vmul.f32 v38, v38;
	v12 =	vmax.f32 v12, v38  }
0x75: {  	v48 =	vld [tilespmem:s24+$0x130];
	v47 =	vmul.f32 v40, v40;
	v4 =	vadd.f32 v60, v4;
	v3 =	vadd.f32 v62, v3  }
0x76: {  	v10 =	vmax.f32 v10, v40;
	v2 =	vadd.f32 v21, v2;
	v1 =	vadd.f32 v23, v1  }
0x77: {  	v50 =	vld [tilespmem:s24+$0x180];
	v49 =	vmul.f32 v42, v42;
	v5 =	vadd.f32 v61, v5;
	v6 =	vadd.f32 v63, v6  }
0x78: {  	v52 =	vld [tilespmem:s24+$0x190];
	v11 =	vmax.f32 v11, v42;
	v7 =	vadd.f32 v22, v7;
	v8 =	vadd.f32 v24, v8  }
0x79: {  	v54 =	vld [tilespmem:s24+$0x1A0];
	v51 =	vmul.f32 v44, v44;
	v9 =	vmax.f32 v9, v44;
	v53 =	vmul.f32 v46, v46  }
0x7a: {  	v56 =	vld [tilespmem:s24+$0x1B0];
	v12 =	vmax.f32 v12, v46;
	v55 =	vmul.f32 v48, v48;
	v4 =	vadd.f32 v25, v4  }
0x7b: {  	v10 =	vmax.f32 v10, v48;
	v3 =	vadd.f32 v27, v3;
	v2 =	vadd.f32 v29, v2  }
0x7c: {  	v58 =	vld [tilespmem:s24+$0x200];
	v57 =	vmul.f32 v50, v50;
	v1 =	vadd.f32 v31, v1;
	v5 =	vadd.f32 v26, v5  }
0x7d: {  	v11 =	vmax.f32 v11, v50;
	v6 =	vadd.f32 v28, v6;
	v7 =	vadd.f32 v30, v7  }
0x7e: {  	v60 =	vld [tilespmem:s24+$0x210];
	v8 =	vadd.f32 v32, v8;
	v59 =	vmul.f32 v52, v52;
	v9 =	vmax.f32 v9, v52  }
0x7f: {  	v62 =	vld [tilespmem:s24+$0x220];
	v61 =	vmul.f32 v54, v54;
	v12 =	vmax.f32 v12, v54;
	v63 =	vmul.f32 v56, v56  }
0x80: {  	v21 =	vld [tilespmem:s24+$0x230];
	v10 =	vmax.f32 v10, v56;
	v4 =	vadd.f32 v33, v4;
	v3 =	vadd.f32 v35, v3  }
0x81: {  	v22 =	vmul.f32 v58, v58;
	v2 =	vadd.f32 v37, v2;
	v1 =	vadd.f32 v39, v1  }
0x82: {  	v23 =	vld [tilespmem:s24+$0x280];
	v11 =	vmax.f32 v11, v58;
	v5 =	vadd.f32 v34, v5;
	v6 =	vadd.f32 v36, v6  }
0x83: {  	v25 =	vld [tilespmem:s24+$0x290];
	v7 =	vadd.f32 v38, v7;
	v8 =	vadd.f32 v40, v8;
	v24 =	vmul.f32 v60, v60  }
0x84: {  	v27 =	vld [tilespmem:s24+$0x2A0];
	v9 =	vmax.f32 v9, v60;
	v26 =	vmul.f32 v62, v62;
	v12 =	vmax.f32 v12, v62  }
0x85: {  	v29 =	vld [tilespmem:s24+$0x2B0];
	v28 =	vmul.f32 v21, v21;
	v4 =	vadd.f32 v41, v4;
	v3 =	vadd.f32 v43, v3  }
0x86: {  	v10 =	vmax.f32 v10, v21;
	v2 =	vadd.f32 v45, v2;
	v1 =	vadd.f32 v47, v1  }
0x87: {  	v31 =	vld [tilespmem:s24+$0x300];
	v30 =	vmul.f32 v23, v23;
	v5 =	vadd.f32 v42, v5;
	v6 =	vadd.f32 v44, v6  }
0x88: {  	v20 =	vld [tilespmem:s24+$0x400];
	v11 =	vmax.f32 v11, v23;
	v7 =	vadd.f32 v46, v7;
	v8 =	vadd.f32 v48, v8  }
0x89: {  	v33 =	vld [tilespmem:s24+$0x310];
	v32 =	vmul.f32 v25, v25;
	v9 =	vmax.f32 v9, v25;
	v34 =	vmul.f32 v27, v27  }
0x8a: {  	v35 =	vld [tilespmem:s24+$0x320];
	v12 =	vmax.f32 v12, v27;
	v36 =	vmul.f32 v29, v29;
	v4 =	vadd.f32 v49, v4  }
0x8b: {  	v10 =	vmax.f32 v10, v29;
	v3 =	vadd.f32 v51, v3;
	v2 =	vadd.f32 v53, v2  }
0x8c: {  	v37 =	vld [tilespmem:s24+$0x330];
	v38 =	vmul.f32 v31, v31;
	v1 =	vadd.f32 v55, v1;
	v5 =	vadd.f32 v50, v5  }
0x8d: {  	v11 =	vmax.f32 v11, v31;
	v6 =	vadd.f32 v52, v6;
	v7 =	vadd.f32 v54, v7  }
0x8e: {  	v39 =	vld [tilespmem:s24+$0x380];
	v8 =	vadd.f32 v56, v8;
	v53 =	vmul.f32 v20, v20;
	v40 =	vmul.f32 v33, v33  }
0x8f: {  	v9 =	vmax.f32 v9, v33;
	v42 =	vmul.f32 v35, v35;
	v4 =	vadd.f32 v57, v4  }
0x90: {  	v12 =	vmax.f32 v12, v35;
	v3 =	vadd.f32 v59, v3;
	v2 =	vadd.f32 v61, v2  }
0x91: {  	v41 =	vld [tilespmem:s24+$0x390];
	v44 =	vmul.f32 v37, v37;
	v1 =	vadd.f32 v63, v1;
	v5 =	vadd.f32 v58, v5  }
0x92: {  	v10 =	vmax.f32 v10, v37;
	v6 =	vadd.f32 v60, v6;
	v7 =	vadd.f32 v62, v7  }
0x93: {  	v43 =	vld [tilespmem:s24+$0x3A0];
	v46 =	vmul.f32 v39, v39;
	v8 =	vadd.f32 v21, v8;
	v4 =	vadd.f32 v22, v4  }
0x94: {  	v11 =	vmax.f32 v11, v39;
	v3 =	vadd.f32 v24, v3;
	v2 =	vadd.f32 v26, v2  }
0x95: {  	v45 =	vld [tilespmem:s24+$0x3B0];
	v11 =	vmax.f32 v11, v20;
	v1 =	vadd.f32 v28, v1;
	v5 =	vadd.f32 v23, v5  }
0x96: {  	v47 =	vmul.f32 v41, v41;
	v6 =	vadd.f32 v25, v6;
	v7 =	vadd.f32 v27, v7  }
0x97: {  	v48 =	vld [tilespmem:s24+$0x410];
	v9 =	vmax.f32 v9, v41;
	v8 =	vadd.f32 v29, v8;
	v4 =	vadd.f32 v30, v4  }
0x98: {  	v49 =	vmul.f32 v43, v43;
	v3 =	vadd.f32 v32, v3;
	v2 =	vadd.f32 v34, v2  }
0x99: {  	v50 =	vld [tilespmem:s24+$0x420];
	v12 =	vmax.f32 v12, v43;
	v1 =	vadd.f32 v36, v1;
	v5 =	vadd.f32 v31, v5  }
0x9a: {  	v52 =	vld [tilespmem:s24+$0x480];
	v51 =	vmul.f32 v45, v45;
	v6 =	vadd.f32 v33, v6;
	v7 =	vadd.f32 v35, v7  }
0x9b: {  	v10 =	vmax.f32 v10, v45;
	v8 =	vadd.f32 v37, v8;
	v4 =	vadd.f32 v38, v4  }
0x9c: {  	v55 =	vld [tilespmem:s24+$0x430];
	v15 =	vmul.f32 v48, v48;
	v3 =	vadd.f32 v40, v3;
	v2 =	vadd.f32 v42, v2  }
0x9d: {  	v56 =	vld [tilespmem:s24+$0x4A0];
	v9 =	vmax.f32 v9, v48;
	v1 =	vadd.f32 v44, v1;
	v5 =	vadd.f32 v39, v5  }
0x9e: {  	v54 =	vld [tilespmem:s24+$0x490];
	v57 =	vmul.f32 v50, v50;
	v6 =	vadd.f32 v41, v6;
	v7 =	vadd.f32 v43, v7  }
0x9f: {  	v11 =	vmax.f32 v11, v52;
	v8 =	vadd.f32 v45, v8;
	v4 =	vadd.f32 v46, v4  }
0xa0: {  	v58 =	vld [tilespmem:s24+$0x4B0];
	v12 =	vmax.f32 v12, v50;
	v3 =	vadd.f32 v47, v3;
	v5 =	vadd.f32 v20, v5  }
0xa1: {  	s25 =	sshra.s32 s23, $0x2;
	v59 =	vmul.f32 v55, v55;
	v2 =	vadd.f32 v49, v2;
	v6 =	vadd.f32 v48, v6  }
0xa2: {  	[tilespmem:s25+$0x16800] =	vst v11;
	v60 =	vmax.f32 v12, v56;
	v7 =	vadd.f32 v50, v7;
	v5 =	vadd.f32 v52, v5  }
0xa3: {  	v61 =	vmul.f32 v54, v54;
	[tilespmem:s25+$0x16820] =	vst v60;
	v1 =	vadd.f32 v51, v1;
	v6 =	vadd.f32 v54, v6  }
0xa4: {  	p0 =	sne.s32 s23, $0x3E00;
	v62 =	vmul.f32 v56, v56;
	v8 =	vadd.f32 v55, v8;
	v7 =	vadd.f32 v56, v7;
	[tilespmem:s25+$0x17800] =	vst v5  }
.Ltmp0:
0xa5: {  	v63 =	vmul.f32 v58, v58;
	v4 =	vadd.f32 v53, v4;
	v3 =	vadd.f32 v15, v3;
	[tilespmem:s25+$0x17810] =	vst v6;
	(pc) =	sbr.rel @p0 .LBB2_3-.Ltmp0, $4  }
0xa6: {  	v2 =	vadd.f32 v57, v2;
	v8 =	vadd.f32 v58, v8;
	v5 =	vmax.f32 v9, v54;
	[tilespmem:s25+$0x17820] =	vst v7  }
0xa7: {  	v1 =	vadd.f32 v59, v1;
	v6 =	vmul.f32 v52, v52;
	[tilespmem:s25+$0x16810] =	vst v5;
	v5 =	vmax.f32 v10, v55  }
0xa8: {  	v3 =	vadd.f32 v61, v3;
	v2 =	vadd.f32 v62, v2;
	[tilespmem:s25+$0x17830] =	vst v8;
	v5 =	vmax.f32 v5, v58  }
0xa9: {  	s23 =	sadd.s32 $0x200, s23;
	s24 =	sadd.s32 $0xA00, s24;
	v1 =	vadd.f32 v63, v1;
	v4 =	vadd.f32 v6, v4;
	[tilespmem:s25+$0x16830] =	vst v5  }
0xaa: {  	s23 =	sshll.u32 s22, $0x9  }
0xab: {  	s23 =	sadd.s32 s7, s23  }
0xac: {  	s24 =	sadd.s32 s4, s23  }
0xad: {  	[hbm4b:s24+s2] =	stream.linear.scatter [tilespmem:s18], [sflag:$0x2], $0x1000, $0x38;
	[tilespmem:$0x18C00] =	vst v63  }
0xae: {  	s22 =	sadd.s32 $0x1, s22;
	_ =	swait.ge [sflag:s10], $0x1000  }
0xaf: {  	p0 =	sne.s32 s22, $0x10;
	[sflag:s10] =	ssyncset.done $0x0  }
.Ltmp1:
0xb0: {  	s23 =	sadd.s32 s5, s23;
	[sflag:s10] =	ssyncadd.s32 $0xFFFFF000;
	(pc) =	sbr.rel @p0 .LBB2_2-.Ltmp1, $4  }
0xb1: {  	[hbm4b:s23+s2] =	stream.linear.scatter [tilespmem:s19], [sflag:$0x2], $0x1000, $0x38;
	[tilespmem:$0x18C00] =	vst v63  }
0xb2: {  	_ =	swait.ge [sflag:s10], $0x1000  }
0xb3: {  	[sflag:s10] =	ssyncset.done $0x0  }
0xb4: {  	[sflag:s10] =	ssyncadd.s32 $0xFFFFF000  }
0xb5: {  	[tilespmem:$0x18800] =	vst v4  }
0xb6: {  	[tilespmem:$0x18810] =	vst v3  }
0xb7: {  	[tilespmem:$0x18820] =	vst v2  }
0xb8: {  	[tilespmem:$0x18830] =	vst v1  }
0xb9: {  	[tilespmem:$0x18880] =	vst v0  }
0xba: {  	[tilespmem:$0x18890] =	vst v0  }
0xbb: {  	[tilespmem:$0x188A0] =	vst v0  }
0xbc: {  	[tilespmem:$0x188B0] =	vst v0  }
0xbd: {  	[tilespmem:$0x18900] =	vst v0  }
0xbe: {  	[tilespmem:$0x18910] =	vst v0  }
0xbf: {  	[tilespmem:$0x18920] =	vst v0  }
0xc0: {  	[tilespmem:$0x18930] =	vst v0  }
0xc1: {  	[tilespmem:$0x18980] =	vst v0  }
0xc2: {  	[tilespmem:$0x18990] =	vst v0  }
0xc3: {  	[tilespmem:$0x189A0] =	vst v0  }
0xc4: {  	[tilespmem:$0x189B0] =	vst v0  }
0xc5: {  	[tilespmem:$0x18A00] =	vst v0  }
0xc6: {  	[tilespmem:$0x18A10] =	vst v0  }
0xc7: {  	[tilespmem:$0x18A20] =	vst v0  }
0xc8: {  	[tilespmem:$0x18A30] =	vst v0  }
0xc9: {  	[tilespmem:$0x18A80] =	vst v0  }
0xca: {  	[tilespmem:$0x18A90] =	vst v0  }
0xcb: {  	[tilespmem:$0x18AA0] =	vst v0  }
0xcc: {  	[tilespmem:$0x18AB0] =	vst v0  }
0xcd: {  	[tilespmem:$0x18B00] =	vst v0  }
0xce: {  	[tilespmem:$0x18B10] =	vst v0  }
0xcf: {  	[tilespmem:$0x18B20] =	vst v0  }
0xd0: {  	[tilespmem:$0x18B30] =	vst v0  }
0xd1: {  	[tilespmem:$0x18B80] =	vst v0  }
0xd2: {  	[tilespmem:$0x18B90] =	vst v0;
	s21 =	sadd.s32 $0x1, s21  }
0xd3: {  	[tilespmem:$0x18BA0] =	vst v0;
	p0 =	sne.s32 s21, s9  }
.Ltmp2:
0xd4: {  	[tilespmem:$0x18BB0] =	vst v0;
	(pc) =	sbr.rel @p0 .LBB2_1-.Ltmp2, $4  }
0xd5: {  	[hbm4b:s8+s2] =	stream.linear.scatter [tilespmem:s20], [sflag:$0x2], $0x400, $0x38;
	[tilespmem:$0x18C00] =	vst v63  }
0xd6: {  	_ =	swait.ge [sflag:s10], $0x400  }
0xd7: {  	[sflag:s10] =	ssyncset.done $0x0  }
0xd8: {  	[sflag:s10] =	ssyncadd.s32 $0xFFFFFC00  }
0xd9: {  	_ =	sfence.sel $0x180000  }
0xda: {  	[bflag:$0x0] =	sbarrier.arrive $0xFFFF  }
0xdb: {  	p0 =	sne.s32 s1, $0x0;
	_ =	strace $0x90000047  }
0xdc: {  	s0 =	sadd.s32 @!p0 $0x100000, s0;
	[bflag:$0x2] =	sbarrier.arrive $0xFFFF  }
0xdd: {  	[sflag:s0] =	ssyncadd.tile.s32 @!p0 $0x1;
	_ =	shalt  }
.Lfunc_end2:
_tile_overlayer_lowered:
.L_overlay_start_2:
0xde: {  	(tag) =	ssettag $0x2  }
0xdf: {  	s0 =	rddreg [dreg:$0x0];
	s2 =	stileid.u32  }
0xe0: {  	s1 =	rddreg [dreg:$0x1];
	p0 =	sne.s32 s2, $0x0  }
0xe1: {  	s3 =	rddreg [dreg:$0x2];
	[bflag:$0x3] =	sbarrier.arrive $0xFFFF;
	s2 =	simm.s32 @!p0 $0x1C02  }
0xe2: {  	[timem:s3], [sflag:s2] =	dma.local @!p0 [hbm:s0], s1  }
0xe3: {  	s0 =	simm.s32 @!p0 $0x2  }
0xe4: {  	_ =	swait.ge @!p0 [sflag:s0], s1  }
0xe5: {  	s1 =	ssub.s32 @!p0 $0x0, s1;
	[sflag:s0] =	ssyncset.done @!p0 $0x0  }
0xe6: {  	[sflag:s0] =	ssyncadd.s32 @!p0 s1  }
0xe7: {  	[bflag:$0x3] =	sbarrier.arrive $0xFFFF  }
0xe8: {  	_ =	shalt  }

</sc_bundles>
